<compile_context>
chip_gen: v7x
topology: tpu7x:2x2x1
jax: 0.10.2.dev20260603
libtpu: 0.0.44.dev20260713+nightly
codegen_flags: <defaults>
</compile_context>

<pallas_src>
import functools
import jax
import jax.numpy as jnp
from jax import lax
from jax.experimental import pallas as pl
from jax.experimental.pallas import tpu as pltpu
from jax.experimental.pallas import tpu_sc as plsc

D_H = 128
CHUNK = 128
NC, NS = 2, 16
NW = NC * NS
LANES = 16


def _make_sc_segment_sum(n_nodes, e_pad):
  assert e_pad % (NS * CHUNK) == 0
  chunks_per_tile = e_pad // (NS * CHUNK)
  assert chunks_per_tile % 2 == 0
  npairs = chunks_per_tile // 2
  rows_per_tile = ((n_nodes + NS - 1) // NS + 7) // 8 * 8
  n_pad = rows_per_tile * NS
  last_rows = n_nodes - (NS - 1) * rows_per_tile
  assert 0 < last_rows <= rows_per_tile and last_rows % 8 == 0
  DF = D_H // 2
  full_zero_chunks = rows_per_tile // CHUNK
  rem_zero = rows_per_tile % CHUNK
  edges_per_tile = chunks_per_tile * CHUNK
  mesh = plsc.VectorSubcoreMesh(core_axis_name="c", subcore_axis_name="s",
                                num_cores=NC, num_subcores=NS)

  @functools.partial(
      pl.kernel,
      out_type=[jax.ShapeDtypeStruct((n_pad, DF), jnp.float32)] * NC,
      mesh=mesh,
      compiler_params=pltpu.CompilerParams(use_tc_tiling_on_sc=False,
                                           needs_layout_passes=False),
      scratch_types=[
          pltpu.VMEM((edges_per_tile,), jnp.int32),
          pltpu.VMEM((chunks_per_tile, 1, CHUNK), jnp.int32),
          pltpu.VMEM((edges_per_tile,), jnp.float32),
          pltpu.VMEM((CHUNK, DF), jnp.float32),
          pltpu.VMEM((CHUNK, DF), jnp.float32),
          pltpu.VMEM_SHARED((n_pad, DF), jnp.float32),
          pltpu.VMEM_SHARED((n_pad, DF), jnp.float32),
          pltpu.SemaphoreType.DMA,
          pltpu.SemaphoreType.DMA,
          pltpu.SemaphoreType.DMA,
          pltpu.SemaphoreType.DMA,
          pltpu.SemaphoreType.DMA,
      ],
  )
  def sc_kernel(y_hbm, src_hbm, dst_hbm, ew_hbm, out0_hbm, out1_hbm,
                src_v, dst_v, ew_v, gbuf_a, gbuf_b,
                table_sh, agg_sh, gs_a, gs_b, ss_a, ss_b, is_sem):
    c = lax.axis_index("c")
    s = lax.axis_index("s")
    row0 = s * rows_per_tile
    ebase = s * edges_per_tile
    tile_chunk0 = s * chunks_per_tile

    ia = pltpu.async_copy(src_hbm.at[pl.ds(ebase, edges_per_tile)], src_v,
                          is_sem)
    ib = pltpu.async_copy(
        dst_hbm.at[pl.ds(tile_chunk0, chunks_per_tile)], dst_v, is_sem)
    ic = pltpu.async_copy(ew_hbm.at[pl.ds(ebase, edges_per_tile)], ew_v,
                          is_sem)

    def load_table(nrows):
      @pl.when(c == 0)
      def _():
        pltpu.sync_copy(y_hbm.at[pl.ds(row0, nrows), pl.ds(0, DF)],
                        table_sh.at[pl.ds(row0, nrows)])

      @pl.when(c == 1)
      def _():
        pltpu.sync_copy(y_hbm.at[pl.ds(row0, nrows), pl.ds(DF, DF)],
                        table_sh.at[pl.ds(row0, nrows)])

    @pl.when(s < NS - 1)
    def _():
      load_table(rows_per_tile)

    @pl.when(s == NS - 1)
    def _():
      load_table(last_rows)

    zero16 = jnp.zeros((LANES,), jnp.float32)

    def zrow(i, carry):
      for f in range(DF // LANES):
        gbuf_a[i, pl.ds(f * LANES, LANES)] = zero16
      return carry

    lax.fori_loop(0, CHUNK, zrow, 0)
    for k in range(full_zero_chunks):
      pltpu.sync_copy(gbuf_a, agg_sh.at[pl.ds(row0 + k * CHUNK, CHUNK)])
    if rem_zero:
      pltpu.sync_copy(gbuf_a.at[pl.ds(0, rem_zero)],
                      agg_sh.at[pl.ds(row0 + full_zero_chunks * CHUNK, rem_zero)])
    ia.wait()
    ib.wait()
    ic.wait()
    plsc.subcore_barrier()

    def issue_gather(ci, buf, gsem):
      return pltpu.async_copy(
          table_sh.at[src_v.at[pl.ds(ci * CHUNK, CHUNK)]], buf, gsem)

    def issue_scatter(ci, buf, ssem):
      return pltpu.async_copy(buf, agg_sh.at[dst_v.at[ci, 0]], ssem, add=True)

    def wait_scatter(buf, ssem):
      pltpu.make_async_copy(buf, agg_sh.at[pl.ds(0, CHUNK)], ssem).wait()

    def wait_gather(buf, gsem):
      pltpu.make_async_copy(y_hbm.at[pl.ds(0, CHUNK), pl.ds(0, DF)], buf,
                            gsem).wait()

    def do_scale(ci, buf):
      def grp(g, carry):
        wvec = ew_v[pl.ds(ci * CHUNK + g * LANES, LANES)]
        for j in range(LANES):
          wv = jnp.full((LANES,), wvec[j], jnp.float32)
          e = g * LANES + j
          for f in range(DF // LANES):
            sl = pl.ds(f * LANES, LANES)
            buf[e, sl] = buf[e, sl] * wv
        return carry

      lax.fori_loop(0, CHUNK // LANES, grp, 0)

    issue_gather(0, gbuf_a, gs_a)
    issue_gather(1, gbuf_b, gs_b)

    def pair_body(p, carry):
      ci = 2 * p
      wait_gather(gbuf_a, gs_a)
      do_scale(ci, gbuf_a)
      issue_scatter(ci, gbuf_a, ss_a)
      wait_gather(gbuf_b, gs_b)
      do_scale(ci + 1, gbuf_b)
      issue_scatter(ci + 1, gbuf_b, ss_b)

      @pl.when(p < npairs - 1)
      def _():
        wait_scatter(gbuf_a, ss_a)
        issue_gather(ci + 2, gbuf_a, gs_a)
        wait_scatter(gbuf_b, ss_b)
        issue_gather(ci + 3, gbuf_b, gs_b)

      return carry

    lax.fori_loop(0, npairs, pair_body, 0)
    wait_scatter(gbuf_a, ss_a)
    wait_scatter(gbuf_b, ss_b)
    plsc.subcore_barrier()

    @pl.when(c == 0)
    def _():
      pltpu.sync_copy(agg_sh.at[pl.ds(row0, rows_per_tile)],
                      out0_hbm.at[pl.ds(row0, rows_per_tile)])

    @pl.when(c == 1)
    def _():
      pltpu.sync_copy(agg_sh.at[pl.ds(row0, rows_per_tile)],
                      out1_hbm.at[pl.ds(row0, rows_per_tile)])

  return sc_kernel


def _mm_body(x_ref, w_ref, y_ref, r_ref):
  acc = jnp.dot(x_ref[...], w_ref[...], preferred_element_type=jnp.float32)
  y_ref[...] = acc[:, :D_H]
  r_ref[...] = acc[:, D_H:]


def _head_body(agg0, agg1, r, x1, brel, w1t, b1, w4t, b4, w2et, w2x, b2, w3t, b3,
               out_ref, emb_ref):
  agg = jnp.concatenate([agg0[...], agg1[...]], axis=1)
  h = jnp.maximum(agg + r[...] + brel[...], 0.0)
  h1 = jnp.maximum(
      jnp.dot(h, w1t[...], preferred_element_type=jnp.float32) + b1[...], 0.0)
  emb = jax.nn.sigmoid(
      jnp.dot(h1, w4t[...], preferred_element_type=jnp.float32) + b4[...])
  emb_ref[...] = emb
  h2 = jax.nn.sigmoid(
      jnp.dot(emb, w2et[...], preferred_element_type=jnp.float32)
      + x1[...] * w2x[...] + b2[...])
  out_ref[...] = jnp.maximum(
      jnp.dot(h2, w3t[...], preferred_element_type=jnp.float32) + b3[...], 0.0)


def kernel(x, x1, edge_weight, W_rel, b_rel, W_root, W1, b1, W4, b4, W2, b2, W3,
           b3, edge_index, loc_num):
  n, d = x.shape
  e = edge_index.shape[1]
  blk = 1000
  nblk = n // blk

  wcat = jnp.concatenate([W_rel, W_root], axis=0).T
  y, r = pl.pallas_call(
      _mm_body,
      grid=(nblk,),
      in_specs=[
          pl.BlockSpec((blk, d), lambda i: (i, 0)),
          pl.BlockSpec((d, 2 * D_H), lambda i: (0, 0)),
      ],
      out_specs=[
          pl.BlockSpec((blk, D_H), lambda i: (i, 0)),
          pl.BlockSpec((blk, D_H), lambda i: (i, 0)),
      ],
      out_shape=[
          jax.ShapeDtypeStruct((n, D_H), jnp.float32),
          jax.ShapeDtypeStruct((n, D_H), jnp.float32),
      ],
  )(x, wcat)

  cpt = ((e + NS * CHUNK - 1) // (NS * CHUNK) + 1) // 2 * 2
  e_pad = NS * cpt * CHUNK
  pad = e_pad - e
  src = edge_index[0]
  dst = edge_index[1]
  ew = edge_weight
  if pad:
    zi = jnp.zeros((pad,), jnp.int32)
    src = jnp.concatenate([src, zi])
    dst = jnp.concatenate([dst, zi])
    ew = jnp.concatenate([ew, jnp.zeros((pad,), jnp.float32)])
  dst3 = dst.reshape(e_pad // CHUNK, 1, CHUNK)
  agg0, agg1 = _make_sc_segment_sum(n, e_pad)(y, src, dst3, ew)

  delta = (jnp.asarray(loc_num) - n).astype(jnp.float32)
  b_eff = (b_rel + delta).reshape(1, D_H)
  x1c = x1.reshape(n, 1)
  w1t = W1.T
  b1r = b1.reshape(1, 32)
  w4t = W4.T
  b4r = b4.reshape(1, 8)
  w2et = W2[:, :8].T
  w2x = W2[:, 8].reshape(1, 4)
  b2r = b2.reshape(1, 4)
  w3t = W3.T
  b3r = b3.reshape(1, 1)

  out, emb = pl.pallas_call(
      _head_body,
      grid=(nblk,),
      in_specs=[
          pl.BlockSpec((blk, D_H // 2), lambda i: (i, 0)),
          pl.BlockSpec((blk, D_H // 2), lambda i: (i, 0)),
          pl.BlockSpec((blk, D_H), lambda i: (i, 0)),
          pl.BlockSpec((blk, 1), lambda i: (i, 0)),
          pl.BlockSpec((1, D_H), lambda i: (0, 0)),
          pl.BlockSpec((D_H, 32), lambda i: (0, 0)),
          pl.BlockSpec((1, 32), lambda i: (0, 0)),
          pl.BlockSpec((32, 8), lambda i: (0, 0)),
          pl.BlockSpec((1, 8), lambda i: (0, 0)),
          pl.BlockSpec((8, 4), lambda i: (0, 0)),
          pl.BlockSpec((1, 4), lambda i: (0, 0)),
          pl.BlockSpec((1, 4), lambda i: (0, 0)),
          pl.BlockSpec((4, 1), lambda i: (0, 0)),
          pl.BlockSpec((1, 1), lambda i: (0, 0)),
      ],
      out_specs=[
          pl.BlockSpec((blk, 1), lambda i: (i, 0)),
          pl.BlockSpec((blk, 8), lambda i: (i, 0)),
      ],
      out_shape=[
          jax.ShapeDtypeStruct((n, 1), jnp.float32),
          jax.ShapeDtypeStruct((n, 8), jnp.float32),
      ],
  )(agg0, agg1, r, x1c, b_eff, w1t, b1r, w4t, b4r, w2et, w2x, b2r, w3t, b3r)
  return (out, emb)

# --- scband reference (transcript-rebuilt; emitter-appended) ---
"""Pipeline reference for scband-net-67654324847113 (READ-ONLY COPY).

The authoritative reference and input builder live on the scoring server;
editing this copy changes nothing except your own understanding.
"""

import jax, jax.numpy as jnp
import numpy as np

N = 10000
E = 160000
D = 256

def setup_inputs(seed: int = 0) -> dict:
    key = jax.random.key(seed)
    ks = jax.random.split(key, 16)
    x = jax.random.normal(ks[0], (N, D), dtype=jnp.float32)
    edge_index = jax.random.randint(ks[1], (2, E), 0, N, dtype=jnp.int32)
    x1 = jax.random.uniform(ks[2], (N,), dtype=jnp.float32)
    edge_weight = jax.random.uniform(ks[3], (E,), dtype=jnp.float32)
    # GraphConv(embed_dim=256 -> 128): lin_rel (with bias) applied to aggregated messages,
    # lin_root (no bias) applied to the node's own features (PyG GraphConv semantics).
    W_rel = jax.random.normal(ks[4], (128, D), dtype=jnp.float32) / np.sqrt(D)
    b_rel = jnp.zeros((128,), dtype=jnp.float32)
    W_root = jax.random.normal(ks[5], (128, D), dtype=jnp.float32) / np.sqrt(D)
    W1 = jax.random.normal(ks[6], (32, 128), dtype=jnp.float32) / np.sqrt(128)
    b1 = jnp.zeros((32,), dtype=jnp.float32)
    W4 = jax.random.normal(ks[7], (8, 32), dtype=jnp.float32) / np.sqrt(32)
    b4 = jnp.zeros((8,), dtype=jnp.float32)
    W2 = jax.random.normal(ks[8], (4, 9), dtype=jnp.float32) / np.sqrt(9)
    b2 = jnp.zeros((4,), dtype=jnp.float32)
    W3 = jax.random.normal(ks[9], (1, 4), dtype=jnp.float32) / np.sqrt(4)
    b3 = jnp.zeros((1,), dtype=jnp.float32)
    return {"x": x, "x1": x1, "edge_weight": edge_weight,
            "W_rel": W_rel, "b_rel": b_rel, "W_root": W_root,
            "W1": W1, "b1": b1, "W4": W4, "b4": b4,
            "W2": W2, "b2": b2, "W3": W3, "b3": b3,
            "edge_index": edge_index, "loc_num": N}

def reference(x, x1, edge_weight, W_rel, b_rel, W_root, W1, b1, W4, b4, W2, b2, W3, b3, edge_index, loc_num):
    src = edge_index[0]
    dst = edge_index[1]
    num = x.shape[0]
    # GraphConv: x_i' = W_root x_i + W_rel * sum_{j->i} e_ji * x_j + b_rel
    msg = jnp.take(x, src, axis=0) * edge_weight[:, None]
    agg = jax.ops.segment_sum(msg, dst, num_segments=num)
    h = agg @ W_rel.T + b_rel + x @ W_root.T
    h = h + (jnp.asarray(loc_num) - num).astype(h.dtype)
    h = jax.nn.relu(h)
    h = jax.nn.relu(h @ W1.T + b1)
    embedding = jax.nn.sigmoid(h @ W4.T + b4)
    x1r = x1.reshape(num, 1)
    cat = jnp.concatenate([embedding, x1r], axis=1)
    h2 = jax.nn.sigmoid(cat @ W2.T + b2)  # dropout in eval mode -> identity
    out = jax.nn.relu(h2 @ W3.T + b3)
    return (out, embedding)

if __name__ == "__main__":
    import jax
    _d = setup_inputs()
    print(jax.jit(kernel)(*tuple(_d.values())))

</pallas_src>

<mosaic_0001>
#map = affine_map<(d0, d1) -> (0, 0)>
#map1 = affine_map<(d0, d1) -> (0)>
#map2 = affine_map<(d0, d1) -> (0, 0, 0)>
module attributes {stable_mosaic.version = 14 : i64} {
  func.func @sc_kernel(%arg0: i32, %arg1: i32, %arg2: memref<10000x128xf32, #tpu.memory_space<hbm>>, %arg3: memref<163840xi32, #tpu.memory_space<hbm>>, %arg4: memref<1280x1x128xi32, #tpu.memory_space<hbm>>, %arg5: memref<163840xf32, #tpu.memory_space<hbm>>, %arg6: memref<10112x64xf32, #tpu.memory_space<hbm>>, %arg7: memref<10112x64xf32, #tpu.memory_space<hbm>>, %arg8: memref<10240xi32, #tpu.memory_space<vmem>>, %arg9: memref<80x1x128xi32, #tpu.memory_space<vmem>>, %arg10: memref<10240xf32, #tpu.memory_space<vmem>>, %arg11: memref<128x64xf32, #tpu.memory_space<vmem>>, %arg12: memref<128x64xf32, #tpu.memory_space<vmem>>, %arg13: memref<10112x64xf32, #tpu.memory_space<vmem_shared>>, %arg14: memref<10112x64xf32, #tpu.memory_space<vmem_shared>>, %arg15: memref<!tpu.dma_semaphore, #tpu.memory_space<semaphore_mem>>, %arg16: memref<!tpu.dma_semaphore, #tpu.memory_space<semaphore_mem>>, %arg17: memref<!tpu.dma_semaphore, #tpu.memory_space<semaphore_mem>>, %arg18: memref<!tpu.dma_semaphore, #tpu.memory_space<semaphore_mem>>, %arg19: memref<!tpu.dma_semaphore, #tpu.memory_space<semaphore_mem>>) attributes {dimension_semantics = [#tpu.dimension_semantics<core_parallel>, #tpu.dimension_semantics<subcore_parallel>], iteration_bounds = array<i64: 2, 16>, scalar_prefetch = 0 : i64, scratch_operands = 12 : i64, tpu.core_type = #tpu.core_type<sc_vector_subcore>, window_params = [{transform_indices = #map}, {transform_indices = #map1}, {transform_indices = #map2}, {transform_indices = #map1}, {transform_indices = #map}, {transform_indices = #map}]} {
    %mul3A = arith.constant 632 : i32
    %mul3A_0 = arith.muli %arg1, %mul3A : i32
    %mul3A_1 = arith.constant 10240 : i32
    %mul3A_2 = arith.muli %arg1, %mul3A_1 : i32
    %mul3A_3 = arith.constant 80 : i32
    %mul3A_4 = arith.muli %arg1, %mul3A_3 : i32
    %dma_start3A = tpu.memref_slice %arg3[%mul3A_2] : memref<163840xi32, #tpu.memory_space<hbm>> -> memref<10240xi32, #tpu.memory_space<hbm>>
    %dma_start3A_5 = tpu.memref_slice %arg3[%mul3A_2] : memref<163840xi32, #tpu.memory_space<hbm>> -> memref<10240xi32, #tpu.memory_space<hbm>>
    tpu.enqueue_dma source(%dma_start3A_5 : memref<10240xi32, #tpu.memory_space<hbm>>) target(%arg8 : memref<10240xi32, #tpu.memory_space<vmem>>) target_semaphore(%arg19 : memref<!tpu.dma_semaphore, #tpu.memory_space<semaphore_mem>>)
    %dma_start3A_6 = arith.constant 0 : i32
    %dma_start3A_7 = arith.constant 0 : i32
    %dma_start3A_8 = tpu.memref_slice %arg4[%mul3A_4, %dma_start3A_6, %dma_start3A_7] : memref<1280x1x128xi32, #tpu.memory_space<hbm>> -> memref<80x1x128xi32, #tpu.memory_space<hbm>>
    %dma_start3A_9 = arith.constant 0 : i32
    %dma_start3A_10 = arith.constant 0 : i32
    %dma_start3A_11 = tpu.memref_slice %arg4[%mul3A_4, %dma_start3A_9, %dma_start3A_10] : memref<1280x1x128xi32, #tpu.memory_space<hbm>> -> memref<80x1x128xi32, #tpu.memory_space<hbm>>
    tpu.enqueue_dma source(%dma_start3A_11 : memref<80x1x128xi32, #tpu.memory_space<hbm>>) target(%arg9 : memref<80x1x128xi32, #tpu.memory_space<vmem>>) target_semaphore(%arg19 : memref<!tpu.dma_semaphore, #tpu.memory_space<semaphore_mem>>)
    %dma_start3A_12 = tpu.memref_slice %arg5[%mul3A_2] : memref<163840xf32, #tpu.memory_space<hbm>> -> memref<10240xf32, #tpu.memory_space<hbm>>
    %dma_start3A_13 = tpu.memref_slice %arg5[%mul3A_2] : memref<163840xf32, #tpu.memory_space<hbm>> -> memref<10240xf32, #tpu.memory_space<hbm>>
    tpu.enqueue_dma source(%dma_start3A_13 : memref<10240xf32, #tpu.memory_space<hbm>>) target(%arg10 : memref<10240xf32, #tpu.memory_space<vmem>>) target_semaphore(%arg19 : memref<!tpu.dma_semaphore, #tpu.memory_space<semaphore_mem>>)
    %lt3A = arith.constant 15 : i32
    %lt3A_14 = arith.cmpi slt, %arg1, %lt3A : i32
    %convert_element_type3A = arith.extui %lt3A_14 : i1 to i32
    %cond3A = arith.constant 0 : i32
    %cond3A_15 = arith.cmpi ne, %convert_element_type3A, %cond3A : i32
    scf.if %cond3A_15 {
      %eq3A_83 = arith.constant 0 : i32
      %eq3A_84 = arith.cmpi eq, %arg0, %eq3A_83 : i32
      %convert_element_type3A_85 = arith.extui %eq3A_84 : i1 to i32
      %cond3A_86 = arith.constant 0 : i32
      %cond3A_87 = arith.cmpi ne, %convert_element_type3A_85, %cond3A_86 : i32
      scf.if %cond3A_87 {
        "tpu.region"() ({
          %run_scoped3A = tpu.sem_alloc : memref<!tpu.dma_semaphore, #tpu.memory_space<semaphore_mem>>
          %dma_start3A_93 = arith.constant 0 : i32
          %dma_start3A_94 = tpu.memref_slice %arg13[%mul3A_0, %dma_start3A_93] : memref<10112x64xf32, #tpu.memory_space<vmem_shared>> -> memref<632x64xf32, #tpu.memory_space<vmem_shared>>
          %dma_start3A_95 = arith.constant 0 : i32
          %dma_start3A_96 = tpu.memref_slice %arg2[%mul3A_0, %dma_start3A_95] : memref<10000x128xf32, #tpu.memory_space<hbm>> -> memref<632x64xf32, #tpu.memory_space<hbm>>
          tpu.enqueue_dma source(%dma_start3A_96 : memref<632x64xf32, #tpu.memory_space<hbm>>) target(%dma_start3A_94 : memref<632x64xf32, #tpu.memory_space<vmem_shared>>) target_semaphore(%run_scoped3A : memref<!tpu.dma_semaphore, #tpu.memory_space<semaphore_mem>>)
          %dma_wait3A_97 = arith.constant 0 : i32
          %dma_wait3A_98 = tpu.memref_slice %arg13[%mul3A_0, %dma_wait3A_97] : memref<10112x64xf32, #tpu.memory_space<vmem_shared>> -> memref<632x64xf32, #tpu.memory_space<vmem_shared>>
          %dma_wait3A_99 = arith.constant 0 : i32
          %dma_wait3A_100 = tpu.memref_slice %arg2[%mul3A_0, %dma_wait3A_99] : memref<10000x128xf32, #tpu.memory_space<hbm>> -> memref<632x64xf32, #tpu.memory_space<hbm>>
          tpu.wait_dma2 semaphore(%run_scoped3A : memref<!tpu.dma_semaphore, #tpu.memory_space<semaphore_mem>>) src(%dma_wait3A_100 : memref<632x64xf32, #tpu.memory_space<hbm>>) dst(%dma_wait3A_98 : memref<632x64xf32, #tpu.memory_space<vmem_shared>>)
          tpu.yield
        }) : () -> ()
      } else {
      }
      %eq3A_88 = arith.constant 1 : i32
      %eq3A_89 = arith.cmpi eq, %arg0, %eq3A_88 : i32
      %convert_element_type3A_90 = arith.extui %eq3A_89 : i1 to i32
      %cond3A_91 = arith.constant 0 : i32
      %cond3A_92 = arith.cmpi ne, %convert_element_type3A_90, %cond3A_91 : i32
      scf.if %cond3A_92 {
        "tpu.region"() ({
          %run_scoped3A = tpu.sem_alloc : memref<!tpu.dma_semaphore, #tpu.memory_space<semaphore_mem>>
          %dma_start3A_93 = arith.constant 0 : i32
          %dma_start3A_94 = tpu.memref_slice %arg13[%mul3A_0, %dma_start3A_93] : memref<10112x64xf32, #tpu.memory_space<vmem_shared>> -> memref<632x64xf32, #tpu.memory_space<vmem_shared>>
          %dma_start3A_95 = arith.constant 64 : i32
          %dma_start3A_96 = tpu.memref_slice %arg2[%mul3A_0, %dma_start3A_95] : memref<10000x128xf32, #tpu.memory_space<hbm>> -> memref<632x64xf32, #tpu.memory_space<hbm>>
          tpu.enqueue_dma source(%dma_start3A_96 : memref<632x64xf32, #tpu.memory_space<hbm>>) target(%dma_start3A_94 : memref<632x64xf32, #tpu.memory_space<vmem_shared>>) target_semaphore(%run_scoped3A : memref<!tpu.dma_semaphore, #tpu.memory_space<semaphore_mem>>)
          %dma_wait3A_97 = arith.constant 0 : i32
          %dma_wait3A_98 = tpu.memref_slice %arg13[%mul3A_0, %dma_wait3A_97] : memref<10112x64xf32, #tpu.memory_space<vmem_shared>> -> memref<632x64xf32, #tpu.memory_space<vmem_shared>>
          %dma_wait3A_99 = arith.constant 64 : i32
          %dma_wait3A_100 = tpu.memref_slice %arg2[%mul3A_0, %dma_wait3A_99] : memref<10000x128xf32, #tpu.memory_space<hbm>> -> memref<632x64xf32, #tpu.memory_space<hbm>>
          tpu.wait_dma2 semaphore(%run_scoped3A : memref<!tpu.dma_semaphore, #tpu.memory_space<semaphore_mem>>) src(%dma_wait3A_100 : memref<632x64xf32, #tpu.memory_space<hbm>>) dst(%dma_wait3A_98 : memref<632x64xf32, #tpu.memory_space<vmem_shared>>)
          tpu.yield
        }) : () -> ()
      } else {
      }
    } else {
    }
    %eq3A = arith.constant 15 : i32
    %eq3A_16 = arith.cmpi eq, %arg1, %eq3A : i32
    %convert_element_type3A_17 = arith.extui %eq3A_16 : i1 to i32
    %cond3A_18 = arith.constant 0 : i32
    %cond3A_19 = arith.cmpi ne, %convert_element_type3A_17, %cond3A_18 : i32
    scf.if %cond3A_19 {
      %eq3A_83 = arith.constant 0 : i32
      %eq3A_84 = arith.cmpi eq, %arg0, %eq3A_83 : i32
      %convert_element_type3A_85 = arith.extui %eq3A_84 : i1 to i32
      %cond3A_86 = arith.constant 0 : i32
      %cond3A_87 = arith.cmpi ne, %convert_element_type3A_85, %cond3A_86 : i32
      scf.if %cond3A_87 {
        "tpu.region"() ({
          %run_scoped3A = tpu.sem_alloc : memref<!tpu.dma_semaphore, #tpu.memory_space<semaphore_mem>>
          %dma_start3A_93 = arith.constant 0 : i32
          %dma_start3A_94 = tpu.memref_slice %arg13[%mul3A_0, %dma_start3A_93] : memref<10112x64xf32, #tpu.memory_space<vmem_shared>> -> memref<520x64xf32, #tpu.memory_space<vmem_shared>>
          %dma_start3A_95 = arith.constant 0 : i32
          %dma_start3A_96 = tpu.memref_slice %arg2[%mul3A_0, %dma_start3A_95] : memref<10000x128xf32, #tpu.memory_space<hbm>> -> memref<520x64xf32, #tpu.memory_space<hbm>>
          tpu.enqueue_dma source(%dma_start3A_96 : memref<520x64xf32, #tpu.memory_space<hbm>>) target(%dma_start3A_94 : memref<520x64xf32, #tpu.memory_space<vmem_shared>>) target_semaphore(%run_scoped3A : memref<!tpu.dma_semaphore, #tpu.memory_space<semaphore_mem>>)
          %dma_wait3A_97 = arith.constant 0 : i32
          %dma_wait3A_98 = tpu.memref_slice %arg13[%mul3A_0, %dma_wait3A_97] : memref<10112x64xf32, #tpu.memory_space<vmem_shared>> -> memref<520x64xf32, #tpu.memory_space<vmem_shared>>
          %dma_wait3A_99 = arith.constant 0 : i32
          %dma_wait3A_100 = tpu.memref_slice %arg2[%mul3A_0, %dma_wait3A_99] : memref<10000x128xf32, #tpu.memory_space<hbm>> -> memref<520x64xf32, #tpu.memory_space<hbm>>
          tpu.wait_dma2 semaphore(%run_scoped3A : memref<!tpu.dma_semaphore, #tpu.memory_space<semaphore_mem>>) src(%dma_wait3A_100 : memref<520x64xf32, #tpu.memory_space<hbm>>) dst(%dma_wait3A_98 : memref<520x64xf32, #tpu.memory_space<vmem_shared>>)
          tpu.yield
        }) : () -> ()
      } else {
      }
      %eq3A_88 = arith.constant 1 : i32
      %eq3A_89 = arith.cmpi eq, %arg0, %eq3A_88 : i32
      %convert_element_type3A_90 = arith.extui %eq3A_89 : i1 to i32
      %cond3A_91 = arith.constant 0 : i32
      %cond3A_92 = arith.cmpi ne, %convert_element_type3A_90, %cond3A_91 : i32
      scf.if %cond3A_92 {
        "tpu.region"() ({
          %run_scoped3A = tpu.sem_alloc : memref<!tpu.dma_semaphore, #tpu.memory_space<semaphore_mem>>
          %dma_start3A_93 = arith.constant 0 : i32
          %dma_start3A_94 = tpu.memref_slice %arg13[%mul3A_0, %dma_start3A_93] : memref<10112x64xf32, #tpu.memory_space<vmem_shared>> -> memref<520x64xf32, #tpu.memory_space<vmem_shared>>
          %dma_start3A_95 = arith.constant 64 : i32
          %dma_start3A_96 = tpu.memref_slice %arg2[%mul3A_0, %dma_start3A_95] : memref<10000x128xf32, #tpu.memory_space<hbm>> -> memref<520x64xf32, #tpu.memory_space<hbm>>
          tpu.enqueue_dma source(%dma_start3A_96 : memref<520x64xf32, #tpu.memory_space<hbm>>) target(%dma_start3A_94 : memref<520x64xf32, #tpu.memory_space<vmem_shared>>) target_semaphore(%run_scoped3A : memref<!tpu.dma_semaphore, #tpu.memory_space<semaphore_mem>>)
          %dma_wait3A_97 = arith.constant 0 : i32
          %dma_wait3A_98 = tpu.memref_slice %arg13[%mul3A_0, %dma_wait3A_97] : memref<10112x64xf32, #tpu.memory_space<vmem_shared>> -> memref<520x64xf32, #tpu.memory_space<vmem_shared>>
          %dma_wait3A_99 = arith.constant 64 : i32
          %dma_wait3A_100 = tpu.memref_slice %arg2[%mul3A_0, %dma_wait3A_99] : memref<10000x128xf32, #tpu.memory_space<hbm>> -> memref<520x64xf32, #tpu.memory_space<hbm>>
          tpu.wait_dma2 semaphore(%run_scoped3A : memref<!tpu.dma_semaphore, #tpu.memory_space<semaphore_mem>>) src(%dma_wait3A_100 : memref<520x64xf32, #tpu.memory_space<hbm>>) dst(%dma_wait3A_98 : memref<520x64xf32, #tpu.memory_space<vmem_shared>>)
          tpu.yield
        }) : () -> ()
      } else {
      }
    } else {
    }
    %broadcast_in_dim3A = arith.constant 0.000000e+00 : f32
    %broadcast_in_dim3A_20 = vector.broadcast %broadcast_in_dim3A : f32 to vector<16xf32>
    %scan3A = arith.constant 0 : i32
    %scan3A_21 = arith.constant 0 : i32
    %scan3A_22 = arith.constant 128 : i32
    %scan3A_23 = arith.addi %scan3A_21, %scan3A_22 : i32
    %scan3A_24 = arith.constant 1 : i32
    scf.for %scan3A_83 = %scan3A_21 to %scan3A_23 step %scan3A_24  : i32 {
      %swap3A = arith.index_cast %scan3A_83 : i32 to index
      %swap3A_84 = arith.constant 0 : index
      %swap3A_85 = tpu.vector_load %arg11[%swap3A, %swap3A_84] {strides = array<i32>} : memref<128x64xf32, #tpu.memory_space<vmem>>, vector<16xf32>,
      tpu.vector_store %arg11[%swap3A, %swap3A_84], %broadcast_in_dim3A_20 {strides = array<i32>} : memref<128x64xf32, #tpu.memory_space<vmem>>, vector<16xf32>,
      %swap3A_86 = arith.index_cast %scan3A_83 : i32 to index
      %swap3A_87 = arith.constant 16 : index
      %swap3A_88 = tpu.vector_load %arg11[%swap3A_86, %swap3A_87] {strides = array<i32>} : memref<128x64xf32, #tpu.memory_space<vmem>>, vector<16xf32>,
      tpu.vector_store %arg11[%swap3A_86, %swap3A_87], %broadcast_in_dim3A_20 {strides = array<i32>} : memref<128x64xf32, #tpu.memory_space<vmem>>, vector<16xf32>,
      %swap3A_89 = arith.index_cast %scan3A_83 : i32 to index
      %swap3A_90 = arith.constant 32 : index
      %swap3A_91 = tpu.vector_load %arg11[%swap3A_89, %swap3A_90] {strides = array<i32>} : memref<128x64xf32, #tpu.memory_space<vmem>>, vector<16xf32>,
      tpu.vector_store %arg11[%swap3A_89, %swap3A_90], %broadcast_in_dim3A_20 {strides = array<i32>} : memref<128x64xf32, #tpu.memory_space<vmem>>, vector<16xf32>,
      %swap3A_92 = arith.index_cast %scan3A_83 : i32 to index
      %swap3A_93 = arith.constant 48 : index
      %swap3A_94 = tpu.vector_load %arg11[%swap3A_92, %swap3A_93] {strides = array<i32>} : memref<128x64xf32, #tpu.memory_space<vmem>>, vector<16xf32>,
      tpu.vector_store %arg11[%swap3A_92, %swap3A_93], %broadcast_in_dim3A_20 {strides = array<i32>} : memref<128x64xf32, #tpu.memory_space<vmem>>, vector<16xf32>,
    }
    %scan3A_25 = arith.constant 128 : i32
    %add3A = arith.constant 0 : i32
    %add3A_26 = arith.addi %mul3A_0, %add3A : i32
    "tpu.region"() ({
      %run_scoped3A = tpu.sem_alloc : memref<!tpu.dma_semaphore, #tpu.memory_space<semaphore_mem>>
      %dma_start3A_83 = arith.constant 0 : i32
      %dma_start3A_84 = tpu.memref_slice %arg14[%add3A_26, %dma_start3A_83] : memref<10112x64xf32, #tpu.memory_space<vmem_shared>> -> memref<128x64xf32, #tpu.memory_space<vmem_shared>>
      %dma_start3A_85 = arith.constant 0 : i32
      %dma_start3A_86 = tpu.memref_slice %arg14[%add3A_26, %dma_start3A_85] : memref<10112x64xf32, #tpu.memory_space<vmem_shared>> -> memref<128x64xf32, #tpu.memory_space<vmem_shared>>
      tpu.enqueue_dma source(%arg11 : memref<128x64xf32, #tpu.memory_space<vmem>>) target(%dma_start3A_86 : memref<128x64xf32, #tpu.memory_space<vmem_shared>>) target_semaphore(%run_scoped3A : memref<!tpu.dma_semaphore, #tpu.memory_space<semaphore_mem>>)
      %dma_wait3A_87 = arith.constant 0 : i32
      %dma_wait3A_88 = tpu.memref_slice %arg14[%add3A_26, %dma_wait3A_87] : memref<10112x64xf32, #tpu.memory_space<vmem_shared>> -> memref<128x64xf32, #tpu.memory_space<vmem_shared>>
      %dma_wait3A_89 = arith.constant 0 : i32
      %dma_wait3A_90 = tpu.memref_slice %arg14[%add3A_26, %dma_wait3A_89] : memref<10112x64xf32, #tpu.memory_space<vmem_shared>> -> memref<128x64xf32, #tpu.memory_space<vmem_shared>>
      tpu.wait_dma2 semaphore(%run_scoped3A : memref<!tpu.dma_semaphore, #tpu.memory_space<semaphore_mem>>) src(%arg11 : memref<128x64xf32, #tpu.memory_space<vmem>>) dst(%dma_wait3A_90 : memref<128x64xf32, #tpu.memory_space<vmem_shared>>)
      tpu.yield
    }) : () -> ()
    %add3A_27 = arith.constant 128 : i32
    %add3A_28 = arith.addi %mul3A_0, %add3A_27 : i32
    "tpu.region"() ({
      %run_scoped3A = tpu.sem_alloc : memref<!tpu.dma_semaphore, #tpu.memory_space<semaphore_mem>>
      %dma_start3A_83 = arith.constant 0 : i32
      %dma_start3A_84 = tpu.memref_slice %arg14[%add3A_28, %dma_start3A_83] : memref<10112x64xf32, #tpu.memory_space<vmem_shared>> -> memref<128x64xf32, #tpu.memory_space<vmem_shared>>
      %dma_start3A_85 = arith.constant 0 : i32
      %dma_start3A_86 = tpu.memref_slice %arg14[%add3A_28, %dma_start3A_85] : memref<10112x64xf32, #tpu.memory_space<vmem_shared>> -> memref<128x64xf32, #tpu.memory_space<vmem_shared>>
      tpu.enqueue_dma source(%arg11 : memref<128x64xf32, #tpu.memory_space<vmem>>) target(%dma_start3A_86 : memref<128x64xf32, #tpu.memory_space<vmem_shared>>) target_semaphore(%run_scoped3A : memref<!tpu.dma_semaphore, #tpu.memory_space<semaphore_mem>>)
      %dma_wait3A_87 = arith.constant 0 : i32
      %dma_wait3A_88 = tpu.memref_slice %arg14[%add3A_28, %dma_wait3A_87] : memref<10112x64xf32, #tpu.memory_space<vmem_shared>> -> memref<128x64xf32, #tpu.memory_space<vmem_shared>>
      %dma_wait3A_89 = arith.constant 0 : i32
      %dma_wait3A_90 = tpu.memref_slice %arg14[%add3A_28, %dma_wait3A_89] : memref<10112x64xf32, #tpu.memory_space<vmem_shared>> -> memref<128x64xf32, #tpu.memory_space<vmem_shared>>
      tpu.wait_dma2 semaphore(%run_scoped3A : memref<!tpu.dma_semaphore, #tpu.memory_space<semaphore_mem>>) src(%arg11 : memref<128x64xf32, #tpu.memory_space<vmem>>) dst(%dma_wait3A_90 : memref<128x64xf32, #tpu.memory_space<vmem_shared>>)
      tpu.yield
    }) : () -> ()
    %add3A_29 = arith.constant 256 : i32
    %add3A_30 = arith.addi %mul3A_0, %add3A_29 : i32
    "tpu.region"() ({
      %run_scoped3A = tpu.sem_alloc : memref<!tpu.dma_semaphore, #tpu.memory_space<semaphore_mem>>
      %dma_start3A_83 = arith.constant 0 : i32
      %dma_start3A_84 = tpu.memref_slice %arg14[%add3A_30, %dma_start3A_83] : memref<10112x64xf32, #tpu.memory_space<vmem_shared>> -> memref<128x64xf32, #tpu.memory_space<vmem_shared>>
      %dma_start3A_85 = arith.constant 0 : i32
      %dma_start3A_86 = tpu.memref_slice %arg14[%add3A_30, %dma_start3A_85] : memref<10112x64xf32, #tpu.memory_space<vmem_shared>> -> memref<128x64xf32, #tpu.memory_space<vmem_shared>>
      tpu.enqueue_dma source(%arg11 : memref<128x64xf32, #tpu.memory_space<vmem>>) target(%dma_start3A_86 : memref<128x64xf32, #tpu.memory_space<vmem_shared>>) target_semaphore(%run_scoped3A : memref<!tpu.dma_semaphore, #tpu.memory_space<semaphore_mem>>)
      %dma_wait3A_87 = arith.constant 0 : i32
      %dma_wait3A_88 = tpu.memref_slice %arg14[%add3A_30, %dma_wait3A_87] : memref<10112x64xf32, #tpu.memory_space<vmem_shared>> -> memref<128x64xf32, #tpu.memory_space<vmem_shared>>
      %dma_wait3A_89 = arith.constant 0 : i32
      %dma_wait3A_90 = tpu.memref_slice %arg14[%add3A_30, %dma_wait3A_89] : memref<10112x64xf32, #tpu.memory_space<vmem_shared>> -> memref<128x64xf32, #tpu.memory_space<vmem_shared>>
      tpu.wait_dma2 semaphore(%run_scoped3A : memref<!tpu.dma_semaphore, #tpu.memory_space<semaphore_mem>>) src(%arg11 : memref<128x64xf32, #tpu.memory_space<vmem>>) dst(%dma_wait3A_90 : memref<128x64xf32, #tpu.memory_space<vmem_shared>>)
      tpu.yield
    }) : () -> ()
    %add3A_31 = arith.constant 384 : i32
    %add3A_32 = arith.addi %mul3A_0, %add3A_31 : i32
    "tpu.region"() ({
      %run_scoped3A = tpu.sem_alloc : memref<!tpu.dma_semaphore, #tpu.memory_space<semaphore_mem>>
      %dma_start3A_83 = arith.constant 0 : i32
      %dma_start3A_84 = tpu.memref_slice %arg14[%add3A_32, %dma_start3A_83] : memref<10112x64xf32, #tpu.memory_space<vmem_shared>> -> memref<128x64xf32, #tpu.memory_space<vmem_shared>>
      %dma_start3A_85 = arith.constant 0 : i32
      %dma_start3A_86 = tpu.memref_slice %arg14[%add3A_32, %dma_start3A_85] : memref<10112x64xf32, #tpu.memory_space<vmem_shared>> -> memref<128x64xf32, #tpu.memory_space<vmem_shared>>
      tpu.enqueue_dma source(%arg11 : memref<128x64xf32, #tpu.memory_space<vmem>>) target(%dma_start3A_86 : memref<128x64xf32, #tpu.memory_space<vmem_shared>>) target_semaphore(%run_scoped3A : memref<!tpu.dma_semaphore, #tpu.memory_space<semaphore_mem>>)
      %dma_wait3A_87 = arith.constant 0 : i32
      %dma_wait3A_88 = tpu.memref_slice %arg14[%add3A_32, %dma_wait3A_87] : memref<10112x64xf32, #tpu.memory_space<vmem_shared>> -> memref<128x64xf32, #tpu.memory_space<vmem_shared>>
      %dma_wait3A_89 = arith.constant 0 : i32
      %dma_wait3A_90 = tpu.memref_slice %arg14[%add3A_32, %dma_wait3A_89] : memref<10112x64xf32, #tpu.memory_space<vmem_shared>> -> memref<128x64xf32, #tpu.memory_space<vmem_shared>>
      tpu.wait_dma2 semaphore(%run_scoped3A : memref<!tpu.dma_semaphore, #tpu.memory_space<semaphore_mem>>) src(%arg11 : memref<128x64xf32, #tpu.memory_space<vmem>>) dst(%dma_wait3A_90 : memref<128x64xf32, #tpu.memory_space<vmem_shared>>)
      tpu.yield
    }) : () -> ()
    %add3A_33 = arith.constant 512 : i32
    %add3A_34 = arith.addi %mul3A_0, %add3A_33 : i32
    "tpu.region"() ({
      %run_scoped3A = tpu.sem_alloc : memref<!tpu.dma_semaphore, #tpu.memory_space<semaphore_mem>>
      %dma_start3A_83 = arith.constant 0 : i32
      %dma_start3A_84 = arith.constant 0 : i32
      %dma_start3A_85 = tpu.memref_slice %arg11[%dma_start3A_83, %dma_start3A_84] : memref<128x64xf32, #tpu.memory_space<vmem>> -> memref<120x64xf32, #tpu.memory_space<vmem>>
      %dma_start3A_86 = arith.constant 0 : i32
      %dma_start3A_87 = tpu.memref_slice %arg14[%add3A_34, %dma_start3A_86] : memref<10112x64xf32, #tpu.memory_space<vmem_shared>> -> memref<120x64xf32, #tpu.memory_space<vmem_shared>>
      %dma_start3A_88 = arith.constant 0 : i32
      %dma_start3A_89 = tpu.memref_slice %arg14[%add3A_34, %dma_start3A_88] : memref<10112x64xf32, #tpu.memory_space<vmem_shared>> -> memref<120x64xf32, #tpu.memory_space<vmem_shared>>
      %dma_start3A_90 = arith.constant 0 : i32
      %dma_start3A_91 = arith.constant 0 : i32
      %dma_start3A_92 = tpu.memref_slice %arg11[%dma_start3A_90, %dma_start3A_91] : memref<128x64xf32, #tpu.memory_space<vmem>> -> memref<120x64xf32, #tpu.memory_space<vmem>>
      tpu.enqueue_dma source(%dma_start3A_92 : memref<120x64xf32, #tpu.memory_space<vmem>>) target(%dma_start3A_89 : memref<120x64xf32, #tpu.memory_space<vmem_shared>>) target_semaphore(%run_scoped3A : memref<!tpu.dma_semaphore, #tpu.memory_space<semaphore_mem>>)
      %dma_wait3A_93 = arith.constant 0 : i32
      %dma_wait3A_94 = arith.constant 0 : i32
      %dma_wait3A_95 = tpu.memref_slice %arg11[%dma_wait3A_93, %dma_wait3A_94] : memref<128x64xf32, #tpu.memory_space<vmem>> -> memref<120x64xf32, #tpu.memory_space<vmem>>
      %dma_wait3A_96 = arith.constant 0 : i32
      %dma_wait3A_97 = tpu.memref_slice %arg14[%add3A_34, %dma_wait3A_96] : memref<10112x64xf32, #tpu.memory_space<vmem_shared>> -> memref<120x64xf32, #tpu.memory_space<vmem_shared>>
      %dma_wait3A_98 = arith.constant 0 : i32
      %dma_wait3A_99 = tpu.memref_slice %arg14[%add3A_34, %dma_wait3A_98] : memref<10112x64xf32, #tpu.memory_space<vmem_shared>> -> memref<120x64xf32, #tpu.memory_space<vmem_shared>>
      %dma_wait3A_100 = arith.constant 0 : i32
      %dma_wait3A_101 = arith.constant 0 : i32
      %dma_wait3A_102 = tpu.memref_slice %arg11[%dma_wait3A_100, %dma_wait3A_101] : memref<128x64xf32, #tpu.memory_space<vmem>> -> memref<120x64xf32, #tpu.memory_space<vmem>>
      tpu.wait_dma2 semaphore(%run_scoped3A : memref<!tpu.dma_semaphore, #tpu.memory_space<semaphore_mem>>) src(%dma_wait3A_102 : memref<120x64xf32, #tpu.memory_space<vmem>>) dst(%dma_wait3A_99 : memref<120x64xf32, #tpu.memory_space<vmem_shared>>)
      tpu.yield
    }) : () -> ()
    %dma_wait3A = tpu.memref_slice %arg3[%mul3A_2] : memref<163840xi32, #tpu.memory_space<hbm>> -> memref<10240xi32, #tpu.memory_space<hbm>>
    %dma_wait3A_35 = tpu.memref_slice %arg3[%mul3A_2] : memref<163840xi32, #tpu.memory_space<hbm>> -> memref<10240xi32, #tpu.memory_space<hbm>>
    tpu.wait_dma2 semaphore(%arg19 : memref<!tpu.dma_semaphore, #tpu.memory_space<semaphore_mem>>) src(%dma_wait3A_35 : memref<10240xi32, #tpu.memory_space<hbm>>) dst(%arg8 : memref<10240xi32, #tpu.memory_space<vmem>>)
    %dma_wait3A_36 = arith.constant 0 : i32
    %dma_wait3A_37 = arith.constant 0 : i32
    %dma_wait3A_38 = tpu.memref_slice %arg4[%mul3A_4, %dma_wait3A_36, %dma_wait3A_37] : memref<1280x1x128xi32, #tpu.memory_space<hbm>> -> memref<80x1x128xi32, #tpu.memory_space<hbm>>
    %dma_wait3A_39 = arith.constant 0 : i32
    %dma_wait3A_40 = arith.constant 0 : i32
    %dma_wait3A_41 = tpu.memref_slice %arg4[%mul3A_4, %dma_wait3A_39, %dma_wait3A_40] : memref<1280x1x128xi32, #tpu.memory_space<hbm>> -> memref<80x1x128xi32, #tpu.memory_space<hbm>>
    tpu.wait_dma2 semaphore(%arg19 : memref<!tpu.dma_semaphore, #tpu.memory_space<semaphore_mem>>) src(%dma_wait3A_41 : memref<80x1x128xi32, #tpu.memory_space<hbm>>) dst(%arg9 : memref<80x1x128xi32, #tpu.memory_space<vmem>>)
    %dma_wait3A_42 = tpu.memref_slice %arg5[%mul3A_2] : memref<163840xf32, #tpu.memory_space<hbm>> -> memref<10240xf32, #tpu.memory_space<hbm>>
    %dma_wait3A_43 = tpu.memref_slice %arg5[%mul3A_2] : memref<163840xf32, #tpu.memory_space<hbm>> -> memref<10240xf32, #tpu.memory_space<hbm>>
    tpu.wait_dma2 semaphore(%arg19 : memref<!tpu.dma_semaphore, #tpu.memory_space<semaphore_mem>>) src(%dma_wait3A_43 : memref<10240xf32, #tpu.memory_space<hbm>>) dst(%arg10 : memref<10240xf32, #tpu.memory_space<vmem>>)
    %barrier3A = arith.constant 0 : index
    tpu.barrier barrier_id(%barrier3A)
    %dma_start3A_44 = arith.constant 0 : i32
    %dma_start3A_45 = tpu.memref_slice %arg8[%dma_start3A_44] : memref<10240xi32, #tpu.memory_space<vmem>> -> memref<128xi32, #tpu.memory_space<vmem>>
    %dma_start3A_46 = arith.constant 0 : i32
    %dma_start3A_47 = arith.constant 0 : i32
    %dma_start3A_48 = tpu.memref_slice %arg13[%dma_start3A_46, %dma_start3A_47] : memref<10112x64xf32, #tpu.memory_space<vmem_shared>> -> memref<10112x64xf32, #tpu.memory_space<vmem_shared>>
    tpu.enqueue_indirect_dma source(%dma_start3A_48 : memref<10112x64xf32, #tpu.memory_space<vmem_shared>>) target(%arg11 : memref<128x64xf32, #tpu.memory_space<vmem>>) offsets(%dma_start3A_45 : memref<128xi32, #tpu.memory_space<vmem>>) semaphore(%arg15 : memref<!tpu.dma_semaphore, #tpu.memory_space<semaphore_mem>>)
    %dma_start3A_49 = arith.constant 128 : i32
    %dma_start3A_50 = tpu.memref_slice %arg8[%dma_start3A_49] : memref<10240xi32, #tpu.memory_space<vmem>> -> memref<128xi32, #tpu.memory_space<vmem>>
    %dma_start3A_51 = arith.constant 0 : i32
    %dma_start3A_52 = arith.constant 0 : i32
    %dma_start3A_53 = tpu.memref_slice %arg13[%dma_start3A_51, %dma_start3A_52] : memref<10112x64xf32, #tpu.memory_space<vmem_shared>> -> memref<10112x64xf32, #tpu.memory_space<vmem_shared>>
    tpu.enqueue_indirect_dma source(%dma_start3A_53 : memref<10112x64xf32, #tpu.memory_space<vmem_shared>>) target(%arg12 : memref<128x64xf32, #tpu.memory_space<vmem>>) offsets(%dma_start3A_50 : memref<128xi32, #tpu.memory_space<vmem>>) semaphore(%arg16 : memref<!tpu.dma_semaphore, #tpu.memory_space<semaphore_mem>>)
    %scan3A_54 = arith.constant 0 : i32
    %scan3A_55 = arith.constant 0 : i32
    %scan3A_56 = arith.constant 40 : i32
    %scan3A_57 = arith.addi %scan3A_55, %scan3A_56 : i32
    %scan3A_58 = arith.constant 1 : i32
    scf.for %scan3A_83 = %scan3A_55 to %scan3A_57 step %scan3A_58  : i32 {
      %mul3A_84 = arith.constant 2 : i32
      %mul3A_85 = arith.muli %mul3A_84, %scan3A_83 : i32
      %dma_wait3A_86 = arith.constant 0 : i32
      %dma_wait3A_87 = arith.constant 0 : i32
      %dma_wait3A_88 = tpu.memref_slice %arg2[%dma_wait3A_86, %dma_wait3A_87] : memref<10000x128xf32, #tpu.memory_space<hbm>> -> memref<128x64xf32, #tpu.memory_space<hbm>>
      %dma_wait3A_89 = arith.constant 0 : i32
      %dma_wait3A_90 = arith.constant 0 : i32
      %dma_wait3A_91 = tpu.memref_slice %arg2[%dma_wait3A_89, %dma_wait3A_90] : memref<10000x128xf32, #tpu.memory_space<hbm>> -> memref<128x64xf32, #tpu.memory_space<hbm>>
      tpu.wait_dma2 semaphore(%arg15 : memref<!tpu.dma_semaphore, #tpu.memory_space<semaphore_mem>>) src(%dma_wait3A_91 : memref<128x64xf32, #tpu.memory_space<hbm>>) dst(%arg11 : memref<128x64xf32, #tpu.memory_space<vmem>>)
      %scan3A_92 = arith.constant 0 : i32
      %scan3A_93 = arith.constant 0 : i32
      %scan3A_94 = arith.constant 8 : i32
      %scan3A_95 = arith.addi %scan3A_93, %scan3A_94 : i32
      %scan3A_96 = arith.constant 1 : i32
      scf.for %scan3A_133 = %scan3A_93 to %scan3A_95 step %scan3A_96  : i32 {
        %mul3A_134 = arith.constant 128 : i32
        %mul3A_135 = arith.muli %mul3A_85, %mul3A_134 : i32
        %mul3A_136 = arith.constant 16 : i32
        %mul3A_137 = arith.muli %scan3A_133, %mul3A_136 : i32
        %add3A_138 = arith.addi %mul3A_135, %mul3A_137 : i32
        %get3A = arith.index_cast %add3A_138 : i32 to index
        %get3A_139 = tpu.vector_load %arg10[%get3A] {strides = array<i32>} : memref<10240xf32, #tpu.memory_space<vmem>>, vector<16xf32>,
        %slice3A = vector.extract_strided_slice %get3A_139 {offsets = [0], sizes = [1], strides = [1]} : vector<16xf32> to vector<1xf32>
        %squeeze3A = vector.extract %slice3A[0] : f32 from vector<1xf32>
        %broadcast_in_dim3A_140 = vector.broadcast %squeeze3A : f32 to vector<16xf32>
        %mul3A_141 = arith.constant 16 : i32
        %mul3A_142 = arith.muli %scan3A_133, %mul3A_141 : i32
        %add3A_143 = arith.constant 0 : i32
        %add3A_144 = arith.addi %mul3A_142, %add3A_143 : i32
        %get3A_145 = arith.index_cast %add3A_144 : i32 to index
        %get3A_146 = arith.constant 0 : index
        %get3A_147 = tpu.vector_load %arg11[%get3A_145, %get3A_146] {strides = array<i32>} : memref<128x64xf32, #tpu.memory_space<vmem>>, vector<16xf32>,
        %mul3A_148 = arith.mulf %get3A_147, %broadcast_in_dim3A_140 : vector<16xf32>
        %swap3A = arith.index_cast %add3A_144 : i32 to index
        %swap3A_149 = arith.constant 0 : index
        %swap3A_150 = tpu.vector_load %arg11[%swap3A, %swap3A_149] {strides = array<i32>} : memref<128x64xf32, #tpu.memory_space<vmem>>, vector<16xf32>,
        tpu.vector_store %arg11[%swap3A, %swap3A_149], %mul3A_148 {strides = array<i32>} : memref<128x64xf32, #tpu.memory_space<vmem>>, vector<16xf32>,
        %get3A_151 = arith.index_cast %add3A_144 : i32 to index
        %get3A_152 = arith.constant 16 : index
        %get3A_153 = tpu.vector_load %arg11[%get3A_151, %get3A_152] {strides = array<i32>} : memref<128x64xf32, #tpu.memory_space<vmem>>, vector<16xf32>,
        %mul3A_154 = arith.mulf %get3A_153, %broadcast_in_dim3A_140 : vector<16xf32>
        %swap3A_155 = arith.index_cast %add3A_144 : i32 to index
        %swap3A_156 = arith.constant 16 : index
        %swap3A_157 = tpu.vector_load %arg11[%swap3A_155, %swap3A_156] {strides = array<i32>} : memref<128x64xf32, #tpu.memory_space<vmem>>, vector<16xf32>,
        tpu.vector_store %arg11[%swap3A_155, %swap3A_156], %mul3A_154 {strides = array<i32>} : memref<128x64xf32, #tpu.memory_space<vmem>>, vector<16xf32>,
        %get3A_158 = arith.index_cast %add3A_144 : i32 to index
        %get3A_159 = arith.constant 32 : index
        %get3A_160 = tpu.vector_load %arg11[%get3A_158, %get3A_159] {strides = array<i32>} : memref<128x64xf32, #tpu.memory_space<vmem>>, vector<16xf32>,
        %mul3A_161 = arith.mulf %get3A_160, %broadcast_in_dim3A_140 : vector<16xf32>
        %swap3A_162 = arith.index_cast %add3A_144 : i32 to index
        %swap3A_163 = arith.constant 32 : index
        %swap3A_164 = tpu.vector_load %arg11[%swap3A_162, %swap3A_163] {strides = array<i32>} : memref<128x64xf32, #tpu.memory_space<vmem>>, vector<16xf32>,
        tpu.vector_store %arg11[%swap3A_162, %swap3A_163], %mul3A_161 {strides = array<i32>} : memref<128x64xf32, #tpu.memory_space<vmem>>, vector<16xf32>,
        %get3A_165 = arith.index_cast %add3A_144 : i32 to index
        %get3A_166 = arith.constant 48 : index
        %get3A_167 = tpu.vector_load %arg11[%get3A_165, %get3A_166] {strides = array<i32>} : memref<128x64xf32, #tpu.memory_space<vmem>>, vector<16xf32>,
        %mul3A_168 = arith.mulf %get3A_167, %broadcast_in_dim3A_140 : vector<16xf32>
        %swap3A_169 = arith.index_cast %add3A_144 : i32 to index
        %swap3A_170 = arith.constant 48 : index
        %swap3A_171 = tpu.vector_load %arg11[%swap3A_169, %swap3A_170] {strides = array<i32>} : memref<128x64xf32, #tpu.memory_space<vmem>>, vector<16xf32>,
        tpu.vector_store %arg11[%swap3A_169, %swap3A_170], %mul3A_168 {strides = array<i32>} : memref<128x64xf32, #tpu.memory_space<vmem>>, vector<16xf32>,
        %slice3A_172 = vector.extract_strided_slice %get3A_139 {offsets = [1], sizes = [1], strides = [1]} : vector<16xf32> to vector<1xf32>
        %squeeze3A_173 = vector.extract %slice3A_172[0] : f32 from vector<1xf32>
        %broadcast_in_dim3A_174 = vector.broadcast %squeeze3A_173 : f32 to vector<16xf32>
        %mul3A_175 = arith.constant 16 : i32
        %mul3A_176 = arith.muli %scan3A_133, %mul3A_175 : i32
        %add3A_177 = arith.constant 1 : i32
        %add3A_178 = arith.addi %mul3A_176, %add3A_177 : i32
        %get3A_179 = arith.index_cast %add3A_178 : i32 to index
        %get3A_180 = arith.constant 0 : index
        %get3A_181 = tpu.vector_load %arg11[%get3A_179, %get3A_180] {strides = array<i32>} : memref<128x64xf32, #tpu.memory_space<vmem>>, vector<16xf32>,
        %mul3A_182 = arith.mulf %get3A_181, %broadcast_in_dim3A_174 : vector<16xf32>
        %swap3A_183 = arith.index_cast %add3A_178 : i32 to index
        %swap3A_184 = arith.constant 0 : index
        %swap3A_185 = tpu.vector_load %arg11[%swap3A_183, %swap3A_184] {strides = array<i32>} : memref<128x64xf32, #tpu.memory_space<vmem>>, vector<16xf32>,
        tpu.vector_store %arg11[%swap3A_183, %swap3A_184], %mul3A_182 {strides = array<i32>} : memref<128x64xf32, #tpu.memory_space<vmem>>, vector<16xf32>,
        %get3A_186 = arith.index_cast %add3A_178 : i32 to index
        %get3A_187 = arith.constant 16 : index
        %get3A_188 = tpu.vector_load %arg11[%get3A_186, %get3A_187] {strides = array<i32>} : memref<128x64xf32, #tpu.memory_space<vmem>>, vector<16xf32>,
        %mul3A_189 = arith.mulf %get3A_188, %broadcast_in_dim3A_174 : vector<16xf32>
        %swap3A_190 = arith.index_cast %add3A_178 : i32 to index
        %swap3A_191 = arith.constant 16 : index
        %swap3A_192 = tpu.vector_load %arg11[%swap3A_190, %swap3A_191] {strides = array<i32>} : memref<128x64xf32, #tpu.memory_space<vmem>>, vector<16xf32>,
        tpu.vector_store %arg11[%swap3A_190, %swap3A_191], %mul3A_189 {strides = array<i32>} : memref<128x64xf32, #tpu.memory_space<vmem>>, vector<16xf32>,
        %get3A_193 = arith.index_cast %add3A_178 : i32 to index
        %get3A_194 = arith.constant 32 : index
        %get3A_195 = tpu.vector_load %arg11[%get3A_193, %get3A_194] {strides = array<i32>} : memref<128x64xf32, #tpu.memory_space<vmem>>, vector<16xf32>,
        %mul3A_196 = arith.mulf %get3A_195, %broadcast_in_dim3A_174 : vector<16xf32>
        %swap3A_197 = arith.index_cast %add3A_178 : i32 to index
        %swap3A_198 = arith.constant 32 : index
        %swap3A_199 = tpu.vector_load %arg11[%swap3A_197, %swap3A_198] {strides = array<i32>} : memref<128x64xf32, #tpu.memory_space<vmem>>, vector<16xf32>,
        tpu.vector_store %arg11[%swap3A_197, %swap3A_198], %mul3A_196 {strides = array<i32>} : memref<128x64xf32, #tpu.memory_space<vmem>>, vector<16xf32>,
        %get3A_200 = arith.index_cast %add3A_178 : i32 to index
        %get3A_201 = arith.constant 48 : index
        %get3A_202 = tpu.vector_load %arg11[%get3A_200, %get3A_201] {strides = array<i32>} : memref<128x64xf32, #tpu.memory_space<vmem>>, vector<16xf32>,
        %mul3A_203 = arith.mulf %get3A_202, %broadcast_in_dim3A_174 : vector<16xf32>
        %swap3A_204 = arith.index_cast %add3A_178 : i32 to index
        %swap3A_205 = arith.constant 48 : index
        %swap3A_206 = tpu.vector_load %arg11[%swap3A_204, %swap3A_205] {strides = array<i32>} : memref<128x64xf32, #tpu.memory_space<vmem>>, vector<16xf32>,
        tpu.vector_store %arg11[%swap3A_204, %swap3A_205], %mul3A_203 {strides = array<i32>} : memref<128x64xf32, #tpu.memory_space<vmem>>, vector<16xf32>,
        %slice3A_207 = vector.extract_strided_slice %get3A_139 {offsets = [2], sizes = [1], strides = [1]} : vector<16xf32> to vector<1xf32>
        %squeeze3A_208 = vector.extract %slice3A_207[0] : f32 from vector<1xf32>
        %broadcast_in_dim3A_209 = vector.broadcast %squeeze3A_208 : f32 to vector<16xf32>
        %mul3A_210 = arith.constant 16 : i32
        %mul3A_211 = arith.muli %scan3A_133, %mul3A_210 : i32
        %add3A_212 = arith.constant 2 : i32
        %add3A_213 = arith.addi %mul3A_211, %add3A_212 : i32
        %get3A_214 = arith.index_cast %add3A_213 : i32 to index
        %get3A_215 = arith.constant 0 : index
        %get3A_216 = tpu.vector_load %arg11[%get3A_214, %get3A_215] {strides = array<i32>} : memref<128x64xf32, #tpu.memory_space<vmem>>, vector<16xf32>,
        %mul3A_217 = arith.mulf %get3A_216, %broadcast_in_dim3A_209 : vector<16xf32>
        %swap3A_218 = arith.index_cast %add3A_213 : i32 to index
        %swap3A_219 = arith.constant 0 : index
        %swap3A_220 = tpu.vector_load %arg11[%swap3A_218, %swap3A_219] {strides = array<i32>} : memref<128x64xf32, #tpu.memory_space<vmem>>, vector<16xf32>,
        tpu.vector_store %arg11[%swap3A_218, %swap3A_219], %mul3A_217 {strides = array<i32>} : memref<128x64xf32, #tpu.memory_space<vmem>>, vector<16xf32>,
        %get3A_221 = arith.index_cast %add3A_213 : i32 to index
        %get3A_222 = arith.constant 16 : index
        %get3A_223 = tpu.vector_load %arg11[%get3A_221, %get3A_222] {strides = array<i32>} : memref<128x64xf32, #tpu.memory_space<vmem>>, vector<16xf32>,
        %mul3A_224 = arith.mulf %get3A_223, %broadcast_in_dim3A_209 : vector<16xf32>
        %swap3A_225 = arith.index_cast %add3A_213 : i32 to index
        %swap3A_226 = arith.constant 16 : index
        %swap3A_227 = tpu.vector_load %arg11[%swap3A_225, %swap3A_226] {strides = array<i32>} : memref<128x64xf32, #tpu.memory_space<vmem>>, vector<16xf32>,
        tpu.vector_store %arg11[%swap3A_225, %swap3A_226], %mul3A_224 {strides = array<i32>} : memref<128x64xf32, #tpu.memory_space<vmem>>, vector<16xf32>,
        %get3A_228 = arith.index_cast %add3A_213 : i32 to index
        %get3A_229 = arith.constant 32 : index
        %get3A_230 = tpu.vector_load %arg11[%get3A_228, %get3A_229] {strides = array<i32>} : memref<128x64xf32, #tpu.memory_space<vmem>>, vector<16xf32>,
        %mul3A_231 = arith.mulf %get3A_230, %broadcast_in_dim3A_209 : vector<16xf32>
        %swap3A_232 = arith.index_cast %add3A_213 : i32 to index
        %swap3A_233 = arith.constant 32 : index
        %swap3A_234 = tpu.vector_load %arg11[%swap3A_232, %swap3A_233] {strides = array<i32>} : memref<128x64xf32, #tpu.memory_space<vmem>>, vector<16xf32>,
        tpu.vector_store %arg11[%swap3A_232, %swap3A_233], %mul3A_231 {strides = array<i32>} : memref<128x64xf32, #tpu.memory_space<vmem>>, vector<16xf32>,
        %get3A_235 = arith.index_cast %add3A_213 : i32 to index
        %get3A_236 = arith.constant 48 : index
        %get3A_237 = tpu.vector_load %arg11[%get3A_235, %get3A_236] {strides = array<i32>} : memref<128x64xf32, #tpu.memory_space<vmem>>, vector<16xf32>,
        %mul3A_238 = arith.mulf %get3A_237, %broadcast_in_dim3A_209 : vector<16xf32>
        %swap3A_239 = arith.index_cast %add3A_213 : i32 to index
        %swap3A_240 = arith.constant 48 : index
        %swap3A_241 = tpu.vector_load %arg11[%swap3A_239, %swap3A_240] {strides = array<i32>} : memref<128x64xf32, #tpu.memory_space<vmem>>, vector<16xf32>,
        tpu.vector_store %arg11[%swap3A_239, %swap3A_240], %mul3A_238 {strides = array<i32>} : memref<128x64xf32, #tpu.memory_space<vmem>>, vector<16xf32>,
        %slice3A_242 = vector.extract_strided_slice %get3A_139 {offsets = [3], sizes = [1], strides = [1]} : vector<16xf32> to vector<1xf32>
        %squeeze3A_243 = vector.extract %slice3A_242[0] : f32 from vector<1xf32>
        %broadcast_in_dim3A_244 = vector.broadcast %squeeze3A_243 : f32 to vector<16xf32>
        %mul3A_245 = arith.constant 16 : i32
        %mul3A_246 = arith.muli %scan3A_133, %mul3A_245 : i32
        %add3A_247 = arith.constant 3 : i32
        %add3A_248 = arith.addi %mul3A_246, %add3A_247 : i32
        %get3A_249 = arith.index_cast %add3A_248 : i32 to index
        %get3A_250 = arith.constant 0 : index
        %get3A_251 = tpu.vector_load %arg11[%get3A_249, %get3A_250] {strides = array<i32>} : memref<128x64xf32, #tpu.memory_space<vmem>>, vector<16xf32>,
        %mul3A_252 = arith.mulf %get3A_251, %broadcast_in_dim3A_244 : vector<16xf32>
        %swap3A_253 = arith.index_cast %add3A_248 : i32 to index
        %swap3A_254 = arith.constant 0 : index
        %swap3A_255 = tpu.vector_load %arg11[%swap3A_253, %swap3A_254] {strides = array<i32>} : memref<128x64xf32, #tpu.memory_space<vmem>>, vector<16xf32>,
        tpu.vector_store %arg11[%swap3A_253, %swap3A_254], %mul3A_252 {strides = array<i32>} : memref<128x64xf32, #tpu.memory_space<vmem>>, vector<16xf32>,
        %get3A_256 = arith.index_cast %add3A_248 : i32 to index
        %get3A_257 = arith.constant 16 : index
        %get3A_258 = tpu.vector_load %arg11[%get3A_256, %get3A_257] {strides = array<i32>} : memref<128x64xf32, #tpu.memory_space<vmem>>, vector<16xf32>,
        %mul3A_259 = arith.mulf %get3A_258, %broadcast_in_dim3A_244 : vector<16xf32>
        %swap3A_260 = arith.index_cast %add3A_248 : i32 to index
        %swap3A_261 = arith.constant 16 : index
        %swap3A_262 = tpu.vector_load %arg11[%swap3A_260, %swap3A_261] {strides = array<i32>} : memref<128x64xf32, #tpu.memory_space<vmem>>, vector<16xf32>,
        tpu.vector_store %arg11[%swap3A_260, %swap3A_261], %mul3A_259 {strides = array<i32>} : memref<128x64xf32, #tpu.memory_space<vmem>>, vector<16xf32>,
        %get3A_263 = arith.index_cast %add3A_248 : i32 to index
        %get3A_264 = arith.constant 32 : index
        %get3A_265 = tpu.vector_load %arg11[%get3A_263, %get3A_264] {strides = array<i32>} : memref<128x64xf32, #tpu.memory_space<vmem>>, vector<16xf32>,
        %mul3A_266 = arith.mulf %get3A_265, %broadcast_in_dim3A_244 : vector<16xf32>
        %swap3A_267 = arith.index_cast %add3A_248 : i32 to index
        %swap3A_268 = arith.constant 32 : index
        %swap3A_269 = tpu.vector_load %arg11[%swap3A_267, %swap3A_268] {strides = array<i32>} : memref<128x64xf32, #tpu.memory_space<vmem>>, vector<16xf32>,
        tpu.vector_store %arg11[%swap3A_267, %swap3A_268], %mul3A_266 {strides = array<i32>} : memref<128x64xf32, #tpu.memory_space<vmem>>, vector<16xf32>,
        %get3A_270 = arith.index_cast %add3A_248 : i32 to index
        %get3A_271 = arith.constant 48 : index
        %get3A_272 = tpu.vector_load %arg11[%get3A_270, %get3A_271] {strides = array<i32>} : memref<128x64xf32, #tpu.memory_space<vmem>>, vector<16xf32>,
        %mul3A_273 = arith.mulf %get3A_272, %broadcast_in_dim3A_244 : vector<16xf32>
        %swap3A_274 = arith.index_cast %add3A_248 : i32 to index
        %swap3A_275 = arith.constant 48 : index
        %swap3A_276 = tpu.vector_load %arg11[%swap3A_274, %swap3A_275] {strides = array<i32>} : memref<128x64xf32, #tpu.memory_space<vmem>>, vector<16xf32>,
        tpu.vector_store %arg11[%swap3A_274, %swap3A_275], %mul3A_273 {strides = array<i32>} : memref<128x64xf32, #tpu.memory_space<vmem>>, vector<16xf32>,
        %slice3A_277 = vector.extract_strided_slice %get3A_139 {offsets = [4], sizes = [1], strides = [1]} : vector<16xf32> to vector<1xf32>
        %squeeze3A_278 = vector.extract %slice3A_277[0] : f32 from vector<1xf32>
        %broadcast_in_dim3A_279 = vector.broadcast %squeeze3A_278 : f32 to vector<16xf32>
        %mul3A_280 = arith.constant 16 : i32
        %mul3A_281 = arith.muli %scan3A_133, %mul3A_280 : i32
        %add3A_282 = arith.constant 4 : i32
        %add3A_283 = arith.addi %mul3A_281, %add3A_282 : i32
        %get3A_284 = arith.index_cast %add3A_283 : i32 to index
        %get3A_285 = arith.constant 0 : index
        %get3A_286 = tpu.vector_load %arg11[%get3A_284, %get3A_285] {strides = array<i32>} : memref<128x64xf32, #tpu.memory_space<vmem>>, vector<16xf32>,
        %mul3A_287 = arith.mulf %get3A_286, %broadcast_in_dim3A_279 : vector<16xf32>
        %swap3A_288 = arith.index_cast %add3A_283 : i32 to index
        %swap3A_289 = arith.constant 0 : index
        %swap3A_290 = tpu.vector_load %arg11[%swap3A_288, %swap3A_289] {strides = array<i32>} : memref<128x64xf32, #tpu.memory_space<vmem>>, vector<16xf32>,
        tpu.vector_store %arg11[%swap3A_288, %swap3A_289], %mul3A_287 {strides = array<i32>} : memref<128x64xf32, #tpu.memory_space<vmem>>, vector<16xf32>,
        %get3A_291 = arith.index_cast %add3A_283 : i32 to index
        %get3A_292 = arith.constant 16 : index
        %get3A_293 = tpu.vector_load %arg11[%get3A_291, %get3A_292] {strides = array<i32>} : memref<128x64xf32, #tpu.memory_space<vmem>>, vector<16xf32>,
        %mul3A_294 = arith.mulf %get3A_293, %broadcast_in_dim3A_279 : vector<16xf32>
        %swap3A_295 = arith.index_cast %add3A_283 : i32 to index
        %swap3A_296 = arith.constant 16 : index
        %swap3A_297 = tpu.vector_load %arg11[%swap3A_295, %swap3A_296] {strides = array<i32>} : memref<128x64xf32, #tpu.memory_space<vmem>>, vector<16xf32>,
        tpu.vector_store %arg11[%swap3A_295, %swap3A_296], %mul3A_294 {strides = array<i32>} : memref<128x64xf32, #tpu.memory_space<vmem>>, vector<16xf32>,
        %get3A_298 = arith.index_cast %add3A_283 : i32 to index
        %get3A_299 = arith.constant 32 : index
        %get3A_300 = tpu.vector_load %arg11[%get3A_298, %get3A_299] {strides = array<i32>} : memref<128x64xf32, #tpu.memory_space<vmem>>, vector<16xf32>,
        %mul3A_301 = arith.mulf %get3A_300, %broadcast_in_dim3A_279 : vector<16xf32>
        %swap3A_302 = arith.index_cast %add3A_283 : i32 to index
        %swap3A_303 = arith.constant 32 : index
        %swap3A_304 = tpu.vector_load %arg11[%swap3A_302, %swap3A_303] {strides = array<i32>} : memref<128x64xf32, #tpu.memory_space<vmem>>, vector<16xf32>,
        tpu.vector_store %arg11[%swap3A_302, %swap3A_303], %mul3A_301 {strides = array<i32>} : memref<128x64xf32, #tpu.memory_space<vmem>>, vector<16xf32>,
        %get3A_305 = arith.index_cast %add3A_283 : i32 to index
        %get3A_306 = arith.constant 48 : index
        %get3A_307 = tpu.vector_load %arg11[%get3A_305, %get3A_306] {strides = array<i32>} : memref<128x64xf32, #tpu.memory_space<vmem>>, vector<16xf32>,
        %mul3A_308 = arith.mulf %get3A_307, %broadcast_in_dim3A_279 : vector<16xf32>
        %swap3A_309 = arith.index_cast %add3A_283 : i32 to index
        %swap3A_310 = arith.constant 48 : index
        %swap3A_311 = tpu.vector_load %arg11[%swap3A_309, %swap3A_310] {strides = array<i32>} : memref<128x64xf32, #tpu.memory_space<vmem>>, vector<16xf32>,
        tpu.vector_store %arg11[%swap3A_309, %swap3A_310], %mul3A_308 {strides = array<i32>} : memref<128x64xf32, #tpu.memory_space<vmem>>, vector<16xf32>,
        %slice3A_312 = vector.extract_strided_slice %get3A_139 {offsets = [5], sizes = [1], strides = [1]} : vector<16xf32> to vector<1xf32>
        %squeeze3A_313 = vector.extract %slice3A_312[0] : f32 from vector<1xf32>
        %broadcast_in_dim3A_314 = vector.broadcast %squeeze3A_313 : f32 to vector<16xf32>
        %mul3A_315 = arith.constant 16 : i32
        %mul3A_316 = arith.muli %scan3A_133, %mul3A_315 : i32
        %add3A_317 = arith.constant 5 : i32
        %add3A_318 = arith.addi %mul3A_316, %add3A_317 : i32
        %get3A_319 = arith.index_cast %add3A_318 : i32 to index
        %get3A_320 = arith.constant 0 : index
        %get3A_321 = tpu.vector_load %arg11[%get3A_319, %get3A_320] {strides = array<i32>} : memref<128x64xf32, #tpu.memory_space<vmem>>, vector<16xf32>,
        %mul3A_322 = arith.mulf %get3A_321, %broadcast_in_dim3A_314 : vector<16xf32>
        %swap3A_323 = arith.index_cast %add3A_318 : i32 to index
        %swap3A_324 = arith.constant 0 : index
        %swap3A_325 = tpu.vector_load %arg11[%swap3A_323, %swap3A_324] {strides = array<i32>} : memref<128x64xf32, #tpu.memory_space<vmem>>, vector<16xf32>,
        tpu.vector_store %arg11[%swap3A_323, %swap3A_324], %mul3A_322 {strides = array<i32>} : memref<128x64xf32, #tpu.memory_space<vmem>>, vector<16xf32>,
        %get3A_326 = arith.index_cast %add3A_318 : i32 to index
        %get3A_327 = arith.constant 16 : index
        %get3A_328 = tpu.vector_load %arg11[%get3A_326, %get3A_327] {strides = array<i32>} : memref<128x64xf32, #tpu.memory_space<vmem>>, vector<16xf32>,
        %mul3A_329 = arith.mulf %get3A_328, %broadcast_in_dim3A_314 : vector<16xf32>
        %swap3A_330 = arith.index_cast %add3A_318 : i32 to index
        %swap3A_331 = arith.constant 16 : index
        %swap3A_332 = tpu.vector_load %arg11[%swap3A_330, %swap3A_331] {strides = array<i32>} : memref<128x64xf32, #tpu.memory_space<vmem>>, vector<16xf32>,
        tpu.vector_store %arg11[%swap3A_330, %swap3A_331], %mul3A_329 {strides = array<i32>} : memref<128x64xf32, #tpu.memory_space<vmem>>, vector<16xf32>,
        %get3A_333 = arith.index_cast %add3A_318 : i32 to index
        %get3A_334 = arith.constant 32 : index
        %get3A_335 = tpu.vector_load %arg11[%get3A_333, %get3A_334] {strides = array<i32>} : memref<128x64xf32, #tpu.memory_space<vmem>>, vector<16xf32>,
        %mul3A_336 = arith.mulf %get3A_335, %broadcast_in_dim3A_314 : vector<16xf32>
        %swap3A_337 = arith.index_cast %add3A_318 : i32 to index
        %swap3A_338 = arith.constant 32 : index
        %swap3A_339 = tpu.vector_load %arg11[%swap3A_337, %swap3A_338] {strides = array<i32>} : memref<128x64xf32, #tpu.memory_space<vmem>>, vector<16xf32>,
        tpu.vector_store %arg11[%swap3A_337, %swap3A_338], %mul3A_336 {strides = array<i32>} : memref<128x64xf32, #tpu.memory_space<vmem>>, vector<16xf32>,
        %get3A_340 = arith.index_cast %add3A_318 : i32 to index
        %get3A_341 = arith.constant 48 : index
        %get3A_342 = tpu.vector_load %arg11[%get3A_340, %get3A_341] {strides = array<i32>} : memref<128x64xf32, #tpu.memory_space<vmem>>, vector<16xf32>,
        %mul3A_343 = arith.mulf %get3A_342, %broadcast_in_dim3A_314 : vector<16xf32>
        %swap3A_344 = arith.index_cast %add3A_318 : i32 to index
        %swap3A_345 = arith.constant 48 : index
        %swap3A_346 = tpu.vector_load %arg11[%swap3A_344, %swap3A_345] {strides = array<i32>} : memref<128x64xf32, #tpu.memory_space<vmem>>, vector<16xf32>,
        tpu.vector_store %arg11[%swap3A_344, %swap3A_345], %mul3A_343 {strides = array<i32>} : memref<128x64xf32, #tpu.memory_space<vmem>>, vector<16xf32>,
        %slice3A_347 = vector.extract_strided_slice %get3A_139 {offsets = [6], sizes = [1], strides = [1]} : vector<16xf32> to vector<1xf32>
        %squeeze3A_348 = vector.extract %slice3A_347[0] : f32 from vector<1xf32>
        %broadcast_in_dim3A_349 = vector.broadcast %squeeze3A_348 : f32 to vector<16xf32>
        %mul3A_350 = arith.constant 16 : i32
        %mul3A_351 = arith.muli %scan3A_133, %mul3A_350 : i32
        %add3A_352 = arith.constant 6 : i32
        %add3A_353 = arith.addi %mul3A_351, %add3A_352 : i32
        %get3A_354 = arith.index_cast %add3A_353 : i32 to index
        %get3A_355 = arith.constant 0 : index
        %get3A_356 = tpu.vector_load %arg11[%get3A_354, %get3A_355] {strides = array<i32>} : memref<128x64xf32, #tpu.memory_space<vmem>>, vector<16xf32>,
        %mul3A_357 = arith.mulf %get3A_356, %broadcast_in_dim3A_349 : vector<16xf32>
        %swap3A_358 = arith.index_cast %add3A_353 : i32 to index
        %swap3A_359 = arith.constant 0 : index
        %swap3A_360 = tpu.vector_load %arg11[%swap3A_358, %swap3A_359] {strides = array<i32>} : memref<128x64xf32, #tpu.memory_space<vmem>>, vector<16xf32>,
        tpu.vector_store %arg11[%swap3A_358, %swap3A_359], %mul3A_357 {strides = array<i32>} : memref<128x64xf32, #tpu.memory_space<vmem>>, vector<16xf32>,
        %get3A_361 = arith.index_cast %add3A_353 : i32 to index
        %get3A_362 = arith.constant 16 : index
        %get3A_363 = tpu.vector_load %arg11[%get3A_361, %get3A_362] {strides = array<i32>} : memref<128x64xf32, #tpu.memory_space<vmem>>, vector<16xf32>,
        %mul3A_364 = arith.mulf %get3A_363, %broadcast_in_dim3A_349 : vector<16xf32>
        %swap3A_365 = arith.index_cast %add3A_353 : i32 to index
        %swap3A_366 = arith.constant 16 : index
        %swap3A_367 = tpu.vector_load %arg11[%swap3A_365, %swap3A_366] {strides = array<i32>} : memref<128x64xf32, #tpu.memory_space<vmem>>, vector<16xf32>,
        tpu.vector_store %arg11[%swap3A_365, %swap3A_366], %mul3A_364 {strides = array<i32>} : memref<128x64xf32, #tpu.memory_space<vmem>>, vector<16xf32>,
        %get3A_368 = arith.index_cast %add3A_353 : i32 to index
        %get3A_369 = arith.constant 32 : index
        %get3A_370 = tpu.vector_load %arg11[%get3A_368, %get3A_369] {strides = array<i32>} : memref<128x64xf32, #tpu.memory_space<vmem>>, vector<16xf32>,
        %mul3A_371 = arith.mulf %get3A_370, %broadcast_in_dim3A_349 : vector<16xf32>
        %swap3A_372 = arith.index_cast %add3A_353 : i32 to index
        %swap3A_373 = arith.constant 32 : index
        %swap3A_374 = tpu.vector_load %arg11[%swap3A_372, %swap3A_373] {strides = array<i32>} : memref<128x64xf32, #tpu.memory_space<vmem>>, vector<16xf32>,
        tpu.vector_store %arg11[%swap3A_372, %swap3A_373], %mul3A_371 {strides = array<i32>} : memref<128x64xf32, #tpu.memory_space<vmem>>, vector<16xf32>,
        %get3A_375 = arith.index_cast %add3A_353 : i32 to index
        %get3A_376 = arith.constant 48 : index
        %get3A_377 = tpu.vector_load %arg11[%get3A_375, %get3A_376] {strides = array<i32>} : memref<128x64xf32, #tpu.memory_space<vmem>>, vector<16xf32>,
        %mul3A_378 = arith.mulf %get3A_377, %broadcast_in_dim3A_349 : vector<16xf32>
        %swap3A_379 = arith.index_cast %add3A_353 : i32 to index
        %swap3A_380 = arith.constant 48 : index
        %swap3A_381 = tpu.vector_load %arg11[%swap3A_379, %swap3A_380] {strides = array<i32>} : memref<128x64xf32, #tpu.memory_space<vmem>>, vector<16xf32>,
        tpu.vector_store %arg11[%swap3A_379, %swap3A_380], %mul3A_378 {strides = array<i32>} : memref<128x64xf32, #tpu.memory_space<vmem>>, vector<16xf32>,
        %slice3A_382 = vector.extract_strided_slice %get3A_139 {offsets = [7], sizes = [1], strides = [1]} : vector<16xf32> to vector<1xf32>
        %squeeze3A_383 = vector.extract %slice3A_382[0] : f32 from vector<1xf32>
        %broadcast_in_dim3A_384 = vector.broadcast %squeeze3A_383 : f32 to vector<16xf32>
        %mul3A_385 = arith.constant 16 : i32
        %mul3A_386 = arith.muli %scan3A_133, %mul3A_385 : i32
        %add3A_387 = arith.constant 7 : i32
        %add3A_388 = arith.addi %mul3A_386, %add3A_387 : i32
        %get3A_389 = arith.index_cast %add3A_388 : i32 to index
        %get3A_390 = arith.constant 0 : index
        %get3A_391 = tpu.vector_load %arg11[%get3A_389, %get3A_390] {strides = array<i32>} : memref<128x64xf32, #tpu.memory_space<vmem>>, vector<16xf32>,
        %mul3A_392 = arith.mulf %get3A_391, %broadcast_in_dim3A_384 : vector<16xf32>
        %swap3A_393 = arith.index_cast %add3A_388 : i32 to index
        %swap3A_394 = arith.constant 0 : index
        %swap3A_395 = tpu.vector_load %arg11[%swap3A_393, %swap3A_394] {strides = array<i32>} : memref<128x64xf32, #tpu.memory_space<vmem>>, vector<16xf32>,
        tpu.vector_store %arg11[%swap3A_393, %swap3A_394], %mul3A_392 {strides = array<i32>} : memref<128x64xf32, #tpu.memory_space<vmem>>, vector<16xf32>,
        %get3A_396 = arith.index_cast %add3A_388 : i32 to index
        %get3A_397 = arith.constant 16 : index
        %get3A_398 = tpu.vector_load %arg11[%get3A_396, %get3A_397] {strides = array<i32>} : memref<128x64xf32, #tpu.memory_space<vmem>>, vector<16xf32>,
        %mul3A_399 = arith.mulf %get3A_398, %broadcast_in_dim3A_384 : vector<16xf32>
        %swap3A_400 = arith.index_cast %add3A_388 : i32 to index
        %swap3A_401 = arith.constant 16 : index
        %swap3A_402 = tpu.vector_load %arg11[%swap3A_400, %swap3A_401] {strides = array<i32>} : memref<128x64xf32, #tpu.memory_space<vmem>>, vector<16xf32>,
        tpu.vector_store %arg11[%swap3A_400, %swap3A_401], %mul3A_399 {strides = array<i32>} : memref<128x64xf32, #tpu.memory_space<vmem>>, vector<16xf32>,
        %get3A_403 = arith.index_cast %add3A_388 : i32 to index
        %get3A_404 = arith.constant 32 : index
        %get3A_405 = tpu.vector_load %arg11[%get3A_403, %get3A_404] {strides = array<i32>} : memref<128x64xf32, #tpu.memory_space<vmem>>, vector<16xf32>,
        %mul3A_406 = arith.mulf %get3A_405, %broadcast_in_dim3A_384 : vector<16xf32>
        %swap3A_407 = arith.index_cast %add3A_388 : i32 to index
        %swap3A_408 = arith.constant 32 : index
        %swap3A_409 = tpu.vector_load %arg11[%swap3A_407, %swap3A_408] {strides = array<i32>} : memref<128x64xf32, #tpu.memory_space<vmem>>, vector<16xf32>,
        tpu.vector_store %arg11[%swap3A_407, %swap3A_408], %mul3A_406 {strides = array<i32>} : memref<128x64xf32, #tpu.memory_space<vmem>>, vector<16xf32>,
        %get3A_410 = arith.index_cast %add3A_388 : i32 to index
        %get3A_411 = arith.constant 48 : index
        %get3A_412 = tpu.vector_load %arg11[%get3A_410, %get3A_411] {strides = array<i32>} : memref<128x64xf32, #tpu.memory_space<vmem>>, vector<16xf32>,
        %mul3A_413 = arith.mulf %get3A_412, %broadcast_in_dim3A_384 : vector<16xf32>
        %swap3A_414 = arith.index_cast %add3A_388 : i32 to index
        %swap3A_415 = arith.constant 48 : index
        %swap3A_416 = tpu.vector_load %arg11[%swap3A_414, %swap3A_415] {strides = array<i32>} : memref<128x64xf32, #tpu.memory_space<vmem>>, vector<16xf32>,
        tpu.vector_store %arg11[%swap3A_414, %swap3A_415], %mul3A_413 {strides = array<i32>} : memref<128x64xf32, #tpu.memory_space<vmem>>, vector<16xf32>,
        %slice3A_417 = vector.extract_strided_slice %get3A_139 {offsets = [8], sizes = [1], strides = [1]} : vector<16xf32> to vector<1xf32>
        %squeeze3A_418 = vector.extract %slice3A_417[0] : f32 from vector<1xf32>
        %broadcast_in_dim3A_419 = vector.broadcast %squeeze3A_418 : f32 to vector<16xf32>
        %mul3A_420 = arith.constant 16 : i32
        %mul3A_421 = arith.muli %scan3A_133, %mul3A_420 : i32
        %add3A_422 = arith.constant 8 : i32
        %add3A_423 = arith.addi %mul3A_421, %add3A_422 : i32
        %get3A_424 = arith.index_cast %add3A_423 : i32 to index
        %get3A_425 = arith.constant 0 : index
        %get3A_426 = tpu.vector_load %arg11[%get3A_424, %get3A_425] {strides = array<i32>} : memref<128x64xf32, #tpu.memory_space<vmem>>, vector<16xf32>,
        %mul3A_427 = arith.mulf %get3A_426, %broadcast_in_dim3A_419 : vector<16xf32>
        %swap3A_428 = arith.index_cast %add3A_423 : i32 to index
        %swap3A_429 = arith.constant 0 : index
        %swap3A_430 = tpu.vector_load %arg11[%swap3A_428, %swap3A_429] {strides = array<i32>} : memref<128x64xf32, #tpu.memory_space<vmem>>, vector<16xf32>,
        tpu.vector_store %arg11[%swap3A_428, %swap3A_429], %mul3A_427 {strides = array<i32>} : memref<128x64xf32, #tpu.memory_space<vmem>>, vector<16xf32>,
        %get3A_431 = arith.index_cast %add3A_423 : i32 to index
        %get3A_432 = arith.constant 16 : index
        %get3A_433 = tpu.vector_load %arg11[%get3A_431, %get3A_432] {strides = array<i32>} : memref<128x64xf32, #tpu.memory_space<vmem>>, vector<16xf32>,
        %mul3A_434 = arith.mulf %get3A_433, %broadcast_in_dim3A_419 : vector<16xf32>
        %swap3A_435 = arith.index_cast %add3A_423 : i32 to index
        %swap3A_436 = arith.constant 16 : index
        %swap3A_437 = tpu.vector_load %arg11[%swap3A_435, %swap3A_436] {strides = array<i32>} : memref<128x64xf32, #tpu.memory_space<vmem>>, vector<16xf32>,
        tpu.vector_store %arg11[%swap3A_435, %swap3A_436], %mul3A_434 {strides = array<i32>} : memref<128x64xf32, #tpu.memory_space<vmem>>, vector<16xf32>,
        %get3A_438 = arith.index_cast %add3A_423 : i32 to index
        %get3A_439 = arith.constant 32 : index
        %get3A_440 = tpu.vector_load %arg11[%get3A_438, %get3A_439] {strides = array<i32>} : memref<128x64xf32, #tpu.memory_space<vmem>>, vector<16xf32>,
        %mul3A_441 = arith.mulf %get3A_440, %broadcast_in_dim3A_419 : vector<16xf32>
        %swap3A_442 = arith.index_cast %add3A_423 : i32 to index
        %swap3A_443 = arith.constant 32 : index
        %swap3A_444 = tpu.vector_load %arg11[%swap3A_442, %swap3A_443] {strides = array<i32>} : memref<128x64xf32, #tpu.memory_space<vmem>>, vector<16xf32>,
        tpu.vector_store %arg11[%swap3A_442, %swap3A_443], %mul3A_441 {strides = array<i32>} : memref<128x64xf32, #tpu.memory_space<vmem>>, vector<16xf32>,
        %get3A_445 = arith.index_cast %add3A_423 : i32 to index
        %get3A_446 = arith.constant 48 : index
        %get3A_447 = tpu.vector_load %arg11[%get3A_445, %get3A_446] {strides = array<i32>} : memref<128x64xf32, #tpu.memory_space<vmem>>, vector<16xf32>,
        %mul3A_448 = arith.mulf %get3A_447, %broadcast_in_dim3A_419 : vector<16xf32>
        %swap3A_449 = arith.index_cast %add3A_423 : i32 to index
        %swap3A_450 = arith.constant 48 : index
        %swap3A_451 = tpu.vector_load %arg11[%swap3A_449, %swap3A_450] {strides = array<i32>} : memref<128x64xf32, #tpu.memory_space<vmem>>, vector<16xf32>,
        tpu.vector_store %arg11[%swap3A_449, %swap3A_450], %mul3A_448 {strides = array<i32>} : memref<128x64xf32, #tpu.memory_space<vmem>>, vector<16xf32>,
        %slice3A_452 = vector.extract_strided_slice %get3A_139 {offsets = [9], sizes = [1], strides = [1]} : vector<16xf32> to vector<1xf32>
        %squeeze3A_453 = vector.extract %slice3A_452[0] : f32 from vector<1xf32>
        %broadcast_in_dim3A_454 = vector.broadcast %squeeze3A_453 : f32 to vector<16xf32>
        %mul3A_455 = arith.constant 16 : i32
        %mul3A_456 = arith.muli %scan3A_133, %mul3A_455 : i32
        %add3A_457 = arith.constant 9 : i32
        %add3A_458 = arith.addi %mul3A_456, %add3A_457 : i32
        %get3A_459 = arith.index_cast %add3A_458 : i32 to index
        %get3A_460 = arith.constant 0 : index
        %get3A_461 = tpu.vector_load %arg11[%get3A_459, %get3A_460] {strides = array<i32>} : memref<128x64xf32, #tpu.memory_space<vmem>>, vector<16xf32>,
        %mul3A_462 = arith.mulf %get3A_461, %broadcast_in_dim3A_454 : vector<16xf32>
        %swap3A_463 = arith.index_cast %add3A_458 : i32 to index
        %swap3A_464 = arith.constant 0 : index
        %swap3A_465 = tpu.vector_load %arg11[%swap3A_463, %swap3A_464] {strides = array<i32>} : memref<128x64xf32, #tpu.memory_space<vmem>>, vector<16xf32>,
        tpu.vector_store %arg11[%swap3A_463, %swap3A_464], %mul3A_462 {strides = array<i32>} : memref<128x64xf32, #tpu.memory_space<vmem>>, vector<16xf32>,
        %get3A_466 = arith.index_cast %add3A_458 : i32 to index
        %get3A_467 = arith.constant 16 : index
        %get3A_468 = tpu.vector_load %arg11[%get3A_466, %get3A_467] {strides = array<i32>} : memref<128x64xf32, #tpu.memory_space<vmem>>, vector<16xf32>,
        %mul3A_469 = arith.mulf %get3A_468, %broadcast_in_dim3A_454 : vector<16xf32>
        %swap3A_470 = arith.index_cast %add3A_458 : i32 to index
        %swap3A_471 = arith.constant 16 : index
        %swap3A_472 = tpu.vector_load %arg11[%swap3A_470, %swap3A_471] {strides = array<i32>} : memref<128x64xf32, #tpu.memory_space<vmem>>, vector<16xf32>,
        tpu.vector_store %arg11[%swap3A_470, %swap3A_471], %mul3A_469 {strides = array<i32>} : memref<128x64xf32, #tpu.memory_space<vmem>>, vector<16xf32>,
        %get3A_473 = arith.index_cast %add3A_458 : i32 to index
        %get3A_474 = arith.constant 32 : index
        %get3A_475 = tpu.vector_load %arg11[%get3A_473, %get3A_474] {strides = array<i32>} : memref<128x64xf32, #tpu.memory_space<vmem>>, vector<16xf32>,
        %mul3A_476 = arith.mulf %get3A_475, %broadcast_in_dim3A_454 : vector<16xf32>
        %swap3A_477 = arith.index_cast %add3A_458 : i32 to index
        %swap3A_478 = arith.constant 32 : index
        %swap3A_479 = tpu.vector_load %arg11[%swap3A_477, %swap3A_478] {strides = array<i32>} : memref<128x64xf32, #tpu.memory_space<vmem>>, vector<16xf32>,
        tpu.vector_store %arg11[%swap3A_477, %swap3A_478], %mul3A_476 {strides = array<i32>} : memref<128x64xf32, #tpu.memory_space<vmem>>, vector<16xf32>,
        %get3A_480 = arith.index_cast %add3A_458 : i32 to index
        %get3A_481 = arith.constant 48 : index
        %get3A_482 = tpu.vector_load %arg11[%get3A_480, %get3A_481] {strides = array<i32>} : memref<128x64xf32, #tpu.memory_space<vmem>>, vector<16xf32>,
        %mul3A_483 = arith.mulf %get3A_482, %broadcast_in_dim3A_454 : vector<16xf32>
        %swap3A_484 = arith.index_cast %add3A_458 : i32 to index
        %swap3A_485 = arith.constant 48 : index
        %swap3A_486 = tpu.vector_load %arg11[%swap3A_484, %swap3A_485] {strides = array<i32>} : memref<128x64xf32, #tpu.memory_space<vmem>>, vector<16xf32>,
        tpu.vector_store %arg11[%swap3A_484, %swap3A_485], %mul3A_483 {strides = array<i32>} : memref<128x64xf32, #tpu.memory_space<vmem>>, vector<16xf32>,
        %slice3A_487 = vector.extract_strided_slice %get3A_139 {offsets = [10], sizes = [1], strides = [1]} : vector<16xf32> to vector<1xf32>
        %squeeze3A_488 = vector.extract %slice3A_487[0] : f32 from vector<1xf32>
        %broadcast_in_dim3A_489 = vector.broadcast %squeeze3A_488 : f32 to vector<16xf32>
        %mul3A_490 = arith.constant 16 : i32
        %mul3A_491 = arith.muli %scan3A_133, %mul3A_490 : i32
        %add3A_492 = arith.constant 10 : i32
        %add3A_493 = arith.addi %mul3A_491, %add3A_492 : i32
        %get3A_494 = arith.index_cast %add3A_493 : i32 to index
        %get3A_495 = arith.constant 0 : index
        %get3A_496 = tpu.vector_load %arg11[%get3A_494, %get3A_495] {strides = array<i32>} : memref<128x64xf32, #tpu.memory_space<vmem>>, vector<16xf32>,
        %mul3A_497 = arith.mulf %get3A_496, %broadcast_in_dim3A_489 : vector<16xf32>
        %swap3A_498 = arith.index_cast %add3A_493 : i32 to index
        %swap3A_499 = arith.constant 0 : index
        %swap3A_500 = tpu.vector_load %arg11[%swap3A_498, %swap3A_499] {strides = array<i32>} : memref<128x64xf32, #tpu.memory_space<vmem>>, vector<16xf32>,
        tpu.vector_store %arg11[%swap3A_498, %swap3A_499], %mul3A_497 {strides = array<i32>} : memref<128x64xf32, #tpu.memory_space<vmem>>, vector<16xf32>,
        %get3A_501 = arith.index_cast %add3A_493 : i32 to index
        %get3A_502 = arith.constant 16 : index
        %get3A_503 = tpu.vector_load %arg11[%get3A_501, %get3A_502] {strides = array<i32>} : memref<128x64xf32, #tpu.memory_space<vmem>>, vector<16xf32>,
        %mul3A_504 = arith.mulf %get3A_503, %broadcast_in_dim3A_489 : vector<16xf32>
        %swap3A_505 = arith.index_cast %add3A_493 : i32 to index
        %swap3A_506 = arith.constant 16 : index
        %swap3A_507 = tpu.vector_load %arg11[%swap3A_505, %swap3A_506] {strides = array<i32>} : memref<128x64xf32, #tpu.memory_space<vmem>>, vector<16xf32>,
        tpu.vector_store %arg11[%swap3A_505, %swap3A_506], %mul3A_504 {strides = array<i32>} : memref<128x64xf32, #tpu.memory_space<vmem>>, vector<16xf32>,
        %get3A_508 = arith.index_cast %add3A_493 : i32 to index
        %get3A_509 = arith.constant 32 : index
        %get3A_510 = tpu.vector_load %arg11[%get3A_508, %get3A_509] {strides = array<i32>} : memref<128x64xf32, #tpu.memory_space<vmem>>, vector<16xf32>,
        %mul3A_511 = arith.mulf %get3A_510, %broadcast_in_dim3A_489 : vector<16xf32>
        %swap3A_512 = arith.index_cast %add3A_493 : i32 to index
        %swap3A_513 = arith.constant 32 : index
        %swap3A_514 = tpu.vector_load %arg11[%swap3A_512, %swap3A_513] {strides = array<i32>} : memref<128x64xf32, #tpu.memory_space<vmem>>, vector<16xf32>,
        tpu.vector_store %arg11[%swap3A_512, %swap3A_513], %mul3A_511 {strides = array<i32>} : memref<128x64xf32, #tpu.memory_space<vmem>>, vector<16xf32>,
        %get3A_515 = arith.index_cast %add3A_493 : i32 to index
        %get3A_516 = arith.constant 48 : index
        %get3A_517 = tpu.vector_load %arg11[%get3A_515, %get3A_516] {strides = array<i32>} : memref<128x64xf32, #tpu.memory_space<vmem>>, vector<16xf32>,
        %mul3A_518 = arith.mulf %get3A_517, %broadcast_in_dim3A_489 : vector<16xf32>
        %swap3A_519 = arith.index_cast %add3A_493 : i32 to index
        %swap3A_520 = arith.constant 48 : index
        %swap3A_521 = tpu.vector_load %arg11[%swap3A_519, %swap3A_520] {strides = array<i32>} : memref<128x64xf32, #tpu.memory_space<vmem>>, vector<16xf32>,
        tpu.vector_store %arg11[%swap3A_519, %swap3A_520], %mul3A_518 {strides = array<i32>} : memref<128x64xf32, #tpu.memory_space<vmem>>, vector<16xf32>,
        %slice3A_522 = vector.extract_strided_slice %get3A_139 {offsets = [11], sizes = [1], strides = [1]} : vector<16xf32> to vector<1xf32>
        %squeeze3A_523 = vector.extract %slice3A_522[0] : f32 from vector<1xf32>
        %broadcast_in_dim3A_524 = vector.broadcast %squeeze3A_523 : f32 to vector<16xf32>
        %mul3A_525 = arith.constant 16 : i32
        %mul3A_526 = arith.muli %scan3A_133, %mul3A_525 : i32
        %add3A_527 = arith.constant 11 : i32
        %add3A_528 = arith.addi %mul3A_526, %add3A_527 : i32
        %get3A_529 = arith.index_cast %add3A_528 : i32 to index
        %get3A_530 = arith.constant 0 : index
        %get3A_531 = tpu.vector_load %arg11[%get3A_529, %get3A_530] {strides = array<i32>} : memref<128x64xf32, #tpu.memory_space<vmem>>, vector<16xf32>,
        %mul3A_532 = arith.mulf %get3A_531, %broadcast_in_dim3A_524 : vector<16xf32>
        %swap3A_533 = arith.index_cast %add3A_528 : i32 to index
        %swap3A_534 = arith.constant 0 : index
        %swap3A_535 = tpu.vector_load %arg11[%swap3A_533, %swap3A_534] {strides = array<i32>} : memref<128x64xf32, #tpu.memory_space<vmem>>, vector<16xf32>,
        tpu.vector_store %arg11[%swap3A_533, %swap3A_534], %mul3A_532 {strides = array<i32>} : memref<128x64xf32, #tpu.memory_space<vmem>>, vector<16xf32>,
        %get3A_536 = arith.index_cast %add3A_528 : i32 to index
        %get3A_537 = arith.constant 16 : index
        %get3A_538 = tpu.vector_load %arg11[%get3A_536, %get3A_537] {strides = array<i32>} : memref<128x64xf32, #tpu.memory_space<vmem>>, vector<16xf32>,
        %mul3A_539 = arith.mulf %get3A_538, %broadcast_in_dim3A_524 : vector<16xf32>
        %swap3A_540 = arith.index_cast %add3A_528 : i32 to index
        %swap3A_541 = arith.constant 16 : index
        %swap3A_542 = tpu.vector_load %arg11[%swap3A_540, %swap3A_541] {strides = array<i32>} : memref<128x64xf32, #tpu.memory_space<vmem>>, vector<16xf32>,
        tpu.vector_store %arg11[%swap3A_540, %swap3A_541], %mul3A_539 {strides = array<i32>} : memref<128x64xf32, #tpu.memory_space<vmem>>, vector<16xf32>,
        %get3A_543 = arith.index_cast %add3A_528 : i32 to index
        %get3A_544 = arith.constant 32 : index
        %get3A_545 = tpu.vector_load %arg11[%get3A_543, %get3A_544] {strides = array<i32>} : memref<128x64xf32, #tpu.memory_space<vmem>>, vector<16xf32>,
        %mul3A_546 = arith.mulf %get3A_545, %broadcast_in_dim3A_524 : vector<16xf32>
        %swap3A_547 = arith.index_cast %add3A_528 : i32 to index
        %swap3A_548 = arith.constant 32 : index
        %swap3A_549 = tpu.vector_load %arg11[%swap3A_547, %swap3A_548] {strides = array<i32>} : memref<128x64xf32, #tpu.memory_space<vmem>>, vector<16xf32>,
        tpu.vector_store %arg11[%swap3A_547, %swap3A_548], %mul3A_546 {strides = array<i32>} : memref<128x64xf32, #tpu.memory_space<vmem>>, vector<16xf32>,
        %get3A_550 = arith.index_cast %add3A_528 : i32 to index
        %get3A_551 = arith.constant 48 : index
        %get3A_552 = tpu.vector_load %arg11[%get3A_550, %get3A_551] {strides = array<i32>} : memref<128x64xf32, #tpu.memory_space<vmem>>, vector<16xf32>,
        %mul3A_553 = arith.mulf %get3A_552, %broadcast_in_dim3A_524 : vector<16xf32>
        %swap3A_554 = arith.index_cast %add3A_528 : i32 to index
        %swap3A_555 = arith.constant 48 : index
        %swap3A_556 = tpu.vector_load %arg11[%swap3A_554, %swap3A_555] {strides = array<i32>} : memref<128x64xf32, #tpu.memory_space<vmem>>, vector<16xf32>,
        tpu.vector_store %arg11[%swap3A_554, %swap3A_555], %mul3A_553 {strides = array<i32>} : memref<128x64xf32, #tpu.memory_space<vmem>>, vector<16xf32>,
        %slice3A_557 = vector.extract_strided_slice %get3A_139 {offsets = [12], sizes = [1], strides = [1]} : vector<16xf32> to vector<1xf32>
        %squeeze3A_558 = vector.extract %slice3A_557[0] : f32 from vector<1xf32>
        %broadcast_in_dim3A_559 = vector.broadcast %squeeze3A_558 : f32 to vector<16xf32>
        %mul3A_560 = arith.constant 16 : i32
        %mul3A_561 = arith.muli %scan3A_133, %mul3A_560 : i32
        %add3A_562 = arith.constant 12 : i32
        %add3A_563 = arith.addi %mul3A_561, %add3A_562 : i32
        %get3A_564 = arith.index_cast %add3A_563 : i32 to index
        %get3A_565 = arith.constant 0 : index
        %get3A_566 = tpu.vector_load %arg11[%get3A_564, %get3A_565] {strides = array<i32>} : memref<128x64xf32, #tpu.memory_space<vmem>>, vector<16xf32>,
        %mul3A_567 = arith.mulf %get3A_566, %broadcast_in_dim3A_559 : vector<16xf32>
        %swap3A_568 = arith.index_cast %add3A_563 : i32 to index
        %swap3A_569 = arith.constant 0 : index
        %swap3A_570 = tpu.vector_load %arg11[%swap3A_568, %swap3A_569] {strides = array<i32>} : memref<128x64xf32, #tpu.memory_space<vmem>>, vector<16xf32>,
        tpu.vector_store %arg11[%swap3A_568, %swap3A_569], %mul3A_567 {strides = array<i32>} : memref<128x64xf32, #tpu.memory_space<vmem>>, vector<16xf32>,
        %get3A_571 = arith.index_cast %add3A_563 : i32 to index
        %get3A_572 = arith.constant 16 : index
        %get3A_573 = tpu.vector_load %arg11[%get3A_571, %get3A_572] {strides = array<i32>} : memref<128x64xf32, #tpu.memory_space<vmem>>, vector<16xf32>,
        %mul3A_574 = arith.mulf %get3A_573, %broadcast_in_dim3A_559 : vector<16xf32>
        %swap3A_575 = arith.index_cast %add3A_563 : i32 to index
        %swap3A_576 = arith.constant 16 : index
        %swap3A_577 = tpu.vector_load %arg11[%swap3A_575, %swap3A_576] {strides = array<i32>} : memref<128x64xf32, #tpu.memory_space<vmem>>, vector<16xf32>,
        tpu.vector_store %arg11[%swap3A_575, %swap3A_576], %mul3A_574 {strides = array<i32>} : memref<128x64xf32, #tpu.memory_space<vmem>>, vector<16xf32>,
        %get3A_578 = arith.index_cast %add3A_563 : i32 to index
        %get3A_579 = arith.constant 32 : index
        %get3A_580 = tpu.vector_load %arg11[%get3A_578, %get3A_579] {strides = array<i32>} : memref<128x64xf32, #tpu.memory_space<vmem>>, vector<16xf32>,
        %mul3A_581 = arith.mulf %get3A_580, %broadcast_in_dim3A_559 : vector<16xf32>
        %swap3A_582 = arith.index_cast %add3A_563 : i32 to index
        %swap3A_583 = arith.constant 32 : index
        %swap3A_584 = tpu.vector_load %arg11[%swap3A_582, %swap3A_583] {strides = array<i32>} : memref<128x64xf32, #tpu.memory_space<vmem>>, vector<16xf32>,
        tpu.vector_store %arg11[%swap3A_582, %swap3A_583], %mul3A_581 {strides = array<i32>} : memref<128x64xf32, #tpu.memory_space<vmem>>, vector<16xf32>,
        %get3A_585 = arith.index_cast %add3A_563 : i32 to index
        %get3A_586 = arith.constant 48 : index
        %get3A_587 = tpu.vector_load %arg11[%get3A_585, %get3A_586] {strides = array<i32>} : memref<128x64xf32, #tpu.memory_space<vmem>>, vector<16xf32>,
        %mul3A_588 = arith.mulf %get3A_587, %broadcast_in_dim3A_559 : vector<16xf32>
        %swap3A_589 = arith.index_cast %add3A_563 : i32 to index
        %swap3A_590 = arith.constant 48 : index
        %swap3A_591 = tpu.vector_load %arg11[%swap3A_589, %swap3A_590] {strides = array<i32>} : memref<128x64xf32, #tpu.memory_space<vmem>>, vector<16xf32>,
        tpu.vector_store %arg11[%swap3A_589, %swap3A_590], %mul3A_588 {strides = array<i32>} : memref<128x64xf32, #tpu.memory_space<vmem>>, vector<16xf32>,
        %slice3A_592 = vector.extract_strided_slice %get3A_139 {offsets = [13], sizes = [1], strides = [1]} : vector<16xf32> to vector<1xf32>
        %squeeze3A_593 = vector.extract %slice3A_592[0] : f32 from vector<1xf32>
        %broadcast_in_dim3A_594 = vector.broadcast %squeeze3A_593 : f32 to vector<16xf32>
        %mul3A_595 = arith.constant 16 : i32
        %mul3A_596 = arith.muli %scan3A_133, %mul3A_595 : i32
        %add3A_597 = arith.constant 13 : i32
        %add3A_598 = arith.addi %mul3A_596, %add3A_597 : i32
        %get3A_599 = arith.index_cast %add3A_598 : i32 to index
        %get3A_600 = arith.constant 0 : index
        %get3A_601 = tpu.vector_load %arg11[%get3A_599, %get3A_600] {strides = array<i32>} : memref<128x64xf32, #tpu.memory_space<vmem>>, vector<16xf32>,
        %mul3A_602 = arith.mulf %get3A_601, %broadcast_in_dim3A_594 : vector<16xf32>
        %swap3A_603 = arith.index_cast %add3A_598 : i32 to index
        %swap3A_604 = arith.constant 0 : index
        %swap3A_605 = tpu.vector_load %arg11[%swap3A_603, %swap3A_604] {strides = array<i32>} : memref<128x64xf32, #tpu.memory_space<vmem>>, vector<16xf32>,
        tpu.vector_store %arg11[%swap3A_603, %swap3A_604], %mul3A_602 {strides = array<i32>} : memref<128x64xf32, #tpu.memory_space<vmem>>, vector<16xf32>,
        %get3A_606 = arith.index_cast %add3A_598 : i32 to index
        %get3A_607 = arith.constant 16 : index
        %get3A_608 = tpu.vector_load %arg11[%get3A_606, %get3A_607] {strides = array<i32>} : memref<128x64xf32, #tpu.memory_space<vmem>>, vector<16xf32>,
        %mul3A_609 = arith.mulf %get3A_608, %broadcast_in_dim3A_594 : vector<16xf32>
        %swap3A_610 = arith.index_cast %add3A_598 : i32 to index
        %swap3A_611 = arith.constant 16 : index
        %swap3A_612 = tpu.vector_load %arg11[%swap3A_610, %swap3A_611] {strides = array<i32>} : memref<128x64xf32, #tpu.memory_space<vmem>>, vector<16xf32>,
        tpu.vector_store %arg11[%swap3A_610, %swap3A_611], %mul3A_609 {strides = array<i32>} : memref<128x64xf32, #tpu.memory_space<vmem>>, vector<16xf32>,
        %get3A_613 = arith.index_cast %add3A_598 : i32 to index
        %get3A_614 = arith.constant 32 : index
        %get3A_615 = tpu.vector_load %arg11[%get3A_613, %get3A_614] {strides = array<i32>} : memref<128x64xf32, #tpu.memory_space<vmem>>, vector<16xf32>,
        %mul3A_616 = arith.mulf %get3A_615, %broadcast_in_dim3A_594 : vector<16xf32>
        %swap3A_617 = arith.index_cast %add3A_598 : i32 to index
        %swap3A_618 = arith.constant 32 : index
        %swap3A_619 = tpu.vector_load %arg11[%swap3A_617, %swap3A_618] {strides = array<i32>} : memref<128x64xf32, #tpu.memory_space<vmem>>, vector<16xf32>,
        tpu.vector_store %arg11[%swap3A_617, %swap3A_618], %mul3A_616 {strides = array<i32>} : memref<128x64xf32, #tpu.memory_space<vmem>>, vector<16xf32>,
        %get3A_620 = arith.index_cast %add3A_598 : i32 to index
        %get3A_621 = arith.constant 48 : index
        %get3A_622 = tpu.vector_load %arg11[%get3A_620, %get3A_621] {strides = array<i32>} : memref<128x64xf32, #tpu.memory_space<vmem>>, vector<16xf32>,
        %mul3A_623 = arith.mulf %get3A_622, %broadcast_in_dim3A_594 : vector<16xf32>
        %swap3A_624 = arith.index_cast %add3A_598 : i32 to index
        %swap3A_625 = arith.constant 48 : index
        %swap3A_626 = tpu.vector_load %arg11[%swap3A_624, %swap3A_625] {strides = array<i32>} : memref<128x64xf32, #tpu.memory_space<vmem>>, vector<16xf32>,
        tpu.vector_store %arg11[%swap3A_624, %swap3A_625], %mul3A_623 {strides = array<i32>} : memref<128x64xf32, #tpu.memory_space<vmem>>, vector<16xf32>,
        %slice3A_627 = vector.extract_strided_slice %get3A_139 {offsets = [14], sizes = [1], strides = [1]} : vector<16xf32> to vector<1xf32>
        %squeeze3A_628 = vector.extract %slice3A_627[0] : f32 from vector<1xf32>
        %broadcast_in_dim3A_629 = vector.broadcast %squeeze3A_628 : f32 to vector<16xf32>
        %mul3A_630 = arith.constant 16 : i32
        %mul3A_631 = arith.muli %scan3A_133, %mul3A_630 : i32
        %add3A_632 = arith.constant 14 : i32
        %add3A_633 = arith.addi %mul3A_631, %add3A_632 : i32
        %get3A_634 = arith.index_cast %add3A_633 : i32 to index
        %get3A_635 = arith.constant 0 : index
        %get3A_636 = tpu.vector_load %arg11[%get3A_634, %get3A_635] {strides = array<i32>} : memref<128x64xf32, #tpu.memory_space<vmem>>, vector<16xf32>,
        %mul3A_637 = arith.mulf %get3A_636, %broadcast_in_dim3A_629 : vector<16xf32>
        %swap3A_638 = arith.index_cast %add3A_633 : i32 to index
        %swap3A_639 = arith.constant 0 : index
        %swap3A_640 = tpu.vector_load %arg11[%swap3A_638, %swap3A_639] {strides = array<i32>} : memref<128x64xf32, #tpu.memory_space<vmem>>, vector<16xf32>,
        tpu.vector_store %arg11[%swap3A_638, %swap3A_639], %mul3A_637 {strides = array<i32>} : memref<128x64xf32, #tpu.memory_space<vmem>>, vector<16xf32>,
        %get3A_641 = arith.index_cast %add3A_633 : i32 to index
        %get3A_642 = arith.constant 16 : index
        %get3A_643 = tpu.vector_load %arg11[%get3A_641, %get3A_642] {strides = array<i32>} : memref<128x64xf32, #tpu.memory_space<vmem>>, vector<16xf32>,
        %mul3A_644 = arith.mulf %get3A_643, %broadcast_in_dim3A_629 : vector<16xf32>
        %swap3A_645 = arith.index_cast %add3A_633 : i32 to index
        %swap3A_646 = arith.constant 16 : index
        %swap3A_647 = tpu.vector_load %arg11[%swap3A_645, %swap3A_646] {strides = array<i32>} : memref<128x64xf32, #tpu.memory_space<vmem>>, vector<16xf32>,
        tpu.vector_store %arg11[%swap3A_645, %swap3A_646], %mul3A_644 {strides = array<i32>} : memref<128x64xf32, #tpu.memory_space<vmem>>, vector<16xf32>,
        %get3A_648 = arith.index_cast %add3A_633 : i32 to index
        %get3A_649 = arith.constant 32 : index
        %get3A_650 = tpu.vector_load %arg11[%get3A_648, %get3A_649] {strides = array<i32>} : memref<128x64xf32, #tpu.memory_space<vmem>>, vector<16xf32>,
        %mul3A_651 = arith.mulf %get3A_650, %broadcast_in_dim3A_629 : vector<16xf32>
        %swap3A_652 = arith.index_cast %add3A_633 : i32 to index
        %swap3A_653 = arith.constant 32 : index
        %swap3A_654 = tpu.vector_load %arg11[%swap3A_652, %swap3A_653] {strides = array<i32>} : memref<128x64xf32, #tpu.memory_space<vmem>>, vector<16xf32>,
        tpu.vector_store %arg11[%swap3A_652, %swap3A_653], %mul3A_651 {strides = array<i32>} : memref<128x64xf32, #tpu.memory_space<vmem>>, vector<16xf32>,
        %get3A_655 = arith.index_cast %add3A_633 : i32 to index
        %get3A_656 = arith.constant 48 : index
        %get3A_657 = tpu.vector_load %arg11[%get3A_655, %get3A_656] {strides = array<i32>} : memref<128x64xf32, #tpu.memory_space<vmem>>, vector<16xf32>,
        %mul3A_658 = arith.mulf %get3A_657, %broadcast_in_dim3A_629 : vector<16xf32>
        %swap3A_659 = arith.index_cast %add3A_633 : i32 to index
        %swap3A_660 = arith.constant 48 : index
        %swap3A_661 = tpu.vector_load %arg11[%swap3A_659, %swap3A_660] {strides = array<i32>} : memref<128x64xf32, #tpu.memory_space<vmem>>, vector<16xf32>,
        tpu.vector_store %arg11[%swap3A_659, %swap3A_660], %mul3A_658 {strides = array<i32>} : memref<128x64xf32, #tpu.memory_space<vmem>>, vector<16xf32>,
        %slice3A_662 = vector.extract_strided_slice %get3A_139 {offsets = [15], sizes = [1], strides = [1]} : vector<16xf32> to vector<1xf32>
        %squeeze3A_663 = vector.extract %slice3A_662[0] : f32 from vector<1xf32>
        %broadcast_in_dim3A_664 = vector.broadcast %squeeze3A_663 : f32 to vector<16xf32>
        %mul3A_665 = arith.constant 16 : i32
        %mul3A_666 = arith.muli %scan3A_133, %mul3A_665 : i32
        %add3A_667 = arith.constant 15 : i32
        %add3A_668 = arith.addi %mul3A_666, %add3A_667 : i32
        %get3A_669 = arith.index_cast %add3A_668 : i32 to index
        %get3A_670 = arith.constant 0 : index
        %get3A_671 = tpu.vector_load %arg11[%get3A_669, %get3A_670] {strides = array<i32>} : memref<128x64xf32, #tpu.memory_space<vmem>>, vector<16xf32>,
        %mul3A_672 = arith.mulf %get3A_671, %broadcast_in_dim3A_664 : vector<16xf32>
        %swap3A_673 = arith.index_cast %add3A_668 : i32 to index
        %swap3A_674 = arith.constant 0 : index
        %swap3A_675 = tpu.vector_load %arg11[%swap3A_673, %swap3A_674] {strides = array<i32>} : memref<128x64xf32, #tpu.memory_space<vmem>>, vector<16xf32>,
        tpu.vector_store %arg11[%swap3A_673, %swap3A_674], %mul3A_672 {strides = array<i32>} : memref<128x64xf32, #tpu.memory_space<vmem>>, vector<16xf32>,
        %get3A_676 = arith.index_cast %add3A_668 : i32 to index
        %get3A_677 = arith.constant 16 : index
        %get3A_678 = tpu.vector_load %arg11[%get3A_676, %get3A_677] {strides = array<i32>} : memref<128x64xf32, #tpu.memory_space<vmem>>, vector<16xf32>,
        %mul3A_679 = arith.mulf %get3A_678, %broadcast_in_dim3A_664 : vector<16xf32>
        %swap3A_680 = arith.index_cast %add3A_668 : i32 to index
        %swap3A_681 = arith.constant 16 : index
        %swap3A_682 = tpu.vector_load %arg11[%swap3A_680, %swap3A_681] {strides = array<i32>} : memref<128x64xf32, #tpu.memory_space<vmem>>, vector<16xf32>,
        tpu.vector_store %arg11[%swap3A_680, %swap3A_681], %mul3A_679 {strides = array<i32>} : memref<128x64xf32, #tpu.memory_space<vmem>>, vector<16xf32>,
        %get3A_683 = arith.index_cast %add3A_668 : i32 to index
        %get3A_684 = arith.constant 32 : index
        %get3A_685 = tpu.vector_load %arg11[%get3A_683, %get3A_684] {strides = array<i32>} : memref<128x64xf32, #tpu.memory_space<vmem>>, vector<16xf32>,
        %mul3A_686 = arith.mulf %get3A_685, %broadcast_in_dim3A_664 : vector<16xf32>
        %swap3A_687 = arith.index_cast %add3A_668 : i32 to index
        %swap3A_688 = arith.constant 32 : index
        %swap3A_689 = tpu.vector_load %arg11[%swap3A_687, %swap3A_688] {strides = array<i32>} : memref<128x64xf32, #tpu.memory_space<vmem>>, vector<16xf32>,
        tpu.vector_store %arg11[%swap3A_687, %swap3A_688], %mul3A_686 {strides = array<i32>} : memref<128x64xf32, #tpu.memory_space<vmem>>, vector<16xf32>,
        %get3A_690 = arith.index_cast %add3A_668 : i32 to index
        %get3A_691 = arith.constant 48 : index
        %get3A_692 = tpu.vector_load %arg11[%get3A_690, %get3A_691] {strides = array<i32>} : memref<128x64xf32, #tpu.memory_space<vmem>>, vector<16xf32>,
        %mul3A_693 = arith.mulf %get3A_692, %broadcast_in_dim3A_664 : vector<16xf32>
        %swap3A_694 = arith.index_cast %add3A_668 : i32 to index
        %swap3A_695 = arith.constant 48 : index
        %swap3A_696 = tpu.vector_load %arg11[%swap3A_694, %swap3A_695] {strides = array<i32>} : memref<128x64xf32, #tpu.memory_space<vmem>>, vector<16xf32>,
        tpu.vector_store %arg11[%swap3A_694, %swap3A_695], %mul3A_693 {strides = array<i32>} : memref<128x64xf32, #tpu.memory_space<vmem>>, vector<16xf32>,
      }
      %scan3A_97 = arith.constant 8 : i32
      %dma_start3A_98 = arith.constant 0 : i32
      %dma_start3A_99 = arith.constant 0 : i32
      %dma_start3A_100 = tpu.memref_slice %arg9[%mul3A_85, %dma_start3A_98, %dma_start3A_99] : memref<80x1x128xi32, #tpu.memory_space<vmem>> -> memref<1x1x128xi32, #tpu.memory_space<vmem>>
      %dma_start3A_101 = tpu.memref_squeeze %dma_start3A_100 : memref<1x1x128xi32, #tpu.memory_space<vmem>> -> memref<128xi32, #tpu.memory_space<vmem>>
      %dma_start3A_102 = arith.constant 0 : i32
      %dma_start3A_103 = arith.constant 0 : i32
      %dma_start3A_104 = tpu.memref_slice %arg14[%dma_start3A_102, %dma_start3A_103] : memref<10112x64xf32, #tpu.memory_space<vmem_shared>> -> memref<10112x64xf32, #tpu.memory_space<vmem_shared>>
      tpu.enqueue_indirect_dma source(%arg11 : memref<128x64xf32, #tpu.memory_space<vmem>>) target(%dma_start3A_104 : memref<10112x64xf32, #tpu.memory_space<vmem_shared>>) offsets(%dma_start3A_101 : memref<128xi32, #tpu.memory_space<vmem>>) semaphore(%arg17 : memref<!tpu.dma_semaphore, #tpu.memory_space<semaphore_mem>>) {add = true}
      %dma_wait3A_105 = arith.constant 0 : i32
      %dma_wait3A_106 = arith.constant 0 : i32
      %dma_wait3A_107 = tpu.memref_slice %arg2[%dma_wait3A_105, %dma_wait3A_106] : memref<10000x128xf32, #tpu.memory_space<hbm>> -> memref<128x64xf32, #tpu.memory_space<hbm>>
      %dma_wait3A_108 = arith.constant 0 : i32
      %dma_wait3A_109 = arith.constant 0 : i32
      %dma_wait3A_110 = tpu.memref_slice %arg2[%dma_wait3A_108, %dma_wait3A_109] : memref<10000x128xf32, #tpu.memory_space<hbm>> -> memref<128x64xf32, #tpu.memory_space<hbm>>
      tpu.wait_dma2 semaphore(%arg16 : memref<!tpu.dma_semaphore, #tpu.memory_space<semaphore_mem>>) src(%dma_wait3A_110 : memref<128x64xf32, #tpu.memory_space<hbm>>) dst(%arg12 : memref<128x64xf32, #tpu.memory_space<vmem>>)
      %add3A_111 = arith.constant 1 : i32
      %add3A_112 = arith.addi %mul3A_85, %add3A_111 : i32
      %scan3A_113 = arith.constant 0 : i32
      %scan3A_114 = arith.constant 0 : i32
      %scan3A_115 = arith.constant 8 : i32
      %scan3A_116 = arith.addi %scan3A_114, %scan3A_115 : i32
      %scan3A_117 = arith.constant 1 : i32
      scf.for %scan3A_133 = %scan3A_114 to %scan3A_116 step %scan3A_117  : i32 {
        %mul3A_134 = arith.constant 128 : i32
        %mul3A_135 = arith.muli %add3A_112, %mul3A_134 : i32
        %mul3A_136 = arith.constant 16 : i32
        %mul3A_137 = arith.muli %scan3A_133, %mul3A_136 : i32
        %add3A_138 = arith.addi %mul3A_135, %mul3A_137 : i32
        %get3A = arith.index_cast %add3A_138 : i32 to index
        %get3A_139 = tpu.vector_load %arg10[%get3A] {strides = array<i32>} : memref<10240xf32, #tpu.memory_space<vmem>>, vector<16xf32>,
        %slice3A = vector.extract_strided_slice %get3A_139 {offsets = [0], sizes = [1], strides = [1]} : vector<16xf32> to vector<1xf32>
        %squeeze3A = vector.extract %slice3A[0] : f32 from vector<1xf32>
        %broadcast_in_dim3A_140 = vector.broadcast %squeeze3A : f32 to vector<16xf32>
        %mul3A_141 = arith.constant 16 : i32
        %mul3A_142 = arith.muli %scan3A_133, %mul3A_141 : i32
        %add3A_143 = arith.constant 0 : i32
        %add3A_144 = arith.addi %mul3A_142, %add3A_143 : i32
        %get3A_145 = arith.index_cast %add3A_144 : i32 to index
        %get3A_146 = arith.constant 0 : index
        %get3A_147 = tpu.vector_load %arg12[%get3A_145, %get3A_146] {strides = array<i32>} : memref<128x64xf32, #tpu.memory_space<vmem>>, vector<16xf32>,
        %mul3A_148 = arith.mulf %get3A_147, %broadcast_in_dim3A_140 : vector<16xf32>
        %swap3A = arith.index_cast %add3A_144 : i32 to index
        %swap3A_149 = arith.constant 0 : index
        %swap3A_150 = tpu.vector_load %arg12[%swap3A, %swap3A_149] {strides = array<i32>} : memref<128x64xf32, #tpu.memory_space<vmem>>, vector<16xf32>,
        tpu.vector_store %arg12[%swap3A, %swap3A_149], %mul3A_148 {strides = array<i32>} : memref<128x64xf32, #tpu.memory_space<vmem>>, vector<16xf32>,
        %get3A_151 = arith.index_cast %add3A_144 : i32 to index
        %get3A_152 = arith.constant 16 : index
        %get3A_153 = tpu.vector_load %arg12[%get3A_151, %get3A_152] {strides = array<i32>} : memref<128x64xf32, #tpu.memory_space<vmem>>, vector<16xf32>,
        %mul3A_154 = arith.mulf %get3A_153, %broadcast_in_dim3A_140 : vector<16xf32>
        %swap3A_155 = arith.index_cast %add3A_144 : i32 to index
        %swap3A_156 = arith.constant 16 : index
        %swap3A_157 = tpu.vector_load %arg12[%swap3A_155, %swap3A_156] {strides = array<i32>} : memref<128x64xf32, #tpu.memory_space<vmem>>, vector<16xf32>,
        tpu.vector_store %arg12[%swap3A_155, %swap3A_156], %mul3A_154 {strides = array<i32>} : memref<128x64xf32, #tpu.memory_space<vmem>>, vector<16xf32>,
        %get3A_158 = arith.index_cast %add3A_144 : i32 to index
        %get3A_159 = arith.constant 32 : index
        %get3A_160 = tpu.vector_load %arg12[%get3A_158, %get3A_159] {strides = array<i32>} : memref<128x64xf32, #tpu.memory_space<vmem>>, vector<16xf32>,
        %mul3A_161 = arith.mulf %get3A_160, %broadcast_in_dim3A_140 : vector<16xf32>
        %swap3A_162 = arith.index_cast %add3A_144 : i32 to index
        %swap3A_163 = arith.constant 32 : index
        %swap3A_164 = tpu.vector_load %arg12[%swap3A_162, %swap3A_163] {strides = array<i32>} : memref<128x64xf32, #tpu.memory_space<vmem>>, vector<16xf32>,
        tpu.vector_store %arg12[%swap3A_162, %swap3A_163], %mul3A_161 {strides = array<i32>} : memref<128x64xf32, #tpu.memory_space<vmem>>, vector<16xf32>,
        %get3A_165 = arith.index_cast %add3A_144 : i32 to index
        %get3A_166 = arith.constant 48 : index
        %get3A_167 = tpu.vector_load %arg12[%get3A_165, %get3A_166] {strides = array<i32>} : memref<128x64xf32, #tpu.memory_space<vmem>>, vector<16xf32>,
        %mul3A_168 = arith.mulf %get3A_167, %broadcast_in_dim3A_140 : vector<16xf32>
        %swap3A_169 = arith.index_cast %add3A_144 : i32 to index
        %swap3A_170 = arith.constant 48 : index
        %swap3A_171 = tpu.vector_load %arg12[%swap3A_169, %swap3A_170] {strides = array<i32>} : memref<128x64xf32, #tpu.memory_space<vmem>>, vector<16xf32>,
        tpu.vector_store %arg12[%swap3A_169, %swap3A_170], %mul3A_168 {strides = array<i32>} : memref<128x64xf32, #tpu.memory_space<vmem>>, vector<16xf32>,
        %slice3A_172 = vector.extract_strided_slice %get3A_139 {offsets = [1], sizes = [1], strides = [1]} : vector<16xf32> to vector<1xf32>
        %squeeze3A_173 = vector.extract %slice3A_172[0] : f32 from vector<1xf32>
        %broadcast_in_dim3A_174 = vector.broadcast %squeeze3A_173 : f32 to vector<16xf32>
        %mul3A_175 = arith.constant 16 : i32
        %mul3A_176 = arith.muli %scan3A_133, %mul3A_175 : i32
        %add3A_177 = arith.constant 1 : i32
        %add3A_178 = arith.addi %mul3A_176, %add3A_177 : i32
        %get3A_179 = arith.index_cast %add3A_178 : i32 to index
        %get3A_180 = arith.constant 0 : index
        %get3A_181 = tpu.vector_load %arg12[%get3A_179, %get3A_180] {strides = array<i32>} : memref<128x64xf32, #tpu.memory_space<vmem>>, vector<16xf32>,
        %mul3A_182 = arith.mulf %get3A_181, %broadcast_in_dim3A_174 : vector<16xf32>
        %swap3A_183 = arith.index_cast %add3A_178 : i32 to index
        %swap3A_184 = arith.constant 0 : index
        %swap3A_185 = tpu.vector_load %arg12[%swap3A_183, %swap3A_184] {strides = array<i32>} : memref<128x64xf32, #tpu.memory_space<vmem>>, vector<16xf32>,
        tpu.vector_store %arg12[%swap3A_183, %swap3A_184], %mul3A_182 {strides = array<i32>} : memref<128x64xf32, #tpu.memory_space<vmem>>, vector<16xf32>,
        %get3A_186 = arith.index_cast %add3A_178 : i32 to index
        %get3A_187 = arith.constant 16 : index
        %get3A_188 = tpu.vector_load %arg12[%get3A_186, %get3A_187] {strides = array<i32>} : memref<128x64xf32, #tpu.memory_space<vmem>>, vector<16xf32>,
        %mul3A_189 = arith.mulf %get3A_188, %broadcast_in_dim3A_174 : vector<16xf32>
        %swap3A_190 = arith.index_cast %add3A_178 : i32 to index
        %swap3A_191 = arith.constant 16 : index
        %swap3A_192 = tpu.vector_load %arg12[%swap3A_190, %swap3A_191] {strides = array<i32>} : memref<128x64xf32, #tpu.memory_space<vmem>>, vector<16xf32>,
        tpu.vector_store %arg12[%swap3A_190, %swap3A_191], %mul3A_189 {strides = array<i32>} : memref<128x64xf32, #tpu.memory_space<vmem>>, vector<16xf32>,
        %get3A_193 = arith.index_cast %add3A_178 : i32 to index
        %get3A_194 = arith.constant 32 : index
        %get3A_195 = tpu.vector_load %arg12[%get3A_193, %get3A_194] {strides = array<i32>} : memref<128x64xf32, #tpu.memory_space<vmem>>, vector<16xf32>,
        %mul3A_196 = arith.mulf %get3A_195, %broadcast_in_dim3A_174 : vector<16xf32>
        %swap3A_197 = arith.index_cast %add3A_178 : i32 to index
        %swap3A_198 = arith.constant 32 : index
        %swap3A_199 = tpu.vector_load %arg12[%swap3A_197, %swap3A_198] {strides = array<i32>} : memref<128x64xf32, #tpu.memory_space<vmem>>, vector<16xf32>,
        tpu.vector_store %arg12[%swap3A_197, %swap3A_198], %mul3A_196 {strides = array<i32>} : memref<128x64xf32, #tpu.memory_space<vmem>>, vector<16xf32>,
        %get3A_200 = arith.index_cast %add3A_178 : i32 to index
        %get3A_201 = arith.constant 48 : index
        %get3A_202 = tpu.vector_load %arg12[%get3A_200, %get3A_201] {strides = array<i32>} : memref<128x64xf32, #tpu.memory_space<vmem>>, vector<16xf32>,
        %mul3A_203 = arith.mulf %get3A_202, %broadcast_in_dim3A_174 : vector<16xf32>
        %swap3A_204 = arith.index_cast %add3A_178 : i32 to index
        %swap3A_205 = arith.constant 48 : index
        %swap3A_206 = tpu.vector_load %arg12[%swap3A_204, %swap3A_205] {strides = array<i32>} : memref<128x64xf32, #tpu.memory_space<vmem>>, vector<16xf32>,
        tpu.vector_store %arg12[%swap3A_204, %swap3A_205], %mul3A_203 {strides = array<i32>} : memref<128x64xf32, #tpu.memory_space<vmem>>, vector<16xf32>,
        %slice3A_207 = vector.extract_strided_slice %get3A_139 {offsets = [2], sizes = [1], strides = [1]} : vector<16xf32> to vector<1xf32>
        %squeeze3A_208 = vector.extract %slice3A_207[0] : f32 from vector<1xf32>
        %broadcast_in_dim3A_209 = vector.broadcast %squeeze3A_208 : f32 to vector<16xf32>
        %mul3A_210 = arith.constant 16 : i32
        %mul3A_211 = arith.muli %scan3A_133, %mul3A_210 : i32
        %add3A_212 = arith.constant 2 : i32
        %add3A_213 = arith.addi %mul3A_211, %add3A_212 : i32
        %get3A_214 = arith.index_cast %add3A_213 : i32 to index
        %get3A_215 = arith.constant 0 : index
        %get3A_216 = tpu.vector_load %arg12[%get3A_214, %get3A_215] {strides = array<i32>} : memref<128x64xf32, #tpu.memory_space<vmem>>, vector<16xf32>,
        %mul3A_217 = arith.mulf %get3A_216, %broadcast_in_dim3A_209 : vector<16xf32>
        %swap3A_218 = arith.index_cast %add3A_213 : i32 to index
        %swap3A_219 = arith.constant 0 : index
        %swap3A_220 = tpu.vector_load %arg12[%swap3A_218, %swap3A_219] {strides = array<i32>} : memref<128x64xf32, #tpu.memory_space<vmem>>, vector<16xf32>,
        tpu.vector_store %arg12[%swap3A_218, %swap3A_219], %mul3A_217 {strides = array<i32>} : memref<128x64xf32, #tpu.memory_space<vmem>>, vector<16xf32>,
        %get3A_221 = arith.index_cast %add3A_213 : i32 to index
        %get3A_222 = arith.constant 16 : index
        %get3A_223 = tpu.vector_load %arg12[%get3A_221, %get3A_222] {strides = array<i32>} : memref<128x64xf32, #tpu.memory_space<vmem>>, vector<16xf32>,
        %mul3A_224 = arith.mulf %get3A_223, %broadcast_in_dim3A_209 : vector<16xf32>
        %swap3A_225 = arith.index_cast %add3A_213 : i32 to index
        %swap3A_226 = arith.constant 16 : index
        %swap3A_227 = tpu.vector_load %arg12[%swap3A_225, %swap3A_226] {strides = array<i32>} : memref<128x64xf32, #tpu.memory_space<vmem>>, vector<16xf32>,
        tpu.vector_store %arg12[%swap3A_225, %swap3A_226], %mul3A_224 {strides = array<i32>} : memref<128x64xf32, #tpu.memory_space<vmem>>, vector<16xf32>,
        %get3A_228 = arith.index_cast %add3A_213 : i32 to index
        %get3A_229 = arith.constant 32 : index
        %get3A_230 = tpu.vector_load %arg12[%get3A_228, %get3A_229] {strides = array<i32>} : memref<128x64xf32, #tpu.memory_space<vmem>>, vector<16xf32>,
        %mul3A_231 = arith.mulf %get3A_230, %broadcast_in_dim3A_209 : vector<16xf32>
        %swap3A_232 = arith.index_cast %add3A_213 : i32 to index
        %swap3A_233 = arith.constant 32 : index
        %swap3A_234 = tpu.vector_load %arg12[%swap3A_232, %swap3A_233] {strides = array<i32>} : memref<128x64xf32, #tpu.memory_space<vmem>>, vector<16xf32>,
        tpu.vector_store %arg12[%swap3A_232, %swap3A_233], %mul3A_231 {strides = array<i32>} : memref<128x64xf32, #tpu.memory_space<vmem>>, vector<16xf32>,
        %get3A_235 = arith.index_cast %add3A_213 : i32 to index
        %get3A_236 = arith.constant 48 : index
        %get3A_237 = tpu.vector_load %arg12[%get3A_235, %get3A_236] {strides = array<i32>} : memref<128x64xf32, #tpu.memory_space<vmem>>, vector<16xf32>,
        %mul3A_238 = arith.mulf %get3A_237, %broadcast_in_dim3A_209 : vector<16xf32>
        %swap3A_239 = arith.index_cast %add3A_213 : i32 to index
        %swap3A_240 = arith.constant 48 : index
        %swap3A_241 = tpu.vector_load %arg12[%swap3A_239, %swap3A_240] {strides = array<i32>} : memref<128x64xf32, #tpu.memory_space<vmem>>, vector<16xf32>,
        tpu.vector_store %arg12[%swap3A_239, %swap3A_240], %mul3A_238 {strides = array<i32>} : memref<128x64xf32, #tpu.memory_space<vmem>>, vector<16xf32>,
        %slice3A_242 = vector.extract_strided_slice %get3A_139 {offsets = [3], sizes = [1], strides = [1]} : vector<16xf32> to vector<1xf32>
        %squeeze3A_243 = vector.extract %slice3A_242[0] : f32 from vector<1xf32>
        %broadcast_in_dim3A_244 = vector.broadcast %squeeze3A_243 : f32 to vector<16xf32>
        %mul3A_245 = arith.constant 16 : i32
        %mul3A_246 = arith.muli %scan3A_133, %mul3A_245 : i32
        %add3A_247 = arith.constant 3 : i32
        %add3A_248 = arith.addi %mul3A_246, %add3A_247 : i32
        %get3A_249 = arith.index_cast %add3A_248 : i32 to index
        %get3A_250 = arith.constant 0 : index
        %get3A_251 = tpu.vector_load %arg12[%get3A_249, %get3A_250] {strides = array<i32>} : memref<128x64xf32, #tpu.memory_space<vmem>>, vector<16xf32>,
        %mul3A_252 = arith.mulf %get3A_251, %broadcast_in_dim3A_244 : vector<16xf32>
        %swap3A_253 = arith.index_cast %add3A_248 : i32 to index
        %swap3A_254 = arith.constant 0 : index
        %swap3A_255 = tpu.vector_load %arg12[%swap3A_253, %swap3A_254] {strides = array<i32>} : memref<128x64xf32, #tpu.memory_space<vmem>>, vector<16xf32>,
        tpu.vector_store %arg12[%swap3A_253, %swap3A_254], %mul3A_252 {strides = array<i32>} : memref<128x64xf32, #tpu.memory_space<vmem>>, vector<16xf32>,
        %get3A_256 = arith.index_cast %add3A_248 : i32 to index
        %get3A_257 = arith.constant 16 : index
        %get3A_258 = tpu.vector_load %arg12[%get3A_256, %get3A_257] {strides = array<i32>} : memref<128x64xf32, #tpu.memory_space<vmem>>, vector<16xf32>,
        %mul3A_259 = arith.mulf %get3A_258, %broadcast_in_dim3A_244 : vector<16xf32>
        %swap3A_260 = arith.index_cast %add3A_248 : i32 to index
        %swap3A_261 = arith.constant 16 : index
        %swap3A_262 = tpu.vector_load %arg12[%swap3A_260, %swap3A_261] {strides = array<i32>} : memref<128x64xf32, #tpu.memory_space<vmem>>, vector<16xf32>,
        tpu.vector_store %arg12[%swap3A_260, %swap3A_261], %mul3A_259 {strides = array<i32>} : memref<128x64xf32, #tpu.memory_space<vmem>>, vector<16xf32>,
        %get3A_263 = arith.index_cast %add3A_248 : i32 to index
        %get3A_264 = arith.constant 32 : index
        %get3A_265 = tpu.vector_load %arg12[%get3A_263, %get3A_264] {strides = array<i32>} : memref<128x64xf32, #tpu.memory_space<vmem>>, vector<16xf32>,
        %mul3A_266 = arith.mulf %get3A_265, %broadcast_in_dim3A_244 : vector<16xf32>
        %swap3A_267 = arith.index_cast %add3A_248 : i32 to index
        %swap3A_268 = arith.constant 32 : index
        %swap3A_269 = tpu.vector_load %arg12[%swap3A_267, %swap3A_268] {strides = array<i32>} : memref<128x64xf32, #tpu.memory_space<vmem>>, vector<16xf32>,
        tpu.vector_store %arg12[%swap3A_267, %swap3A_268], %mul3A_266 {strides = array<i32>} : memref<128x64xf32, #tpu.memory_space<vmem>>, vector<16xf32>,
        %get3A_270 = arith.index_cast %add3A_248 : i32 to index
        %get3A_271 = arith.constant 48 : index
        %get3A_272 = tpu.vector_load %arg12[%get3A_270, %get3A_271] {strides = array<i32>} : memref<128x64xf32, #tpu.memory_space<vmem>>, vector<16xf32>,
        %mul3A_273 = arith.mulf %get3A_272, %broadcast_in_dim3A_244 : vector<16xf32>
        %swap3A_274 = arith.index_cast %add3A_248 : i32 to index
        %swap3A_275 = arith.constant 48 : index
        %swap3A_276 = tpu.vector_load %arg12[%swap3A_274, %swap3A_275] {strides = array<i32>} : memref<128x64xf32, #tpu.memory_space<vmem>>, vector<16xf32>,
        tpu.vector_store %arg12[%swap3A_274, %swap3A_275], %mul3A_273 {strides = array<i32>} : memref<128x64xf32, #tpu.memory_space<vmem>>, vector<16xf32>,
        %slice3A_277 = vector.extract_strided_slice %get3A_139 {offsets = [4], sizes = [1], strides = [1]} : vector<16xf32> to vector<1xf32>
        %squeeze3A_278 = vector.extract %slice3A_277[0] : f32 from vector<1xf32>
        %broadcast_in_dim3A_279 = vector.broadcast %squeeze3A_278 : f32 to vector<16xf32>
        %mul3A_280 = arith.constant 16 : i32
        %mul3A_281 = arith.muli %scan3A_133, %mul3A_280 : i32
        %add3A_282 = arith.constant 4 : i32
        %add3A_283 = arith.addi %mul3A_281, %add3A_282 : i32
        %get3A_284 = arith.index_cast %add3A_283 : i32 to index
        %get3A_285 = arith.constant 0 : index
        %get3A_286 = tpu.vector_load %arg12[%get3A_284, %get3A_285] {strides = array<i32>} : memref<128x64xf32, #tpu.memory_space<vmem>>, vector<16xf32>,
        %mul3A_287 = arith.mulf %get3A_286, %broadcast_in_dim3A_279 : vector<16xf32>
        %swap3A_288 = arith.index_cast %add3A_283 : i32 to index
        %swap3A_289 = arith.constant 0 : index
        %swap3A_290 = tpu.vector_load %arg12[%swap3A_288, %swap3A_289] {strides = array<i32>} : memref<128x64xf32, #tpu.memory_space<vmem>>, vector<16xf32>,
        tpu.vector_store %arg12[%swap3A_288, %swap3A_289], %mul3A_287 {strides = array<i32>} : memref<128x64xf32, #tpu.memory_space<vmem>>, vector<16xf32>,
        %get3A_291 = arith.index_cast %add3A_283 : i32 to index
        %get3A_292 = arith.constant 16 : index
        %get3A_293 = tpu.vector_load %arg12[%get3A_291, %get3A_292] {strides = array<i32>} : memref<128x64xf32, #tpu.memory_space<vmem>>, vector<16xf32>,
        %mul3A_294 = arith.mulf %get3A_293, %broadcast_in_dim3A_279 : vector<16xf32>
        %swap3A_295 = arith.index_cast %add3A_283 : i32 to index
        %swap3A_296 = arith.constant 16 : index
        %swap3A_297 = tpu.vector_load %arg12[%swap3A_295, %swap3A_296] {strides = array<i32>} : memref<128x64xf32, #tpu.memory_space<vmem>>, vector<16xf32>,
        tpu.vector_store %arg12[%swap3A_295, %swap3A_296], %mul3A_294 {strides = array<i32>} : memref<128x64xf32, #tpu.memory_space<vmem>>, vector<16xf32>,
        %get3A_298 = arith.index_cast %add3A_283 : i32 to index
        %get3A_299 = arith.constant 32 : index
        %get3A_300 = tpu.vector_load %arg12[%get3A_298, %get3A_299] {strides = array<i32>} : memref<128x64xf32, #tpu.memory_space<vmem>>, vector<16xf32>,
        %mul3A_301 = arith.mulf %get3A_300, %broadcast_in_dim3A_279 : vector<16xf32>
        %swap3A_302 = arith.index_cast %add3A_283 : i32 to index
        %swap3A_303 = arith.constant 32 : index
        %swap3A_304 = tpu.vector_load %arg12[%swap3A_302, %swap3A_303] {strides = array<i32>} : memref<128x64xf32, #tpu.memory_space<vmem>>, vector<16xf32>,
        tpu.vector_store %arg12[%swap3A_302, %swap3A_303], %mul3A_301 {strides = array<i32>} : memref<128x64xf32, #tpu.memory_space<vmem>>, vector<16xf32>,
        %get3A_305 = arith.index_cast %add3A_283 : i32 to index
        %get3A_306 = arith.constant 48 : index
        %get3A_307 = tpu.vector_load %arg12[%get3A_305, %get3A_306] {strides = array<i32>} : memref<128x64xf32, #tpu.memory_space<vmem>>, vector<16xf32>,
        %mul3A_308 = arith.mulf %get3A_307, %broadcast_in_dim3A_279 : vector<16xf32>
        %swap3A_309 = arith.index_cast %add3A_283 : i32 to index
        %swap3A_310 = arith.constant 48 : index
        %swap3A_311 = tpu.vector_load %arg12[%swap3A_309, %swap3A_310] {strides = array<i32>} : memref<128x64xf32, #tpu.memory_space<vmem>>, vector<16xf32>,
        tpu.vector_store %arg12[%swap3A_309, %swap3A_310], %mul3A_308 {strides = array<i32>} : memref<128x64xf32, #tpu.memory_space<vmem>>, vector<16xf32>,
        %slice3A_312 = vector.extract_strided_slice %get3A_139 {offsets = [5], sizes = [1], strides = [1]} : vector<16xf32> to vector<1xf32>
        %squeeze3A_313 = vector.extract %slice3A_312[0] : f32 from vector<1xf32>
        %broadcast_in_dim3A_314 = vector.broadcast %squeeze3A_313 : f32 to vector<16xf32>
        %mul3A_315 = arith.constant 16 : i32
        %mul3A_316 = arith.muli %scan3A_133, %mul3A_315 : i32
        %add3A_317 = arith.constant 5 : i32
        %add3A_318 = arith.addi %mul3A_316, %add3A_317 : i32
        %get3A_319 = arith.index_cast %add3A_318 : i32 to index
        %get3A_320 = arith.constant 0 : index
        %get3A_321 = tpu.vector_load %arg12[%get3A_319, %get3A_320] {strides = array<i32>} : memref<128x64xf32, #tpu.memory_space<vmem>>, vector<16xf32>,
        %mul3A_322 = arith.mulf %get3A_321, %broadcast_in_dim3A_314 : vector<16xf32>
        %swap3A_323 = arith.index_cast %add3A_318 : i32 to index
        %swap3A_324 = arith.constant 0 : index
        %swap3A_325 = tpu.vector_load %arg12[%swap3A_323, %swap3A_324] {strides = array<i32>} : memref<128x64xf32, #tpu.memory_space<vmem>>, vector<16xf32>,
        tpu.vector_store %arg12[%swap3A_323, %swap3A_324], %mul3A_322 {strides = array<i32>} : memref<128x64xf32, #tpu.memory_space<vmem>>, vector<16xf32>,
        %get3A_326 = arith.index_cast %add3A_318 : i32 to index
        %get3A_327 = arith.constant 16 : index
        %get3A_328 = tpu.vector_load %arg12[%get3A_326, %get3A_327] {strides = array<i32>} : memref<128x64xf32, #tpu.memory_space<vmem>>, vector<16xf32>,
        %mul3A_329 = arith.mulf %get3A_328, %broadcast_in_dim3A_314 : vector<16xf32>
        %swap3A_330 = arith.index_cast %add3A_318 : i32 to index
        %swap3A_331 = arith.constant 16 : index
        %swap3A_332 = tpu.vector_load %arg12[%swap3A_330, %swap3A_331] {strides = array<i32>} : memref<128x64xf32, #tpu.memory_space<vmem>>, vector<16xf32>,
        tpu.vector_store %arg12[%swap3A_330, %swap3A_331], %mul3A_329 {strides = array<i32>} : memref<128x64xf32, #tpu.memory_space<vmem>>, vector<16xf32>,
        %get3A_333 = arith.index_cast %add3A_318 : i32 to index
        %get3A_334 = arith.constant 32 : index
        %get3A_335 = tpu.vector_load %arg12[%get3A_333, %get3A_334] {strides = array<i32>} : memref<128x64xf32, #tpu.memory_space<vmem>>, vector<16xf32>,
        %mul3A_336 = arith.mulf %get3A_335, %broadcast_in_dim3A_314 : vector<16xf32>
        %swap3A_337 = arith.index_cast %add3A_318 : i32 to index
        %swap3A_338 = arith.constant 32 : index
        %swap3A_339 = tpu.vector_load %arg12[%swap3A_337, %swap3A_338] {strides = array<i32>} : memref<128x64xf32, #tpu.memory_space<vmem>>, vector<16xf32>,
        tpu.vector_store %arg12[%swap3A_337, %swap3A_338], %mul3A_336 {strides = array<i32>} : memref<128x64xf32, #tpu.memory_space<vmem>>, vector<16xf32>,
        %get3A_340 = arith.index_cast %add3A_318 : i32 to index
        %get3A_341 = arith.constant 48 : index
        %get3A_342 = tpu.vector_load %arg12[%get3A_340, %get3A_341] {strides = array<i32>} : memref<128x64xf32, #tpu.memory_space<vmem>>, vector<16xf32>,
        %mul3A_343 = arith.mulf %get3A_342, %broadcast_in_dim3A_314 : vector<16xf32>
        %swap3A_344 = arith.index_cast %add3A_318 : i32 to index
        %swap3A_345 = arith.constant 48 : index
        %swap3A_346 = tpu.vector_load %arg12[%swap3A_344, %swap3A_345] {strides = array<i32>} : memref<128x64xf32, #tpu.memory_space<vmem>>, vector<16xf32>,
        tpu.vector_store %arg12[%swap3A_344, %swap3A_345], %mul3A_343 {strides = array<i32>} : memref<128x64xf32, #tpu.memory_space<vmem>>, vector<16xf32>,
        %slice3A_347 = vector.extract_strided_slice %get3A_139 {offsets = [6], sizes = [1], strides = [1]} : vector<16xf32> to vector<1xf32>
        %squeeze3A_348 = vector.extract %slice3A_347[0] : f32 from vector<1xf32>
        %broadcast_in_dim3A_349 = vector.broadcast %squeeze3A_348 : f32 to vector<16xf32>
        %mul3A_350 = arith.constant 16 : i32
        %mul3A_351 = arith.muli %scan3A_133, %mul3A_350 : i32
        %add3A_352 = arith.constant 6 : i32
        %add3A_353 = arith.addi %mul3A_351, %add3A_352 : i32
        %get3A_354 = arith.index_cast %add3A_353 : i32 to index
        %get3A_355 = arith.constant 0 : index
        %get3A_356 = tpu.vector_load %arg12[%get3A_354, %get3A_355] {strides = array<i32>} : memref<128x64xf32, #tpu.memory_space<vmem>>, vector<16xf32>,
        %mul3A_357 = arith.mulf %get3A_356, %broadcast_in_dim3A_349 : vector<16xf32>
        %swap3A_358 = arith.index_cast %add3A_353 : i32 to index
        %swap3A_359 = arith.constant 0 : index
        %swap3A_360 = tpu.vector_load %arg12[%swap3A_358, %swap3A_359] {strides = array<i32>} : memref<128x64xf32, #tpu.memory_space<vmem>>, vector<16xf32>,
        tpu.vector_store %arg12[%swap3A_358, %swap3A_359], %mul3A_357 {strides = array<i32>} : memref<128x64xf32, #tpu.memory_space<vmem>>, vector<16xf32>,
        %get3A_361 = arith.index_cast %add3A_353 : i32 to index
        %get3A_362 = arith.constant 16 : index
        %get3A_363 = tpu.vector_load %arg12[%get3A_361, %get3A_362] {strides = array<i32>} : memref<128x64xf32, #tpu.memory_space<vmem>>, vector<16xf32>,
        %mul3A_364 = arith.mulf %get3A_363, %broadcast_in_dim3A_349 : vector<16xf32>
        %swap3A_365 = arith.index_cast %add3A_353 : i32 to index
        %swap3A_366 = arith.constant 16 : index
        %swap3A_367 = tpu.vector_load %arg12[%swap3A_365, %swap3A_366] {strides = array<i32>} : memref<128x64xf32, #tpu.memory_space<vmem>>, vector<16xf32>,
        tpu.vector_store %arg12[%swap3A_365, %swap3A_366], %mul3A_364 {strides = array<i32>} : memref<128x64xf32, #tpu.memory_space<vmem>>, vector<16xf32>,
        %get3A_368 = arith.index_cast %add3A_353 : i32 to index
        %get3A_369 = arith.constant 32 : index
        %get3A_370 = tpu.vector_load %arg12[%get3A_368, %get3A_369] {strides = array<i32>} : memref<128x64xf32, #tpu.memory_space<vmem>>, vector<16xf32>,
        %mul3A_371 = arith.mulf %get3A_370, %broadcast_in_dim3A_349 : vector<16xf32>
        %swap3A_372 = arith.index_cast %add3A_353 : i32 to index
        %swap3A_373 = arith.constant 32 : index
        %swap3A_374 = tpu.vector_load %arg12[%swap3A_372, %swap3A_373] {strides = array<i32>} : memref<128x64xf32, #tpu.memory_space<vmem>>, vector<16xf32>,
        tpu.vector_store %arg12[%swap3A_372, %swap3A_373], %mul3A_371 {strides = array<i32>} : memref<128x64xf32, #tpu.memory_space<vmem>>, vector<16xf32>,
        %get3A_375 = arith.index_cast %add3A_353 : i32 to index
        %get3A_376 = arith.constant 48 : index
        %get3A_377 = tpu.vector_load %arg12[%get3A_375, %get3A_376] {strides = array<i32>} : memref<128x64xf32, #tpu.memory_space<vmem>>, vector<16xf32>,
        %mul3A_378 = arith.mulf %get3A_377, %broadcast_in_dim3A_349 : vector<16xf32>
        %swap3A_379 = arith.index_cast %add3A_353 : i32 to index
        %swap3A_380 = arith.constant 48 : index
        %swap3A_381 = tpu.vector_load %arg12[%swap3A_379, %swap3A_380] {strides = array<i32>} : memref<128x64xf32, #tpu.memory_space<vmem>>, vector<16xf32>,
        tpu.vector_store %arg12[%swap3A_379, %swap3A_380], %mul3A_378 {strides = array<i32>} : memref<128x64xf32, #tpu.memory_space<vmem>>, vector<16xf32>,
        %slice3A_382 = vector.extract_strided_slice %get3A_139 {offsets = [7], sizes = [1], strides = [1]} : vector<16xf32> to vector<1xf32>
        %squeeze3A_383 = vector.extract %slice3A_382[0] : f32 from vector<1xf32>
        %broadcast_in_dim3A_384 = vector.broadcast %squeeze3A_383 : f32 to vector<16xf32>
        %mul3A_385 = arith.constant 16 : i32
        %mul3A_386 = arith.muli %scan3A_133, %mul3A_385 : i32
        %add3A_387 = arith.constant 7 : i32
        %add3A_388 = arith.addi %mul3A_386, %add3A_387 : i32
        %get3A_389 = arith.index_cast %add3A_388 : i32 to index
        %get3A_390 = arith.constant 0 : index
        %get3A_391 = tpu.vector_load %arg12[%get3A_389, %get3A_390] {strides = array<i32>} : memref<128x64xf32, #tpu.memory_space<vmem>>, vector<16xf32>,
        %mul3A_392 = arith.mulf %get3A_391, %broadcast_in_dim3A_384 : vector<16xf32>
        %swap3A_393 = arith.index_cast %add3A_388 : i32 to index
        %swap3A_394 = arith.constant 0 : index
        %swap3A_395 = tpu.vector_load %arg12[%swap3A_393, %swap3A_394] {strides = array<i32>} : memref<128x64xf32, #tpu.memory_space<vmem>>, vector<16xf32>,
        tpu.vector_store %arg12[%swap3A_393, %swap3A_394], %mul3A_392 {strides = array<i32>} : memref<128x64xf32, #tpu.memory_space<vmem>>, vector<16xf32>,
        %get3A_396 = arith.index_cast %add3A_388 : i32 to index
        %get3A_397 = arith.constant 16 : index
        %get3A_398 = tpu.vector_load %arg12[%get3A_396, %get3A_397] {strides = array<i32>} : memref<128x64xf32, #tpu.memory_space<vmem>>, vector<16xf32>,
        %mul3A_399 = arith.mulf %get3A_398, %broadcast_in_dim3A_384 : vector<16xf32>
        %swap3A_400 = arith.index_cast %add3A_388 : i32 to index
        %swap3A_401 = arith.constant 16 : index
        %swap3A_402 = tpu.vector_load %arg12[%swap3A_400, %swap3A_401] {strides = array<i32>} : memref<128x64xf32, #tpu.memory_space<vmem>>, vector<16xf32>,
        tpu.vector_store %arg12[%swap3A_400, %swap3A_401], %mul3A_399 {strides = array<i32>} : memref<128x64xf32, #tpu.memory_space<vmem>>, vector<16xf32>,
        %get3A_403 = arith.index_cast %add3A_388 : i32 to index
        %get3A_404 = arith.constant 32 : index
        %get3A_405 = tpu.vector_load %arg12[%get3A_403, %get3A_404] {strides = array<i32>} : memref<128x64xf32, #tpu.memory_space<vmem>>, vector<16xf32>,
        %mul3A_406 = arith.mulf %get3A_405, %broadcast_in_dim3A_384 : vector<16xf32>
        %swap3A_407 = arith.index_cast %add3A_388 : i32 to index
        %swap3A_408 = arith.constant 32 : index
        %swap3A_409 = tpu.vector_load %arg12[%swap3A_407, %swap3A_408] {strides = array<i32>} : memref<128x64xf32, #tpu.memory_space<vmem>>, vector<16xf32>,
        tpu.vector_store %arg12[%swap3A_407, %swap3A_408], %mul3A_406 {strides = array<i32>} : memref<128x64xf32, #tpu.memory_space<vmem>>, vector<16xf32>,
        %get3A_410 = arith.index_cast %add3A_388 : i32 to index
        %get3A_411 = arith.constant 48 : index
        %get3A_412 = tpu.vector_load %arg12[%get3A_410, %get3A_411] {strides = array<i32>} : memref<128x64xf32, #tpu.memory_space<vmem>>, vector<16xf32>,
        %mul3A_413 = arith.mulf %get3A_412, %broadcast_in_dim3A_384 : vector<16xf32>
        %swap3A_414 = arith.index_cast %add3A_388 : i32 to index
        %swap3A_415 = arith.constant 48 : index
        %swap3A_416 = tpu.vector_load %arg12[%swap3A_414, %swap3A_415] {strides = array<i32>} : memref<128x64xf32, #tpu.memory_space<vmem>>, vector<16xf32>,
        tpu.vector_store %arg12[%swap3A_414, %swap3A_415], %mul3A_413 {strides = array<i32>} : memref<128x64xf32, #tpu.memory_space<vmem>>, vector<16xf32>,
        %slice3A_417 = vector.extract_strided_slice %get3A_139 {offsets = [8], sizes = [1], strides = [1]} : vector<16xf32> to vector<1xf32>
        %squeeze3A_418 = vector.extract %slice3A_417[0] : f32 from vector<1xf32>
        %broadcast_in_dim3A_419 = vector.broadcast %squeeze3A_418 : f32 to vector<16xf32>
        %mul3A_420 = arith.constant 16 : i32
        %mul3A_421 = arith.muli %scan3A_133, %mul3A_420 : i32
        %add3A_422 = arith.constant 8 : i32
        %add3A_423 = arith.addi %mul3A_421, %add3A_422 : i32
        %get3A_424 = arith.index_cast %add3A_423 : i32 to index
        %get3A_425 = arith.constant 0 : index
        %get3A_426 = tpu.vector_load %arg12[%get3A_424, %get3A_425] {strides = array<i32>} : memref<128x64xf32, #tpu.memory_space<vmem>>, vector<16xf32>,
        %mul3A_427 = arith.mulf %get3A_426, %broadcast_in_dim3A_419 : vector<16xf32>
        %swap3A_428 = arith.index_cast %add3A_423 : i32 to index
        %swap3A_429 = arith.constant 0 : index
        %swap3A_430 = tpu.vector_load %arg12[%swap3A_428, %swap3A_429] {strides = array<i32>} : memref<128x64xf32, #tpu.memory_space<vmem>>, vector<16xf32>,
        tpu.vector_store %arg12[%swap3A_428, %swap3A_429], %mul3A_427 {strides = array<i32>} : memref<128x64xf32, #tpu.memory_space<vmem>>, vector<16xf32>,
        %get3A_431 = arith.index_cast %add3A_423 : i32 to index
        %get3A_432 = arith.constant 16 : index
        %get3A_433 = tpu.vector_load %arg12[%get3A_431, %get3A_432] {strides = array<i32>} : memref<128x64xf32, #tpu.memory_space<vmem>>, vector<16xf32>,
        %mul3A_434 = arith.mulf %get3A_433, %broadcast_in_dim3A_419 : vector<16xf32>
        %swap3A_435 = arith.index_cast %add3A_423 : i32 to index
        %swap3A_436 = arith.constant 16 : index
        %swap3A_437 = tpu.vector_load %arg12[%swap3A_435, %swap3A_436] {strides = array<i32>} : memref<128x64xf32, #tpu.memory_space<vmem>>, vector<16xf32>,
        tpu.vector_store %arg12[%swap3A_435, %swap3A_436], %mul3A_434 {strides = array<i32>} : memref<128x64xf32, #tpu.memory_space<vmem>>, vector<16xf32>,
        %get3A_438 = arith.index_cast %add3A_423 : i32 to index
        %get3A_439 = arith.constant 32 : index
        %get3A_440 = tpu.vector_load %arg12[%get3A_438, %get3A_439] {strides = array<i32>} : memref<128x64xf32, #tpu.memory_space<vmem>>, vector<16xf32>,
        %mul3A_441 = arith.mulf %get3A_440, %broadcast_in_dim3A_419 : vector<16xf32>
        %swap3A_442 = arith.index_cast %add3A_423 : i32 to index
        %swap3A_443 = arith.constant 32 : index
        %swap3A_444 = tpu.vector_load %arg12[%swap3A_442, %swap3A_443] {strides = array<i32>} : memref<128x64xf32, #tpu.memory_space<vmem>>, vector<16xf32>,
        tpu.vector_store %arg12[%swap3A_442, %swap3A_443], %mul3A_441 {strides = array<i32>} : memref<128x64xf32, #tpu.memory_space<vmem>>, vector<16xf32>,
        %get3A_445 = arith.index_cast %add3A_423 : i32 to index
        %get3A_446 = arith.constant 48 : index
        %get3A_447 = tpu.vector_load %arg12[%get3A_445, %get3A_446] {strides = array<i32>} : memref<128x64xf32, #tpu.memory_space<vmem>>, vector<16xf32>,
        %mul3A_448 = arith.mulf %get3A_447, %broadcast_in_dim3A_419 : vector<16xf32>
        %swap3A_449 = arith.index_cast %add3A_423 : i32 to index
        %swap3A_450 = arith.constant 48 : index
        %swap3A_451 = tpu.vector_load %arg12[%swap3A_449, %swap3A_450] {strides = array<i32>} : memref<128x64xf32, #tpu.memory_space<vmem>>, vector<16xf32>,
        tpu.vector_store %arg12[%swap3A_449, %swap3A_450], %mul3A_448 {strides = array<i32>} : memref<128x64xf32, #tpu.memory_space<vmem>>, vector<16xf32>,
        %slice3A_452 = vector.extract_strided_slice %get3A_139 {offsets = [9], sizes = [1], strides = [1]} : vector<16xf32> to vector<1xf32>
        %squeeze3A_453 = vector.extract %slice3A_452[0] : f32 from vector<1xf32>
        %broadcast_in_dim3A_454 = vector.broadcast %squeeze3A_453 : f32 to vector<16xf32>
        %mul3A_455 = arith.constant 16 : i32
        %mul3A_456 = arith.muli %scan3A_133, %mul3A_455 : i32
        %add3A_457 = arith.constant 9 : i32
        %add3A_458 = arith.addi %mul3A_456, %add3A_457 : i32
        %get3A_459 = arith.index_cast %add3A_458 : i32 to index
        %get3A_460 = arith.constant 0 : index
        %get3A_461 = tpu.vector_load %arg12[%get3A_459, %get3A_460] {strides = array<i32>} : memref<128x64xf32, #tpu.memory_space<vmem>>, vector<16xf32>,
        %mul3A_462 = arith.mulf %get3A_461, %broadcast_in_dim3A_454 : vector<16xf32>
        %swap3A_463 = arith.index_cast %add3A_458 : i32 to index
        %swap3A_464 = arith.constant 0 : index
        %swap3A_465 = tpu.vector_load %arg12[%swap3A_463, %swap3A_464] {strides = array<i32>} : memref<128x64xf32, #tpu.memory_space<vmem>>, vector<16xf32>,
        tpu.vector_store %arg12[%swap3A_463, %swap3A_464], %mul3A_462 {strides = array<i32>} : memref<128x64xf32, #tpu.memory_space<vmem>>, vector<16xf32>,
        %get3A_466 = arith.index_cast %add3A_458 : i32 to index
        %get3A_467 = arith.constant 16 : index
        %get3A_468 = tpu.vector_load %arg12[%get3A_466, %get3A_467] {strides = array<i32>} : memref<128x64xf32, #tpu.memory_space<vmem>>, vector<16xf32>,
        %mul3A_469 = arith.mulf %get3A_468, %broadcast_in_dim3A_454 : vector<16xf32>
        %swap3A_470 = arith.index_cast %add3A_458 : i32 to index
        %swap3A_471 = arith.constant 16 : index
        %swap3A_472 = tpu.vector_load %arg12[%swap3A_470, %swap3A_471] {strides = array<i32>} : memref<128x64xf32, #tpu.memory_space<vmem>>, vector<16xf32>,
        tpu.vector_store %arg12[%swap3A_470, %swap3A_471], %mul3A_469 {strides = array<i32>} : memref<128x64xf32, #tpu.memory_space<vmem>>, vector<16xf32>,
        %get3A_473 = arith.index_cast %add3A_458 : i32 to index
        %get3A_474 = arith.constant 32 : index
        %get3A_475 = tpu.vector_load %arg12[%get3A_473, %get3A_474] {strides = array<i32>} : memref<128x64xf32, #tpu.memory_space<vmem>>, vector<16xf32>,
        %mul3A_476 = arith.mulf %get3A_475, %broadcast_in_dim3A_454 : vector<16xf32>
        %swap3A_477 = arith.index_cast %add3A_458 : i32 to index
        %swap3A_478 = arith.constant 32 : index
        %swap3A_479 = tpu.vector_load %arg12[%swap3A_477, %swap3A_478] {strides = array<i32>} : memref<128x64xf32, #tpu.memory_space<vmem>>, vector<16xf32>,
        tpu.vector_store %arg12[%swap3A_477, %swap3A_478], %mul3A_476 {strides = array<i32>} : memref<128x64xf32, #tpu.memory_space<vmem>>, vector<16xf32>,
        %get3A_480 = arith.index_cast %add3A_458 : i32 to index
        %get3A_481 = arith.constant 48 : index
        %get3A_482 = tpu.vector_load %arg12[%get3A_480, %get3A_481] {strides = array<i32>} : memref<128x64xf32, #tpu.memory_space<vmem>>, vector<16xf32>,
        %mul3A_483 = arith.mulf %get3A_482, %broadcast_in_dim3A_454 : vector<16xf32>
        %swap3A_484 = arith.index_cast %add3A_458 : i32 to index
        %swap3A_485 = arith.constant 48 : index
        %swap3A_486 = tpu.vector_load %arg12[%swap3A_484, %swap3A_485] {strides = array<i32>} : memref<128x64xf32, #tpu.memory_space<vmem>>, vector<16xf32>,
        tpu.vector_store %arg12[%swap3A_484, %swap3A_485], %mul3A_483 {strides = array<i32>} : memref<128x64xf32, #tpu.memory_space<vmem>>, vector<16xf32>,
        %slice3A_487 = vector.extract_strided_slice %get3A_139 {offsets = [10], sizes = [1], strides = [1]} : vector<16xf32> to vector<1xf32>
        %squeeze3A_488 = vector.extract %slice3A_487[0] : f32 from vector<1xf32>
        %broadcast_in_dim3A_489 = vector.broadcast %squeeze3A_488 : f32 to vector<16xf32>
        %mul3A_490 = arith.constant 16 : i32
        %mul3A_491 = arith.muli %scan3A_133, %mul3A_490 : i32
        %add3A_492 = arith.constant 10 : i32
        %add3A_493 = arith.addi %mul3A_491, %add3A_492 : i32
        %get3A_494 = arith.index_cast %add3A_493 : i32 to index
        %get3A_495 = arith.constant 0 : index
        %get3A_496 = tpu.vector_load %arg12[%get3A_494, %get3A_495] {strides = array<i32>} : memref<128x64xf32, #tpu.memory_space<vmem>>, vector<16xf32>,
        %mul3A_497 = arith.mulf %get3A_496, %broadcast_in_dim3A_489 : vector<16xf32>
        %swap3A_498 = arith.index_cast %add3A_493 : i32 to index
        %swap3A_499 = arith.constant 0 : index
        %swap3A_500 = tpu.vector_load %arg12[%swap3A_498, %swap3A_499] {strides = array<i32>} : memref<128x64xf32, #tpu.memory_space<vmem>>, vector<16xf32>,
        tpu.vector_store %arg12[%swap3A_498, %swap3A_499], %mul3A_497 {strides = array<i32>} : memref<128x64xf32, #tpu.memory_space<vmem>>, vector<16xf32>,
        %get3A_501 = arith.index_cast %add3A_493 : i32 to index
        %get3A_502 = arith.constant 16 : index
        %get3A_503 = tpu.vector_load %arg12[%get3A_501, %get3A_502] {strides = array<i32>} : memref<128x64xf32, #tpu.memory_space<vmem>>, vector<16xf32>,
        %mul3A_504 = arith.mulf %get3A_503, %broadcast_in_dim3A_489 : vector<16xf32>
        %swap3A_505 = arith.index_cast %add3A_493 : i32 to index
        %swap3A_506 = arith.constant 16 : index
        %swap3A_507 = tpu.vector_load %arg12[%swap3A_505, %swap3A_506] {strides = array<i32>} : memref<128x64xf32, #tpu.memory_space<vmem>>, vector<16xf32>,
        tpu.vector_store %arg12[%swap3A_505, %swap3A_506], %mul3A_504 {strides = array<i32>} : memref<128x64xf32, #tpu.memory_space<vmem>>, vector<16xf32>,
        %get3A_508 = arith.index_cast %add3A_493 : i32 to index
        %get3A_509 = arith.constant 32 : index
        %get3A_510 = tpu.vector_load %arg12[%get3A_508, %get3A_509] {strides = array<i32>} : memref<128x64xf32, #tpu.memory_space<vmem>>, vector<16xf32>,
        %mul3A_511 = arith.mulf %get3A_510, %broadcast_in_dim3A_489 : vector<16xf32>
        %swap3A_512 = arith.index_cast %add3A_493 : i32 to index
        %swap3A_513 = arith.constant 32 : index
        %swap3A_514 = tpu.vector_load %arg12[%swap3A_512, %swap3A_513] {strides = array<i32>} : memref<128x64xf32, #tpu.memory_space<vmem>>, vector<16xf32>,
        tpu.vector_store %arg12[%swap3A_512, %swap3A_513], %mul3A_511 {strides = array<i32>} : memref<128x64xf32, #tpu.memory_space<vmem>>, vector<16xf32>,
        %get3A_515 = arith.index_cast %add3A_493 : i32 to index
        %get3A_516 = arith.constant 48 : index
        %get3A_517 = tpu.vector_load %arg12[%get3A_515, %get3A_516] {strides = array<i32>} : memref<128x64xf32, #tpu.memory_space<vmem>>, vector<16xf32>,
        %mul3A_518 = arith.mulf %get3A_517, %broadcast_in_dim3A_489 : vector<16xf32>
        %swap3A_519 = arith.index_cast %add3A_493 : i32 to index
        %swap3A_520 = arith.constant 48 : index
        %swap3A_521 = tpu.vector_load %arg12[%swap3A_519, %swap3A_520] {strides = array<i32>} : memref<128x64xf32, #tpu.memory_space<vmem>>, vector<16xf32>,
        tpu.vector_store %arg12[%swap3A_519, %swap3A_520], %mul3A_518 {strides = array<i32>} : memref<128x64xf32, #tpu.memory_space<vmem>>, vector<16xf32>,
        %slice3A_522 = vector.extract_strided_slice %get3A_139 {offsets = [11], sizes = [1], strides = [1]} : vector<16xf32> to vector<1xf32>
        %squeeze3A_523 = vector.extract %slice3A_522[0] : f32 from vector<1xf32>
        %broadcast_in_dim3A_524 = vector.broadcast %squeeze3A_523 : f32 to vector<16xf32>
        %mul3A_525 = arith.constant 16 : i32
        %mul3A_526 = arith.muli %scan3A_133, %mul3A_525 : i32
        %add3A_527 = arith.constant 11 : i32
        %add3A_528 = arith.addi %mul3A_526, %add3A_527 : i32
        %get3A_529 = arith.index_cast %add3A_528 : i32 to index
        %get3A_530 = arith.constant 0 : index
        %get3A_531 = tpu.vector_load %arg12[%get3A_529, %get3A_530] {strides = array<i32>} : memref<128x64xf32, #tpu.memory_space<vmem>>, vector<16xf32>,
        %mul3A_532 = arith.mulf %get3A_531, %broadcast_in_dim3A_524 : vector<16xf32>
        %swap3A_533 = arith.index_cast %add3A_528 : i32 to index
        %swap3A_534 = arith.constant 0 : index
        %swap3A_535 = tpu.vector_load %arg12[%swap3A_533, %swap3A_534] {strides = array<i32>} : memref<128x64xf32, #tpu.memory_space<vmem>>, vector<16xf32>,
        tpu.vector_store %arg12[%swap3A_533, %swap3A_534], %mul3A_532 {strides = array<i32>} : memref<128x64xf32, #tpu.memory_space<vmem>>, vector<16xf32>,
        %get3A_536 = arith.index_cast %add3A_528 : i32 to index
        %get3A_537 = arith.constant 16 : index
        %get3A_538 = tpu.vector_load %arg12[%get3A_536, %get3A_537] {strides = array<i32>} : memref<128x64xf32, #tpu.memory_space<vmem>>, vector<16xf32>,
        %mul3A_539 = arith.mulf %get3A_538, %broadcast_in_dim3A_524 : vector<16xf32>
        %swap3A_540 = arith.index_cast %add3A_528 : i32 to index
        %swap3A_541 = arith.constant 16 : index
        %swap3A_542 = tpu.vector_load %arg12[%swap3A_540, %swap3A_541] {strides = array<i32>} : memref<128x64xf32, #tpu.memory_space<vmem>>, vector<16xf32>,
        tpu.vector_store %arg12[%swap3A_540, %swap3A_541], %mul3A_539 {strides = array<i32>} : memref<128x64xf32, #tpu.memory_space<vmem>>, vector<16xf32>,
        %get3A_543 = arith.index_cast %add3A_528 : i32 to index
        %get3A_544 = arith.constant 32 : index
        %get3A_545 = tpu.vector_load %arg12[%get3A_543, %get3A_544] {strides = array<i32>} : memref<128x64xf32, #tpu.memory_space<vmem>>, vector<16xf32>,
        %mul3A_546 = arith.mulf %get3A_545, %broadcast_in_dim3A_524 : vector<16xf32>
        %swap3A_547 = arith.index_cast %add3A_528 : i32 to index
        %swap3A_548 = arith.constant 32 : index
        %swap3A_549 = tpu.vector_load %arg12[%swap3A_547, %swap3A_548] {strides = array<i32>} : memref<128x64xf32, #tpu.memory_space<vmem>>, vector<16xf32>,
        tpu.vector_store %arg12[%swap3A_547, %swap3A_548], %mul3A_546 {strides = array<i32>} : memref<128x64xf32, #tpu.memory_space<vmem>>, vector<16xf32>,
        %get3A_550 = arith.index_cast %add3A_528 : i32 to index
        %get3A_551 = arith.constant 48 : index
        %get3A_552 = tpu.vector_load %arg12[%get3A_550, %get3A_551] {strides = array<i32>} : memref<128x64xf32, #tpu.memory_space<vmem>>, vector<16xf32>,
        %mul3A_553 = arith.mulf %get3A_552, %broadcast_in_dim3A_524 : vector<16xf32>
        %swap3A_554 = arith.index_cast %add3A_528 : i32 to index
        %swap3A_555 = arith.constant 48 : index
        %swap3A_556 = tpu.vector_load %arg12[%swap3A_554, %swap3A_555] {strides = array<i32>} : memref<128x64xf32, #tpu.memory_space<vmem>>, vector<16xf32>,
        tpu.vector_store %arg12[%swap3A_554, %swap3A_555], %mul3A_553 {strides = array<i32>} : memref<128x64xf32, #tpu.memory_space<vmem>>, vector<16xf32>,
        %slice3A_557 = vector.extract_strided_slice %get3A_139 {offsets = [12], sizes = [1], strides = [1]} : vector<16xf32> to vector<1xf32>
        %squeeze3A_558 = vector.extract %slice3A_557[0] : f32 from vector<1xf32>
        %broadcast_in_dim3A_559 = vector.broadcast %squeeze3A_558 : f32 to vector<16xf32>
        %mul3A_560 = arith.constant 16 : i32
        %mul3A_561 = arith.muli %scan3A_133, %mul3A_560 : i32
        %add3A_562 = arith.constant 12 : i32
        %add3A_563 = arith.addi %mul3A_561, %add3A_562 : i32
        %get3A_564 = arith.index_cast %add3A_563 : i32 to index
        %get3A_565 = arith.constant 0 : index
        %get3A_566 = tpu.vector_load %arg12[%get3A_564, %get3A_565] {strides = array<i32>} : memref<128x64xf32, #tpu.memory_space<vmem>>, vector<16xf32>,
        %mul3A_567 = arith.mulf %get3A_566, %broadcast_in_dim3A_559 : vector<16xf32>
        %swap3A_568 = arith.index_cast %add3A_563 : i32 to index
        %swap3A_569 = arith.constant 0 : index
        %swap3A_570 = tpu.vector_load %arg12[%swap3A_568, %swap3A_569] {strides = array<i32>} : memref<128x64xf32, #tpu.memory_space<vmem>>, vector<16xf32>,
        tpu.vector_store %arg12[%swap3A_568, %swap3A_569], %mul3A_567 {strides = array<i32>} : memref<128x64xf32, #tpu.memory_space<vmem>>, vector<16xf32>,
        %get3A_571 = arith.index_cast %add3A_563 : i32 to index
        %get3A_572 = arith.constant 16 : index
        %get3A_573 = tpu.vector_load %arg12[%get3A_571, %get3A_572] {strides = array<i32>} : memref<128x64xf32, #tpu.memory_space<vmem>>, vector<16xf32>,
        %mul3A_574 = arith.mulf %get3A_573, %broadcast_in_dim3A_559 : vector<16xf32>
        %swap3A_575 = arith.index_cast %add3A_563 : i32 to index
        %swap3A_576 = arith.constant 16 : index
        %swap3A_577 = tpu.vector_load %arg12[%swap3A_575, %swap3A_576] {strides = array<i32>} : memref<128x64xf32, #tpu.memory_space<vmem>>, vector<16xf32>,
        tpu.vector_store %arg12[%swap3A_575, %swap3A_576], %mul3A_574 {strides = array<i32>} : memref<128x64xf32, #tpu.memory_space<vmem>>, vector<16xf32>,
        %get3A_578 = arith.index_cast %add3A_563 : i32 to index
        %get3A_579 = arith.constant 32 : index
        %get3A_580 = tpu.vector_load %arg12[%get3A_578, %get3A_579] {strides = array<i32>} : memref<128x64xf32, #tpu.memory_space<vmem>>, vector<16xf32>,
        %mul3A_581 = arith.mulf %get3A_580, %broadcast_in_dim3A_559 : vector<16xf32>
        %swap3A_582 = arith.index_cast %add3A_563 : i32 to index
        %swap3A_583 = arith.constant 32 : index
        %swap3A_584 = tpu.vector_load %arg12[%swap3A_582, %swap3A_583] {strides = array<i32>} : memref<128x64xf32, #tpu.memory_space<vmem>>, vector<16xf32>,
        tpu.vector_store %arg12[%swap3A_582, %swap3A_583], %mul3A_581 {strides = array<i32>} : memref<128x64xf32, #tpu.memory_space<vmem>>, vector<16xf32>,
        %get3A_585 = arith.index_cast %add3A_563 : i32 to index
        %get3A_586 = arith.constant 48 : index
        %get3A_587 = tpu.vector_load %arg12[%get3A_585, %get3A_586] {strides = array<i32>} : memref<128x64xf32, #tpu.memory_space<vmem>>, vector<16xf32>,
        %mul3A_588 = arith.mulf %get3A_587, %broadcast_in_dim3A_559 : vector<16xf32>
        %swap3A_589 = arith.index_cast %add3A_563 : i32 to index
        %swap3A_590 = arith.constant 48 : index
        %swap3A_591 = tpu.vector_load %arg12[%swap3A_589, %swap3A_590] {strides = array<i32>} : memref<128x64xf32, #tpu.memory_space<vmem>>, vector<16xf32>,
        tpu.vector_store %arg12[%swap3A_589, %swap3A_590], %mul3A_588 {strides = array<i32>} : memref<128x64xf32, #tpu.memory_space<vmem>>, vector<16xf32>,
        %slice3A_592 = vector.extract_strided_slice %get3A_139 {offsets = [13], sizes = [1], strides = [1]} : vector<16xf32> to vector<1xf32>
        %squeeze3A_593 = vector.extract %slice3A_592[0] : f32 from vector<1xf32>
        %broadcast_in_dim3A_594 = vector.broadcast %squeeze3A_593 : f32 to vector<16xf32>
        %mul3A_595 = arith.constant 16 : i32
        %mul3A_596 = arith.muli %scan3A_133, %mul3A_595 : i32
        %add3A_597 = arith.constant 13 : i32
        %add3A_598 = arith.addi %mul3A_596, %add3A_597 : i32
        %get3A_599 = arith.index_cast %add3A_598 : i32 to index
        %get3A_600 = arith.constant 0 : index
        %get3A_601 = tpu.vector_load %arg12[%get3A_599, %get3A_600] {strides = array<i32>} : memref<128x64xf32, #tpu.memory_space<vmem>>, vector<16xf32>,
        %mul3A_602 = arith.mulf %get3A_601, %broadcast_in_dim3A_594 : vector<16xf32>
        %swap3A_603 = arith.index_cast %add3A_598 : i32 to index
        %swap3A_604 = arith.constant 0 : index
        %swap3A_605 = tpu.vector_load %arg12[%swap3A_603, %swap3A_604] {strides = array<i32>} : memref<128x64xf32, #tpu.memory_space<vmem>>, vector<16xf32>,
        tpu.vector_store %arg12[%swap3A_603, %swap3A_604], %mul3A_602 {strides = array<i32>} : memref<128x64xf32, #tpu.memory_space<vmem>>, vector<16xf32>,
        %get3A_606 = arith.index_cast %add3A_598 : i32 to index
        %get3A_607 = arith.constant 16 : index
        %get3A_608 = tpu.vector_load %arg12[%get3A_606, %get3A_607] {strides = array<i32>} : memref<128x64xf32, #tpu.memory_space<vmem>>, vector<16xf32>,
        %mul3A_609 = arith.mulf %get3A_608, %broadcast_in_dim3A_594 : vector<16xf32>
        %swap3A_610 = arith.index_cast %add3A_598 : i32 to index
        %swap3A_611 = arith.constant 16 : index
        %swap3A_612 = tpu.vector_load %arg12[%swap3A_610, %swap3A_611] {strides = array<i32>} : memref<128x64xf32, #tpu.memory_space<vmem>>, vector<16xf32>,
        tpu.vector_store %arg12[%swap3A_610, %swap3A_611], %mul3A_609 {strides = array<i32>} : memref<128x64xf32, #tpu.memory_space<vmem>>, vector<16xf32>,
        %get3A_613 = arith.index_cast %add3A_598 : i32 to index
        %get3A_614 = arith.constant 32 : index
        %get3A_615 = tpu.vector_load %arg12[%get3A_613, %get3A_614] {strides = array<i32>} : memref<128x64xf32, #tpu.memory_space<vmem>>, vector<16xf32>,
        %mul3A_616 = arith.mulf %get3A_615, %broadcast_in_dim3A_594 : vector<16xf32>
        %swap3A_617 = arith.index_cast %add3A_598 : i32 to index
        %swap3A_618 = arith.constant 32 : index
        %swap3A_619 = tpu.vector_load %arg12[%swap3A_617, %swap3A_618] {strides = array<i32>} : memref<128x64xf32, #tpu.memory_space<vmem>>, vector<16xf32>,
        tpu.vector_store %arg12[%swap3A_617, %swap3A_618], %mul3A_616 {strides = array<i32>} : memref<128x64xf32, #tpu.memory_space<vmem>>, vector<16xf32>,
        %get3A_620 = arith.index_cast %add3A_598 : i32 to index
        %get3A_621 = arith.constant 48 : index
        %get3A_622 = tpu.vector_load %arg12[%get3A_620, %get3A_621] {strides = array<i32>} : memref<128x64xf32, #tpu.memory_space<vmem>>, vector<16xf32>,
        %mul3A_623 = arith.mulf %get3A_622, %broadcast_in_dim3A_594 : vector<16xf32>
        %swap3A_624 = arith.index_cast %add3A_598 : i32 to index
        %swap3A_625 = arith.constant 48 : index
        %swap3A_626 = tpu.vector_load %arg12[%swap3A_624, %swap3A_625] {strides = array<i32>} : memref<128x64xf32, #tpu.memory_space<vmem>>, vector<16xf32>,
        tpu.vector_store %arg12[%swap3A_624, %swap3A_625], %mul3A_623 {strides = array<i32>} : memref<128x64xf32, #tpu.memory_space<vmem>>, vector<16xf32>,
        %slice3A_627 = vector.extract_strided_slice %get3A_139 {offsets = [14], sizes = [1], strides = [1]} : vector<16xf32> to vector<1xf32>
        %squeeze3A_628 = vector.extract %slice3A_627[0] : f32 from vector<1xf32>
        %broadcast_in_dim3A_629 = vector.broadcast %squeeze3A_628 : f32 to vector<16xf32>
        %mul3A_630 = arith.constant 16 : i32
        %mul3A_631 = arith.muli %scan3A_133, %mul3A_630 : i32
        %add3A_632 = arith.constant 14 : i32
        %add3A_633 = arith.addi %mul3A_631, %add3A_632 : i32
        %get3A_634 = arith.index_cast %add3A_633 : i32 to index
        %get3A_635 = arith.constant 0 : index
        %get3A_636 = tpu.vector_load %arg12[%get3A_634, %get3A_635] {strides = array<i32>} : memref<128x64xf32, #tpu.memory_space<vmem>>, vector<16xf32>,
        %mul3A_637 = arith.mulf %get3A_636, %broadcast_in_dim3A_629 : vector<16xf32>
        %swap3A_638 = arith.index_cast %add3A_633 : i32 to index
        %swap3A_639 = arith.constant 0 : index
        %swap3A_640 = tpu.vector_load %arg12[%swap3A_638, %swap3A_639] {strides = array<i32>} : memref<128x64xf32, #tpu.memory_space<vmem>>, vector<16xf32>,
        tpu.vector_store %arg12[%swap3A_638, %swap3A_639], %mul3A_637 {strides = array<i32>} : memref<128x64xf32, #tpu.memory_space<vmem>>, vector<16xf32>,
        %get3A_641 = arith.index_cast %add3A_633 : i32 to index
        %get3A_642 = arith.constant 16 : index
        %get3A_643 = tpu.vector_load %arg12[%get3A_641, %get3A_642] {strides = array<i32>} : memref<128x64xf32, #tpu.memory_space<vmem>>, vector<16xf32>,
        %mul3A_644 = arith.mulf %get3A_643, %broadcast_in_dim3A_629 : vector<16xf32>
        %swap3A_645 = arith.index_cast %add3A_633 : i32 to index
        %swap3A_646 = arith.constant 16 : index
        %swap3A_647 = tpu.vector_load %arg12[%swap3A_645, %swap3A_646] {strides = array<i32>} : memref<128x64xf32, #tpu.memory_space<vmem>>, vector<16xf32>,
        tpu.vector_store %arg12[%swap3A_645, %swap3A_646], %mul3A_644 {strides = array<i32>} : memref<128x64xf32, #tpu.memory_space<vmem>>, vector<16xf32>,
        %get3A_648 = arith.index_cast %add3A_633 : i32 to index
        %get3A_649 = arith.constant 32 : index
        %get3A_650 = tpu.vector_load %arg12[%get3A_648, %get3A_649] {strides = array<i32>} : memref<128x64xf32, #tpu.memory_space<vmem>>, vector<16xf32>,
        %mul3A_651 = arith.mulf %get3A_650, %broadcast_in_dim3A_629 : vector<16xf32>
        %swap3A_652 = arith.index_cast %add3A_633 : i32 to index
        %swap3A_653 = arith.constant 32 : index
        %swap3A_654 = tpu.vector_load %arg12[%swap3A_652, %swap3A_653] {strides = array<i32>} : memref<128x64xf32, #tpu.memory_space<vmem>>, vector<16xf32>,
        tpu.vector_store %arg12[%swap3A_652, %swap3A_653], %mul3A_651 {strides = array<i32>} : memref<128x64xf32, #tpu.memory_space<vmem>>, vector<16xf32>,
        %get3A_655 = arith.index_cast %add3A_633 : i32 to index
        %get3A_656 = arith.constant 48 : index
        %get3A_657 = tpu.vector_load %arg12[%get3A_655, %get3A_656] {strides = array<i32>} : memref<128x64xf32, #tpu.memory_space<vmem>>, vector<16xf32>,
        %mul3A_658 = arith.mulf %get3A_657, %broadcast_in_dim3A_629 : vector<16xf32>
        %swap3A_659 = arith.index_cast %add3A_633 : i32 to index
        %swap3A_660 = arith.constant 48 : index
        %swap3A_661 = tpu.vector_load %arg12[%swap3A_659, %swap3A_660] {strides = array<i32>} : memref<128x64xf32, #tpu.memory_space<vmem>>, vector<16xf32>,
        tpu.vector_store %arg12[%swap3A_659, %swap3A_660], %mul3A_658 {strides = array<i32>} : memref<128x64xf32, #tpu.memory_space<vmem>>, vector<16xf32>,
        %slice3A_662 = vector.extract_strided_slice %get3A_139 {offsets = [15], sizes = [1], strides = [1]} : vector<16xf32> to vector<1xf32>
        %squeeze3A_663 = vector.extract %slice3A_662[0] : f32 from vector<1xf32>
        %broadcast_in_dim3A_664 = vector.broadcast %squeeze3A_663 : f32 to vector<16xf32>
        %mul3A_665 = arith.constant 16 : i32
        %mul3A_666 = arith.muli %scan3A_133, %mul3A_665 : i32
        %add3A_667 = arith.constant 15 : i32
        %add3A_668 = arith.addi %mul3A_666, %add3A_667 : i32
        %get3A_669 = arith.index_cast %add3A_668 : i32 to index
        %get3A_670 = arith.constant 0 : index
        %get3A_671 = tpu.vector_load %arg12[%get3A_669, %get3A_670] {strides = array<i32>} : memref<128x64xf32, #tpu.memory_space<vmem>>, vector<16xf32>,
        %mul3A_672 = arith.mulf %get3A_671, %broadcast_in_dim3A_664 : vector<16xf32>
        %swap3A_673 = arith.index_cast %add3A_668 : i32 to index
        %swap3A_674 = arith.constant 0 : index
        %swap3A_675 = tpu.vector_load %arg12[%swap3A_673, %swap3A_674] {strides = array<i32>} : memref<128x64xf32, #tpu.memory_space<vmem>>, vector<16xf32>,
        tpu.vector_store %arg12[%swap3A_673, %swap3A_674], %mul3A_672 {strides = array<i32>} : memref<128x64xf32, #tpu.memory_space<vmem>>, vector<16xf32>,
        %get3A_676 = arith.index_cast %add3A_668 : i32 to index
        %get3A_677 = arith.constant 16 : index
        %get3A_678 = tpu.vector_load %arg12[%get3A_676, %get3A_677] {strides = array<i32>} : memref<128x64xf32, #tpu.memory_space<vmem>>, vector<16xf32>,
        %mul3A_679 = arith.mulf %get3A_678, %broadcast_in_dim3A_664 : vector<16xf32>
        %swap3A_680 = arith.index_cast %add3A_668 : i32 to index
        %swap3A_681 = arith.constant 16 : index
        %swap3A_682 = tpu.vector_load %arg12[%swap3A_680, %swap3A_681] {strides = array<i32>} : memref<128x64xf32, #tpu.memory_space<vmem>>, vector<16xf32>,
        tpu.vector_store %arg12[%swap3A_680, %swap3A_681], %mul3A_679 {strides = array<i32>} : memref<128x64xf32, #tpu.memory_space<vmem>>, vector<16xf32>,
        %get3A_683 = arith.index_cast %add3A_668 : i32 to index
        %get3A_684 = arith.constant 32 : index
        %get3A_685 = tpu.vector_load %arg12[%get3A_683, %get3A_684] {strides = array<i32>} : memref<128x64xf32, #tpu.memory_space<vmem>>, vector<16xf32>,
        %mul3A_686 = arith.mulf %get3A_685, %broadcast_in_dim3A_664 : vector<16xf32>
        %swap3A_687 = arith.index_cast %add3A_668 : i32 to index
        %swap3A_688 = arith.constant 32 : index
        %swap3A_689 = tpu.vector_load %arg12[%swap3A_687, %swap3A_688] {strides = array<i32>} : memref<128x64xf32, #tpu.memory_space<vmem>>, vector<16xf32>,
        tpu.vector_store %arg12[%swap3A_687, %swap3A_688], %mul3A_686 {strides = array<i32>} : memref<128x64xf32, #tpu.memory_space<vmem>>, vector<16xf32>,
        %get3A_690 = arith.index_cast %add3A_668 : i32 to index
        %get3A_691 = arith.constant 48 : index
        %get3A_692 = tpu.vector_load %arg12[%get3A_690, %get3A_691] {strides = array<i32>} : memref<128x64xf32, #tpu.memory_space<vmem>>, vector<16xf32>,
        %mul3A_693 = arith.mulf %get3A_692, %broadcast_in_dim3A_664 : vector<16xf32>
        %swap3A_694 = arith.index_cast %add3A_668 : i32 to index
        %swap3A_695 = arith.constant 48 : index
        %swap3A_696 = tpu.vector_load %arg12[%swap3A_694, %swap3A_695] {strides = array<i32>} : memref<128x64xf32, #tpu.memory_space<vmem>>, vector<16xf32>,
        tpu.vector_store %arg12[%swap3A_694, %swap3A_695], %mul3A_693 {strides = array<i32>} : memref<128x64xf32, #tpu.memory_space<vmem>>, vector<16xf32>,
      }
      %scan3A_118 = arith.constant 8 : i32
      %add3A_119 = arith.constant 1 : i32
      %add3A_120 = arith.addi %mul3A_85, %add3A_119 : i32
      %dma_start3A_121 = arith.constant 0 : i32
      %dma_start3A_122 = arith.constant 0 : i32
      %dma_start3A_123 = tpu.memref_slice %arg9[%add3A_120, %dma_start3A_121, %dma_start3A_122] : memref<80x1x128xi32, #tpu.memory_space<vmem>> -> memref<1x1x128xi32, #tpu.memory_space<vmem>>
      %dma_start3A_124 = tpu.memref_squeeze %dma_start3A_123 : memref<1x1x128xi32, #tpu.memory_space<vmem>> -> memref<128xi32, #tpu.memory_space<vmem>>
      %dma_start3A_125 = arith.constant 0 : i32
      %dma_start3A_126 = arith.constant 0 : i32
      %dma_start3A_127 = tpu.memref_slice %arg14[%dma_start3A_125, %dma_start3A_126] : memref<10112x64xf32, #tpu.memory_space<vmem_shared>> -> memref<10112x64xf32, #tpu.memory_space<vmem_shared>>
      tpu.enqueue_indirect_dma source(%arg12 : memref<128x64xf32, #tpu.memory_space<vmem>>) target(%dma_start3A_127 : memref<10112x64xf32, #tpu.memory_space<vmem_shared>>) offsets(%dma_start3A_124 : memref<128xi32, #tpu.memory_space<vmem>>) semaphore(%arg18 : memref<!tpu.dma_semaphore, #tpu.memory_space<semaphore_mem>>) {add = true}
      %lt3A_128 = arith.constant 39 : i32
      %lt3A_129 = arith.cmpi slt, %scan3A_83, %lt3A_128 : i32
      %convert_element_type3A_130 = arith.extui %lt3A_129 : i1 to i32
      %cond3A_131 = arith.constant 0 : i32
      %cond3A_132 = arith.cmpi ne, %convert_element_type3A_130, %cond3A_131 : i32
      scf.if %cond3A_132 {
        %dma_wait3A_133 = arith.constant 0 : i32
        %dma_wait3A_134 = arith.constant 0 : i32
        %dma_wait3A_135 = tpu.memref_slice %arg14[%dma_wait3A_133, %dma_wait3A_134] : memref<10112x64xf32, #tpu.memory_space<vmem_shared>> -> memref<128x64xf32, #tpu.memory_space<vmem_shared>>
        %dma_wait3A_136 = arith.constant 0 : i32
        %dma_wait3A_137 = arith.constant 0 : i32
        %dma_wait3A_138 = tpu.memref_slice %arg14[%dma_wait3A_136, %dma_wait3A_137] : memref<10112x64xf32, #tpu.memory_space<vmem_shared>> -> memref<128x64xf32, #tpu.memory_space<vmem_shared>>
        tpu.wait_dma2 semaphore(%arg17 : memref<!tpu.dma_semaphore, #tpu.memory_space<semaphore_mem>>) src(%arg11 : memref<128x64xf32, #tpu.memory_space<vmem>>) dst(%dma_wait3A_138 : memref<128x64xf32, #tpu.memory_space<vmem_shared>>)
        %add3A_139 = arith.constant 2 : i32
        %add3A_140 = arith.addi %mul3A_85, %add3A_139 : i32
        %mul3A_141 = arith.constant 128 : i32
        %mul3A_142 = arith.muli %add3A_140, %mul3A_141 : i32
        %dma_start3A_143 = tpu.memref_slice %arg8[%mul3A_142] : memref<10240xi32, #tpu.memory_space<vmem>> -> memref<128xi32, #tpu.memory_space<vmem>>
        %dma_start3A_144 = arith.constant 0 : i32
        %dma_start3A_145 = arith.constant 0 : i32
        %dma_start3A_146 = tpu.memref_slice %arg13[%dma_start3A_144, %dma_start3A_145] : memref<10112x64xf32, #tpu.memory_space<vmem_shared>> -> memref<10112x64xf32, #tpu.memory_space<vmem_shared>>
        tpu.enqueue_indirect_dma source(%dma_start3A_146 : memref<10112x64xf32, #tpu.memory_space<vmem_shared>>) target(%arg11 : memref<128x64xf32, #tpu.memory_space<vmem>>) offsets(%dma_start3A_143 : memref<128xi32, #tpu.memory_space<vmem>>) semaphore(%arg15 : memref<!tpu.dma_semaphore, #tpu.memory_space<semaphore_mem>>)
        %dma_wait3A_147 = arith.constant 0 : i32
        %dma_wait3A_148 = arith.constant 0 : i32
        %dma_wait3A_149 = tpu.memref_slice %arg14[%dma_wait3A_147, %dma_wait3A_148] : memref<10112x64xf32, #tpu.memory_space<vmem_shared>> -> memref<128x64xf32, #tpu.memory_space<vmem_shared>>
        %dma_wait3A_150 = arith.constant 0 : i32
        %dma_wait3A_151 = arith.constant 0 : i32
        %dma_wait3A_152 = tpu.memref_slice %arg14[%dma_wait3A_150, %dma_wait3A_151] : memref<10112x64xf32, #tpu.memory_space<vmem_shared>> -> memref<128x64xf32, #tpu.memory_space<vmem_shared>>
        tpu.wait_dma2 semaphore(%arg18 : memref<!tpu.dma_semaphore, #tpu.memory_space<semaphore_mem>>) src(%arg12 : memref<128x64xf32, #tpu.memory_space<vmem>>) dst(%dma_wait3A_152 : memref<128x64xf32, #tpu.memory_space<vmem_shared>>)
        %add3A_153 = arith.constant 3 : i32
        %add3A_154 = arith.addi %mul3A_85, %add3A_153 : i32
        %mul3A_155 = arith.constant 128 : i32
        %mul3A_156 = arith.muli %add3A_154, %mul3A_155 : i32
        %dma_start3A_157 = tpu.memref_slice %arg8[%mul3A_156] : memref<10240xi32, #tpu.memory_space<vmem>> -> memref<128xi32, #tpu.memory_space<vmem>>
        %dma_start3A_158 = arith.constant 0 : i32
        %dma_start3A_159 = arith.constant 0 : i32
        %dma_start3A_160 = tpu.memref_slice %arg13[%dma_start3A_158, %dma_start3A_159] : memref<10112x64xf32, #tpu.memory_space<vmem_shared>> -> memref<10112x64xf32, #tpu.memory_space<vmem_shared>>
        tpu.enqueue_indirect_dma source(%dma_start3A_160 : memref<10112x64xf32, #tpu.memory_space<vmem_shared>>) target(%arg12 : memref<128x64xf32, #tpu.memory_space<vmem>>) offsets(%dma_start3A_157 : memref<128xi32, #tpu.memory_space<vmem>>) semaphore(%arg16 : memref<!tpu.dma_semaphore, #tpu.memory_space<semaphore_mem>>)
      } else {
      }
    }
    %scan3A_59 = arith.constant 40 : i32
    %dma_wait3A_60 = arith.constant 0 : i32
    %dma_wait3A_61 = arith.constant 0 : i32
    %dma_wait3A_62 = tpu.memref_slice %arg14[%dma_wait3A_60, %dma_wait3A_61] : memref<10112x64xf32, #tpu.memory_space<vmem_shared>> -> memref<128x64xf32, #tpu.memory_space<vmem_shared>>
    %dma_wait3A_63 = arith.constant 0 : i32
    %dma_wait3A_64 = arith.constant 0 : i32
    %dma_wait3A_65 = tpu.memref_slice %arg14[%dma_wait3A_63, %dma_wait3A_64] : memref<10112x64xf32, #tpu.memory_space<vmem_shared>> -> memref<128x64xf32, #tpu.memory_space<vmem_shared>>
    tpu.wait_dma2 semaphore(%arg17 : memref<!tpu.dma_semaphore, #tpu.memory_space<semaphore_mem>>) src(%arg11 : memref<128x64xf32, #tpu.memory_space<vmem>>) dst(%dma_wait3A_65 : memref<128x64xf32, #tpu.memory_space<vmem_shared>>)
    %dma_wait3A_66 = arith.constant 0 : i32
    %dma_wait3A_67 = arith.constant 0 : i32
    %dma_wait3A_68 = tpu.memref_slice %arg14[%dma_wait3A_66, %dma_wait3A_67] : memref<10112x64xf32, #tpu.memory_space<vmem_shared>> -> memref<128x64xf32, #tpu.memory_space<vmem_shared>>
    %dma_wait3A_69 = arith.constant 0 : i32
    %dma_wait3A_70 = arith.constant 0 : i32
    %dma_wait3A_71 = tpu.memref_slice %arg14[%dma_wait3A_69, %dma_wait3A_70] : memref<10112x64xf32, #tpu.memory_space<vmem_shared>> -> memref<128x64xf32, #tpu.memory_space<vmem_shared>>
    tpu.wait_dma2 semaphore(%arg18 : memref<!tpu.dma_semaphore, #tpu.memory_space<semaphore_mem>>) src(%arg12 : memref<128x64xf32, #tpu.memory_space<vmem>>) dst(%dma_wait3A_71 : memref<128x64xf32, #tpu.memory_space<vmem_shared>>)
    %barrier3A_72 = arith.constant 0 : index
    tpu.barrier barrier_id(%barrier3A_72)
    %eq3A_73 = arith.constant 0 : i32
    %eq3A_74 = arith.cmpi eq, %arg0, %eq3A_73 : i32
    %convert_element_type3A_75 = arith.extui %eq3A_74 : i1 to i32
    %cond3A_76 = arith.constant 0 : i32
    %cond3A_77 = arith.cmpi ne, %convert_element_type3A_75, %cond3A_76 : i32
    scf.if %cond3A_77 {
      "tpu.region"() ({
        %run_scoped3A = tpu.sem_alloc : memref<!tpu.dma_semaphore, #tpu.memory_space<semaphore_mem>>
        %dma_start3A_83 = arith.constant 0 : i32
        %dma_start3A_84 = tpu.memref_slice %arg6[%mul3A_0, %dma_start3A_83] : memref<10112x64xf32, #tpu.memory_space<hbm>> -> memref<632x64xf32, #tpu.memory_space<hbm>>
        %dma_start3A_85 = arith.constant 0 : i32
        %dma_start3A_86 = tpu.memref_slice %arg14[%mul3A_0, %dma_start3A_85] : memref<10112x64xf32, #tpu.memory_space<vmem_shared>> -> memref<632x64xf32, #tpu.memory_space<vmem_shared>>
        tpu.enqueue_dma source(%dma_start3A_86 : memref<632x64xf32, #tpu.memory_space<vmem_shared>>) target(%dma_start3A_84 : memref<632x64xf32, #tpu.memory_space<hbm>>) target_semaphore(%run_scoped3A : memref<!tpu.dma_semaphore, #tpu.memory_space<semaphore_mem>>)
        %dma_wait3A_87 = arith.constant 0 : i32
        %dma_wait3A_88 = tpu.memref_slice %arg6[%mul3A_0, %dma_wait3A_87] : memref<10112x64xf32, #tpu.memory_space<hbm>> -> memref<632x64xf32, #tpu.memory_space<hbm>>
        %dma_wait3A_89 = arith.constant 0 : i32
        %dma_wait3A_90 = tpu.memref_slice %arg14[%mul3A_0, %dma_wait3A_89] : memref<10112x64xf32, #tpu.memory_space<vmem_shared>> -> memref<632x64xf32, #tpu.memory_space<vmem_shared>>
        tpu.wait_dma2 semaphore(%run_scoped3A : memref<!tpu.dma_semaphore, #tpu.memory_space<semaphore_mem>>) src(%dma_wait3A_90 : memref<632x64xf32, #tpu.memory_space<vmem_shared>>) dst(%dma_wait3A_88 : memref<632x64xf32, #tpu.memory_space<hbm>>)
        tpu.yield
      }) : () -> ()
    } else {
    }
    %eq3A_78 = arith.constant 1 : i32
    %eq3A_79 = arith.cmpi eq, %arg0, %eq3A_78 : i32
    %convert_element_type3A_80 = arith.extui %eq3A_79 : i1 to i32
    %cond3A_81 = arith.constant 0 : i32
    %cond3A_82 = arith.cmpi ne, %convert_element_type3A_80, %cond3A_81 : i32
    scf.if %cond3A_82 {
      "tpu.region"() ({
        %run_scoped3A = tpu.sem_alloc : memref<!tpu.dma_semaphore, #tpu.memory_space<semaphore_mem>>
        %dma_start3A_83 = arith.constant 0 : i32
        %dma_start3A_84 = tpu.memref_slice %arg7[%mul3A_0, %dma_start3A_83] : memref<10112x64xf32, #tpu.memory_space<hbm>> -> memref<632x64xf32, #tpu.memory_space<hbm>>
        %dma_start3A_85 = arith.constant 0 : i32
        %dma_start3A_86 = tpu.memref_slice %arg14[%mul3A_0, %dma_start3A_85] : memref<10112x64xf32, #tpu.memory_space<vmem_shared>> -> memref<632x64xf32, #tpu.memory_space<vmem_shared>>
        tpu.enqueue_dma source(%dma_start3A_86 : memref<632x64xf32, #tpu.memory_space<vmem_shared>>) target(%dma_start3A_84 : memref<632x64xf32, #tpu.memory_space<hbm>>) target_semaphore(%run_scoped3A : memref<!tpu.dma_semaphore, #tpu.memory_space<semaphore_mem>>)
        %dma_wait3A_87 = arith.constant 0 : i32
        %dma_wait3A_88 = tpu.memref_slice %arg7[%mul3A_0, %dma_wait3A_87] : memref<10112x64xf32, #tpu.memory_space<hbm>> -> memref<632x64xf32, #tpu.memory_space<hbm>>
        %dma_wait3A_89 = arith.constant 0 : i32
        %dma_wait3A_90 = tpu.memref_slice %arg14[%mul3A_0, %dma_wait3A_89] : memref<10112x64xf32, #tpu.memory_space<vmem_shared>> -> memref<632x64xf32, #tpu.memory_space<vmem_shared>>
        tpu.wait_dma2 semaphore(%run_scoped3A : memref<!tpu.dma_semaphore, #tpu.memory_space<semaphore_mem>>) src(%dma_wait3A_90 : memref<632x64xf32, #tpu.memory_space<vmem_shared>>) dst(%dma_wait3A_88 : memref<632x64xf32, #tpu.memory_space<hbm>>)
        tpu.yield
      }) : () -> ()
    } else {
    }
    return
  }
}

module attributes {stable_mosaic.version = 14 : i64} {
  func.func @_mm_body(%arg0: i32, %arg1: memref<1000x256xf32, #tpu.memory_space<vmem>>, %arg2: memref<256x256xf32, #tpu.memory_space<vmem>>, %arg3: memref<1000x128xf32, #tpu.memory_space<vmem>>, %arg4: memref<1000x128xf32, #tpu.memory_space<vmem>>) attributes {dimension_semantics = [#tpu.dimension_semantics<arbitrary>], iteration_bounds = array<i64: 10>, scalar_prefetch = 0 : i64, scratch_operands = 0 : i64, tpu.core_type = #tpu.core_type<tc>, window_params = [{transform_indices = @transform_0, window_bounds = array<i64: 1000, 256>}, {pipeline_mode = #tpu.pipeline_mode<synchronous>, transform_indices = @transform_1, window_bounds = array<i64: 256, 256>}, {transform_indices = @transform_2, window_bounds = array<i64: 1000, 128>}, {transform_indices = @transform_3, window_bounds = array<i64: 1000, 128>}]} {
    %get3A = arith.constant 0 : index
    %get3A_0 = arith.constant 0 : index
    %get3A_1 = vector.load %arg1[%get3A, %get3A_0] : memref<1000x256xf32, #tpu.memory_space<vmem>>, vector<1000x256xf32>
    %get3A_2 = arith.constant 0 : index
    %get3A_3 = arith.constant 0 : index
    %get3A_4 = vector.load %arg2[%get3A_2, %get3A_3] : memref<256x256xf32, #tpu.memory_space<vmem>>, vector<256x256xf32>
    %dot_general3A = arith.constant dense<0.000000e+00> : vector<1000x256xf32>
    %dot_general3A_5 = tpu.matmul %get3A_1, %get3A_4, %dot_general3A {dimension_numbers = #tpu.dot_dimension_numbers<[1], [0], [0], [1], [0, 0, 1, 1], [], []>, transpose_lhs_hint = false} : vector<1000x256xf32>, vector<256x256xf32>, vector<1000x256xf32> -> vector<1000x256xf32>
    %slice3A = vector.extract_strided_slice %dot_general3A_5 {offsets = [0, 0], sizes = [1000, 128], strides = [1, 1]} : vector<1000x256xf32> to vector<1000x128xf32>
    %swap3A = arith.constant 0 : index
    %swap3A_6 = arith.constant 0 : index
    %swap3A_7 = vector.load %arg3[%swap3A, %swap3A_6] : memref<1000x128xf32, #tpu.memory_space<vmem>>, vector<1000x128xf32>
    tpu.vector_store %arg3[%swap3A, %swap3A_6], %slice3A {strides = array<i32>} : memref<1000x128xf32, #tpu.memory_space<vmem>>, vector<1000x128xf32>,
    %slice3A_8 = vector.extract_strided_slice %dot_general3A_5 {offsets = [0, 128], sizes = [1000, 128], strides = [1, 1]} : vector<1000x256xf32> to vector<1000x128xf32>
    %swap3A_9 = arith.constant 0 : index
    %swap3A_10 = arith.constant 0 : index
    %swap3A_11 = vector.load %arg4[%swap3A_9, %swap3A_10] : memref<1000x128xf32, #tpu.memory_space<vmem>>, vector<1000x128xf32>
    tpu.vector_store %arg4[%swap3A_9, %swap3A_10], %slice3A_8 {strides = array<i32>} : memref<1000x128xf32, #tpu.memory_space<vmem>>, vector<1000x128xf32>,
    return
  }
  func.func @transform_0(%arg0: i32) -> (i32, i32) {
    %c0_i32 = arith.constant 0 : i32
    %c0_i32_0 = arith.constant 0 : i32
    return %arg0, %c0_i32 : i32, i32
  }
  func.func @transform_1(%arg0: i32) -> (i32, i32) {
    %c0_i32 = arith.constant 0 : i32
    %c0_i32_0 = arith.constant 0 : i32
    %c0_i32_1 = arith.constant 0 : i32
    return %c0_i32, %c0_i32_0 : i32, i32
  }
  func.func @transform_2(%arg0: i32) -> (i32, i32) {
    %c0_i32 = arith.constant 0 : i32
    %c0_i32_0 = arith.constant 0 : i32
    return %arg0, %c0_i32 : i32, i32
  }
  func.func @transform_3(%arg0: i32) -> (i32, i32) {
    %c0_i32 = arith.constant 0 : i32
    %c0_i32_0 = arith.constant 0 : i32
    return %arg0, %c0_i32 : i32, i32
  }
}

module attributes {stable_mosaic.version = 14 : i64} {
  func.func @_head_body(%arg0: i32, %arg1: memref<1000x64xf32, #tpu.memory_space<vmem>>, %arg2: memref<1000x64xf32, #tpu.memory_space<vmem>>, %arg3: memref<1000x128xf32, #tpu.memory_space<vmem>>, %arg4: memref<1000x1xf32, #tpu.memory_space<vmem>>, %arg5: memref<1x128xf32, #tpu.memory_space<vmem>>, %arg6: memref<128x32xf32, #tpu.memory_space<vmem>>, %arg7: memref<1x32xf32, #tpu.memory_space<vmem>>, %arg8: memref<32x8xf32, #tpu.memory_space<vmem>>, %arg9: memref<1x8xf32, #tpu.memory_space<vmem>>, %arg10: memref<8x4xf32, #tpu.memory_space<vmem>>, %arg11: memref<1x4xf32, #tpu.memory_space<vmem>>, %arg12: memref<1x4xf32, #tpu.memory_space<vmem>>, %arg13: memref<4x1xf32, #tpu.memory_space<vmem>>, %arg14: memref<1x1xf32, #tpu.memory_space<vmem>>, %arg15: memref<1000x1xf32, #tpu.memory_space<vmem>>, %arg16: memref<1000x8xf32, #tpu.memory_space<vmem>>) attributes {dimension_semantics = [#tpu.dimension_semantics<arbitrary>], iteration_bounds = array<i64: 10>, scalar_prefetch = 0 : i64, scratch_operands = 0 : i64, tpu.core_type = #tpu.core_type<tc>, window_params = [{transform_indices = @transform_0, window_bounds = array<i64: 1000, 64>}, {transform_indices = @transform_1, window_bounds = array<i64: 1000, 64>}, {transform_indices = @transform_2, window_bounds = array<i64: 1000, 128>}, {transform_indices = @transform_3, window_bounds = array<i64: 1000, 1>}, {pipeline_mode = #tpu.pipeline_mode<synchronous>, transform_indices = @transform_4, window_bounds = array<i64: 1, 128>}, {pipeline_mode = #tpu.pipeline_mode<synchronous>, transform_indices = @transform_5, window_bounds = array<i64: 128, 32>}, {pipeline_mode = #tpu.pipeline_mode<synchronous>, transform_indices = @transform_6, window_bounds = array<i64: 1, 32>}, {pipeline_mode = #tpu.pipeline_mode<synchronous>, transform_indices = @transform_7, window_bounds = array<i64: 32, 8>}, {pipeline_mode = #tpu.pipeline_mode<synchronous>, transform_indices = @transform_8, window_bounds = array<i64: 1, 8>}, {pipeline_mode = #tpu.pipeline_mode<synchronous>, transform_indices = @transform_9, window_bounds = array<i64: 8, 4>}, {pipeline_mode = #tpu.pipeline_mode<synchronous>, transform_indices = @transform_10, window_bounds = array<i64: 1, 4>}, {pipeline_mode = #tpu.pipeline_mode<synchronous>, transform_indices = @transform_11, window_bounds = array<i64: 1, 4>}, {pipeline_mode = #tpu.pipeline_mode<synchronous>, transform_indices = @transform_12, window_bounds = array<i64: 4, 1>}, {pipeline_mode = #tpu.pipeline_mode<synchronous>, transform_indices = @transform_13, window_bounds = array<i64: 1, 1>}, {transform_indices = @transform_14, window_bounds = array<i64: 1000, 1>}, {transform_indices = @transform_15, window_bounds = array<i64: 1000, 8>}]} {
    %get3A = arith.constant 0 : index
    %get3A_0 = arith.constant 0 : index
    %get3A_1 = vector.load %arg1[%get3A, %get3A_0] : memref<1000x64xf32, #tpu.memory_space<vmem>>, vector<1000x64xf32>
    %get3A_2 = arith.constant 0 : index
    %get3A_3 = arith.constant 0 : index
    %get3A_4 = vector.load %arg2[%get3A_2, %get3A_3] : memref<1000x64xf32, #tpu.memory_space<vmem>>, vector<1000x64xf32>
    %concatenate3A = tpu.concatenate %get3A_1, %get3A_4 in 1 : vector<1000x64xf32>, vector<1000x64xf32> -> vector<1000x128xf32>
    %get3A_5 = arith.constant 0 : index
    %get3A_6 = arith.constant 0 : index
    %get3A_7 = vector.load %arg3[%get3A_5, %get3A_6] : memref<1000x128xf32, #tpu.memory_space<vmem>>, vector<1000x128xf32>
    %add3A = arith.addf %concatenate3A, %get3A_7 : vector<1000x128xf32>
    %get3A_8 = arith.constant 0 : index
    %get3A_9 = arith.constant 0 : index
    %get3A_10 = vector.load %arg5[%get3A_8, %get3A_9] : memref<1x128xf32, #tpu.memory_space<vmem>>, vector<1x128xf32>
    %add3A_11 = vector.broadcast %get3A_10 : vector<1x128xf32> to vector<1000x128xf32>
    %add3A_12 = arith.addf %add3A, %add3A_11 : vector<1000x128xf32>
    %max3A = arith.constant 0.000000e+00 : f32
    %max3A_13 = vector.broadcast %max3A : f32 to vector<1000x128xf32>
    %max3A_14 = arith.maximumf %add3A_12, %max3A_13 : vector<1000x128xf32>
    %get3A_15 = arith.constant 0 : index
    %get3A_16 = arith.constant 0 : index
    %get3A_17 = vector.load %arg6[%get3A_15, %get3A_16] : memref<128x32xf32, #tpu.memory_space<vmem>>, vector<128x32xf32>
    %dot_general3A = arith.constant dense<0.000000e+00> : vector<1000x32xf32>
    %dot_general3A_18 = tpu.matmul %max3A_14, %get3A_17, %dot_general3A {dimension_numbers = #tpu.dot_dimension_numbers<[1], [0], [0], [1], [0, 0, 1, 1], [], []>, transpose_lhs_hint = false} : vector<1000x128xf32>, vector<128x32xf32>, vector<1000x32xf32> -> vector<1000x32xf32>
    %get3A_19 = arith.constant 0 : index
    %get3A_20 = arith.constant 0 : index
    %get3A_21 = vector.load %arg7[%get3A_19, %get3A_20] : memref<1x32xf32, #tpu.memory_space<vmem>>, vector<1x32xf32>
    %add3A_22 = vector.broadcast %get3A_21 : vector<1x32xf32> to vector<1000x32xf32>
    %add3A_23 = arith.addf %dot_general3A_18, %add3A_22 : vector<1000x32xf32>
    %max3A_24 = arith.constant 0.000000e+00 : f32
    %max3A_25 = vector.broadcast %max3A_24 : f32 to vector<1000x32xf32>
    %max3A_26 = arith.maximumf %add3A_23, %max3A_25 : vector<1000x32xf32>
    %get3A_27 = arith.constant 0 : index
    %get3A_28 = arith.constant 0 : index
    %get3A_29 = vector.load %arg8[%get3A_27, %get3A_28] : memref<32x8xf32, #tpu.memory_space<vmem>>, vector<32x8xf32>
    %dot_general3A_30 = arith.constant dense<0.000000e+00> : vector<1000x8xf32>
    %dot_general3A_31 = tpu.matmul %max3A_26, %get3A_29, %dot_general3A_30 {dimension_numbers = #tpu.dot_dimension_numbers<[1], [0], [0], [1], [0, 0, 1, 1], [], []>, transpose_lhs_hint = false} : vector<1000x32xf32>, vector<32x8xf32>, vector<1000x8xf32> -> vector<1000x8xf32>
    %get3A_32 = arith.constant 0 : index
    %get3A_33 = arith.constant 0 : index
    %get3A_34 = vector.load %arg9[%get3A_32, %get3A_33] : memref<1x8xf32, #tpu.memory_space<vmem>>, vector<1x8xf32>
    %add3A_35 = vector.broadcast %get3A_34 : vector<1x8xf32> to vector<1000x8xf32>
    %add3A_36 = arith.addf %dot_general3A_31, %add3A_35 : vector<1000x8xf32>
    %logistic3A = arith.negf %add3A_36 : vector<1000x8xf32>
    %logistic3A_37 = math.exp %logistic3A : vector<1000x8xf32>
    %logistic3A_38 = arith.constant 1.000000e+00 : f32
    %logistic3A_39 = vector.broadcast %logistic3A_38 : f32 to vector<1000x8xf32>
    %logistic3A_40 = arith.addf %logistic3A_39, %logistic3A_37 : vector<1000x8xf32>
    %logistic3A_41 = arith.divf %logistic3A_39, %logistic3A_40 : vector<1000x8xf32>
    %swap3A = arith.constant 0 : index
    %swap3A_42 = arith.constant 0 : index
    %swap3A_43 = vector.load %arg16[%swap3A, %swap3A_42] : memref<1000x8xf32, #tpu.memory_space<vmem>>, vector<1000x8xf32>
    tpu.vector_store %arg16[%swap3A, %swap3A_42], %logistic3A_41 {strides = array<i32>} : memref<1000x8xf32, #tpu.memory_space<vmem>>, vector<1000x8xf32>,
    %get3A_44 = arith.constant 0 : index
    %get3A_45 = arith.constant 0 : index
    %get3A_46 = vector.load %arg10[%get3A_44, %get3A_45] : memref<8x4xf32, #tpu.memory_space<vmem>>, vector<8x4xf32>
    %dot_general3A_47 = arith.constant dense<0.000000e+00> : vector<1000x4xf32>
    %dot_general3A_48 = tpu.matmul %logistic3A_41, %get3A_46, %dot_general3A_47 {dimension_numbers = #tpu.dot_dimension_numbers<[1], [0], [0], [1], [0, 0, 1, 1], [], []>, transpose_lhs_hint = false} : vector<1000x8xf32>, vector<8x4xf32>, vector<1000x4xf32> -> vector<1000x4xf32>
    %get3A_49 = arith.constant 0 : index
    %get3A_50 = arith.constant 0 : index
    %get3A_51 = vector.load %arg4[%get3A_49, %get3A_50] : memref<1000x1xf32, #tpu.memory_space<vmem>>, vector<1000x1xf32>
    %get3A_52 = arith.constant 0 : index
    %get3A_53 = arith.constant 0 : index
    %get3A_54 = vector.load %arg11[%get3A_52, %get3A_53] : memref<1x4xf32, #tpu.memory_space<vmem>>, vector<1x4xf32>
    %mul3A = vector.broadcast %get3A_51 : vector<1000x1xf32> to vector<1000x4xf32>
    %mul3A_55 = vector.broadcast %get3A_54 : vector<1x4xf32> to vector<1000x4xf32>
    %mul3A_56 = arith.mulf %mul3A, %mul3A_55 : vector<1000x4xf32>
    %add3A_57 = arith.addf %dot_general3A_48, %mul3A_56 : vector<1000x4xf32>
    %get3A_58 = arith.constant 0 : index
    %get3A_59 = arith.constant 0 : index
    %get3A_60 = vector.load %arg12[%get3A_58, %get3A_59] : memref<1x4xf32, #tpu.memory_space<vmem>>, vector<1x4xf32>
    %add3A_61 = vector.broadcast %get3A_60 : vector<1x4xf32> to vector<1000x4xf32>
    %add3A_62 = arith.addf %add3A_57, %add3A_61 : vector<1000x4xf32>
    %logistic3A_63 = arith.negf %add3A_62 : vector<1000x4xf32>
    %logistic3A_64 = math.exp %logistic3A_63 : vector<1000x4xf32>
    %logistic3A_65 = arith.constant 1.000000e+00 : f32
    %logistic3A_66 = vector.broadcast %logistic3A_65 : f32 to vector<1000x4xf32>
    %logistic3A_67 = arith.addf %logistic3A_66, %logistic3A_64 : vector<1000x4xf32>
    %logistic3A_68 = arith.divf %logistic3A_66, %logistic3A_67 : vector<1000x4xf32>
    %get3A_69 = arith.constant 0 : index
    %get3A_70 = arith.constant 0 : index
    %get3A_71 = vector.load %arg13[%get3A_69, %get3A_70] : memref<4x1xf32, #tpu.memory_space<vmem>>, vector<4x1xf32>
    %dot_general3A_72 = arith.constant dense<0.000000e+00> : vector<1000x1xf32>
    %dot_general3A_73 = tpu.matmul %logistic3A_68, %get3A_71, %dot_general3A_72 {dimension_numbers = #tpu.dot_dimension_numbers<[1], [0], [0], [1], [0, 0, 1, 1], [], []>, transpose_lhs_hint = false} : vector<1000x4xf32>, vector<4x1xf32>, vector<1000x1xf32> -> vector<1000x1xf32>
    %get3A_74 = arith.constant 0 : index
    %get3A_75 = arith.constant 0 : index
    %get3A_76 = vector.load %arg14[%get3A_74, %get3A_75] : memref<1x1xf32, #tpu.memory_space<vmem>>, vector<1x1xf32>
    %add3A_77 = vector.broadcast %get3A_76 : vector<1x1xf32> to vector<1000x1xf32>
    %add3A_78 = arith.addf %dot_general3A_73, %add3A_77 : vector<1000x1xf32>
    %max3A_79 = arith.constant 0.000000e+00 : f32
    %max3A_80 = vector.broadcast %max3A_79 : f32 to vector<1000x1xf32>
    %max3A_81 = arith.maximumf %add3A_78, %max3A_80 : vector<1000x1xf32>
    %swap3A_82 = arith.constant 0 : index
    %swap3A_83 = arith.constant 0 : index
    %swap3A_84 = vector.load %arg15[%swap3A_82, %swap3A_83] : memref<1000x1xf32, #tpu.memory_space<vmem>>, vector<1000x1xf32>
    tpu.vector_store %arg15[%swap3A_82, %swap3A_83], %max3A_81 {strides = array<i32>} : memref<1000x1xf32, #tpu.memory_space<vmem>>, vector<1000x1xf32>,
    return
  }
  func.func @transform_0(%arg0: i32) -> (i32, i32) {
    %c0_i32 = arith.constant 0 : i32
    %c0_i32_0 = arith.constant 0 : i32
    return %arg0, %c0_i32 : i32, i32
  }
  func.func @transform_1(%arg0: i32) -> (i32, i32) {
    %c0_i32 = arith.constant 0 : i32
    %c0_i32_0 = arith.constant 0 : i32
    return %arg0, %c0_i32 : i32, i32
  }
  func.func @transform_2(%arg0: i32) -> (i32, i32) {
    %c0_i32 = arith.constant 0 : i32
    %c0_i32_0 = arith.constant 0 : i32
    return %arg0, %c0_i32 : i32, i32
  }
  func.func @transform_3(%arg0: i32) -> (i32, i32) {
    %c0_i32 = arith.constant 0 : i32
    %c0_i32_0 = arith.constant 0 : i32
    return %arg0, %c0_i32 : i32, i32
  }
  func.func @transform_4(%arg0: i32) -> (i32, i32) {
    %c0_i32 = arith.constant 0 : i32
    %c0_i32_0 = arith.constant 0 : i32
    %c0_i32_1 = arith.constant 0 : i32
    return %c0_i32, %c0_i32_0 : i32, i32
  }
  func.func @transform_5(%arg0: i32) -> (i32, i32) {
    %c0_i32 = arith.constant 0 : i32
    %c0_i32_0 = arith.constant 0 : i32
    %c0_i32_1 = arith.constant 0 : i32
    return %c0_i32, %c0_i32_0 : i32, i32
  }
  func.func @transform_6(%arg0: i32) -> (i32, i32) {
    %c0_i32 = arith.constant 0 : i32
    %c0_i32_0 = arith.constant 0 : i32
    %c0_i32_1 = arith.constant 0 : i32
    return %c0_i32, %c0_i32_0 : i32, i32
  }
  func.func @transform_7(%arg0: i32) -> (i32, i32) {
    %c0_i32 = arith.constant 0 : i32
    %c0_i32_0 = arith.constant 0 : i32
    %c0_i32_1 = arith.constant 0 : i32
    return %c0_i32, %c0_i32_0 : i32, i32
  }
  func.func @transform_8(%arg0: i32) -> (i32, i32) {
    %c0_i32 = arith.constant 0 : i32
    %c0_i32_0 = arith.constant 0 : i32
    %c0_i32_1 = arith.constant 0 : i32
    return %c0_i32, %c0_i32_0 : i32, i32
  }
  func.func @transform_9(%arg0: i32) -> (i32, i32) {
    %c0_i32 = arith.constant 0 : i32
    %c0_i32_0 = arith.constant 0 : i32
    %c0_i32_1 = arith.constant 0 : i32
    return %c0_i32, %c0_i32_0 : i32, i32
  }
  func.func @transform_10(%arg0: i32) -> (i32, i32) {
    %c0_i32 = arith.constant 0 : i32
    %c0_i32_0 = arith.constant 0 : i32
    %c0_i32_1 = arith.constant 0 : i32
    return %c0_i32, %c0_i32_0 : i32, i32
  }
  func.func @transform_11(%arg0: i32) -> (i32, i32) {
    %c0_i32 = arith.constant 0 : i32
    %c0_i32_0 = arith.constant 0 : i32
    %c0_i32_1 = arith.constant 0 : i32
    return %c0_i32, %c0_i32_0 : i32, i32
  }
  func.func @transform_12(%arg0: i32) -> (i32, i32) {
    %c0_i32 = arith.constant 0 : i32
    %c0_i32_0 = arith.constant 0 : i32
    %c0_i32_1 = arith.constant 0 : i32
    return %c0_i32, %c0_i32_0 : i32, i32
  }
  func.func @transform_13(%arg0: i32) -> (i32, i32) {
    %c0_i32 = arith.constant 0 : i32
    %c0_i32_0 = arith.constant 0 : i32
    %c0_i32_1 = arith.constant 0 : i32
    return %c0_i32, %c0_i32_0 : i32, i32
  }
  func.func @transform_14(%arg0: i32) -> (i32, i32) {
    %c0_i32 = arith.constant 0 : i32
    %c0_i32_0 = arith.constant 0 : i32
    return %arg0, %c0_i32 : i32, i32
  }
  func.func @transform_15(%arg0: i32) -> (i32, i32) {
    %c0_i32 = arith.constant 0 : i32
    %c0_i32_0 = arith.constant 0 : i32
    return %arg0, %c0_i32 : i32, i32
  }
}

</mosaic_0001>

<sc_bundles>
// kernel: kernel.5.cloned.1.call-start
scs
__scs_entry_jumppad:
0x0: {  	(pc) =	sbr.rel $0x88, $3  }
0x1: {  	(tag) =	ssettag $0x0;
	lr =	simm.s32 $0x1  }
0x2: {  	[smem:$0x3F91] =	sst lr;
	_ =	strace $0xD0000000  }
0x3: {  	_ = 	snop  }
0x4: {  	_ = 	snop  }
0x5: {  	_ = 	snop  }
0x6: {  	_ = 	snop  }
0x7: {  	_ = 	snop  }
__scs_overlays_trampoline_lowered:
0x8: {  	[smem:$0x3FA0] =	sst s0  }
0x9: {  	[smem:$0x3FA1] =	sst s1  }
0xa: {  	[smem:$0x3FA2] =	sst s2  }
0xb: {  	[smem:$0x3FA3] =	sst s3  }
0xc: {  	[smem:$0x3FA4] =	sst s4  }
0xd: {  	[smem:$0x3FA5] =	sst s5  }
0xe: {  	[smem:$0x3FA6] =	sst s6  }
0xf: {  	[smem:$0x3FA7] =	sst s7  }
0x10: {  	[smem:$0x3FA8] =	sst s8  }
0x11: {  	[smem:$0x3FA9] =	sst s9;
	s0 =	simm.s32 @!p0 $0x0  }
0x12: {  	s1 =	sld [smem:$0x3F8F];
	s0 =	simm.s32 @p0 $0x1  }
0x13: {  	[smem:$0x3FAA] =	sst s0;
	s0 =	simm.s32 @!p1 $0x0  }
0x14: {  	s2 =	sld [smem:$0x3F8E];
	s0 =	simm.s32 @p1 $0x1  }
0x15: {  	[smem:$0x3FAB] =	sst s0;
	s0 =	simm.s32 @!p2 $0x0  }
0x16: {  	s3 =	sld [smem:$0x3FDB];
	s0 =	simm.s32 @p2 $0x1  }
0x17: {  	s4 =	simm.s32 $0x1BF5;
	[smem:$0x3FAD] =	sst s0  }
0x18: {  	s0 =	sld [smem:$0x3F90];
	_ =	swait.ge [sflag:s4], $0x0  }
0x19: {  	s7 =	sld [smem:$0x3F91]  }
0x1a: {  	s8 =	sadd.s32 $0xFFFFE003, lr  }
0x1b: {  	s9 =	sadd.s32 $0xFFFFFEF7, lr;
	s5 =	simm.s32 $0xFFFFFFFF;
	p2 =	slt.u32 s8, $0xFFFFF086  }
0x1c: {  	p1 =	slt.u32 s9, $0xF7A;
	s5 =	simm.s32 @!p2 $0x0  }
0x1d: {  	s5 =	simm.s32 @p1 $0x1;
	p0 =	seq.s32 s7, s2  }
0x1e: {  	s7 =	smul.u32 @!p0 $0xF7A, s2;
	p2 =	seq.s32 @!p0 s5, $0x0  }
0x1f: {  	s9 =	smul.u32 $0xF7A, s1;
	s8 =	simm.s32 @!p0 $0x1BF5;
	p2 =	por !p2, p0  }
0x20: {  	[sflag:s8] =	ssyncset.s32 @!p0 $0xFFFFF086;
	s6 =	sadd.s32 @!p0 s3, s7;
	s7 =	simm.s32 @!p0 $0x108  }
0x21: {  	s3 =	sadd.s32 s3, s9;
	s6 =	sadd.s32 @!p0 $0x88, s6;
	s7 =	simm.s32 @p2 $0x1082  }
0x22: {  	[simem:s7], [sflag:s8] =	dma.local @!p0 [hbm:s6], $0xF7A  }
0x23: {  	s9 =	sor.u32 $0xD0000000, s2;
	s6 =	simm.s32 $0x108;
	_ =	swait.ge @!p0 [sflag:s8], $0x0  }
0x24: {  	s3 =	sadd.s32 $0x88, s3;
	s6 =	simm.s32 @!p1 $0x1082;
	[sflag:s4] =	ssyncset.s32 $0xFFFFF086  }
0x25: {  	[simem:s6], [sflag:s4] =	dma.local [hbm:s3], $0xF7A  }
0x26: {  	[smem:$0x3F91] =	sst s1;
	(tag) =	ssettag s2;
	_ =	strace s9  }
0x27: {  	s1 =	sld [smem:$0x3FA1]  }
0x28: {  	s2 =	sld [smem:$0x3FA2]  }
0x29: {  	s4 =	sld [smem:$0x3FA4]  }
0x2a: {  	p0 =	seq.s32 s5, $0x0;
	s5 =	sld [smem:$0x3FA5]  }
0x2b: {  	s6 =	sld [smem:$0x3FA6]  }
0x2c: {  	s7 =	sld [smem:$0x3FA7]  }
0x2d: {  	s3 =	simm.s32 $0x108;
	s8 =	sld [smem:$0x3FA8]  }
0x2e: {  	s3 =	simm.s32 @!p0 $0x1082;
	s9 =	sld [smem:$0x3FA9]  }
0x2f: {  	lr =	sadd.s32 s0, s3;
	s0 =	sld [smem:$0x3FA0]  }
0x30: {  	s3 =	sld [smem:$0x3FA3]  }
0x31: {  	[smem:$0x3FAC] =	sst s10  }
0x32: {  	s10 =	sld [smem:$0x3FAA];
	_ =	sdelay $0x3  }
0x33: {  	p0 =	seq.s32 s10, $0x1;
	s10 =	sld [smem:$0x3FAC];
	_ =	sdelay $0x3  }
0x34: {  	[smem:$0x3FAC] =	sst s10  }
0x35: {  	s10 =	sld [smem:$0x3FAB];
	_ =	sdelay $0x3  }
0x36: {  	p1 =	seq.s32 s10, $0x1;
	s10 =	sld [smem:$0x3FAC];
	_ =	sdelay $0x3  }
0x37: {  	[smem:$0x3FAC] =	sst s10  }
0x38: {  	s10 =	sld [smem:$0x3FAD]  }
0x39: {  	_ = 	snop;
	(pc) =	sbr.ind lr, $3  }
0x3a: {  	_ = 	snop  }
0x3b: {  	_ = 	snop  }
0x3c: {  	p2 =	seq.s32 s10, $0x1;
	s10 =	sld [smem:$0x3FAC]  }
0x3d: {  	_ =	shalt  }
0x3e: {  	_ =	shalt  }
0x3f: {  	_ =	shalt  }
0x40: {  	_ =	shalt  }
0x41: {  	_ =	shalt  }
0x42: {  	_ =	shalt  }
0x43: {  	_ =	shalt  }
0x44: {  	_ =	shalt  }
0x45: {  	_ =	shalt  }
0x46: {  	_ =	shalt  }
0x47: {  	_ =	shalt  }
0x48: {  	_ =	shalt  }
0x49: {  	_ =	shalt  }
0x4a: {  	_ =	shalt  }
0x4b: {  	_ =	shalt  }
0x4c: {  	_ =	shalt  }
0x4d: {  	_ =	shalt  }
0x4e: {  	_ =	shalt  }
0x4f: {  	_ =	shalt  }
0x50: {  	_ =	shalt  }
0x51: {  	_ =	shalt  }
0x52: {  	_ =	shalt  }
0x53: {  	_ =	shalt  }
0x54: {  	_ =	shalt  }
0x55: {  	_ =	shalt  }
0x56: {  	_ =	shalt  }
0x57: {  	_ =	shalt  }
0x58: {  	_ =	shalt  }
0x59: {  	_ =	shalt  }
0x5a: {  	_ =	shalt  }
0x5b: {  	_ =	shalt  }
0x5c: {  	_ =	shalt  }
0x5d: {  	_ =	shalt  }
0x5e: {  	_ =	shalt  }
0x5f: {  	_ =	shalt  }
0x60: {  	_ =	shalt  }
0x61: {  	_ =	shalt  }
0x62: {  	_ =	shalt  }
0x63: {  	_ =	shalt  }
0x64: {  	_ =	shalt  }
0x65: {  	_ =	shalt  }
0x66: {  	_ =	shalt  }
0x67: {  	_ =	shalt  }
0x68: {  	_ =	shalt  }
0x69: {  	_ =	shalt  }
0x6a: {  	_ =	shalt  }
0x6b: {  	_ =	shalt  }
0x6c: {  	_ =	shalt  }
0x6d: {  	_ =	shalt  }
0x6e: {  	_ =	shalt  }
0x6f: {  	_ =	shalt  }
0x70: {  	_ =	shalt  }
0x71: {  	_ =	shalt  }
0x72: {  	_ =	shalt  }
0x73: {  	_ =	shalt  }
0x74: {  	_ =	shalt  }
0x75: {  	_ =	shalt  }
0x76: {  	_ =	shalt  }
0x77: {  	_ =	shalt  }
0x78: {  	_ =	shalt  }
0x79: {  	_ =	shalt  }
0x7a: {  	_ =	shalt  }
0x7b: {  	_ =	shalt  }
0x7c: {  	_ =	shalt  }
0x7d: {  	_ =	shalt  }
0x7e: {  	_ =	shalt  }
0x7f: {  	_ =	shalt  }
0x80: {  	_ =	shalt  }
0x81: {  	_ =	shalt  }
0x82: {  	_ =	shalt  }
0x83: {  	_ =	shalt  }
0x84: {  	_ =	shalt  }
0x85: {  	_ =	shalt  }
0x86: {  	_ =	shalt  }
0x87: {  	_ =	shalt  }
.Lfunc_end0:
.L_simem_size_0:
called_computation_lowered:
.L_overlay_start_0:
0x88: {  	s2 =	sld [smem:$0x3FD9]  }
0x89: {  	s3 =	sld [smem:$0x3FFE];
	_ =	sdelay $0x1  }
0x8a: {  	s1 =	srdreg.scid  }
0x8b: {  	s0 =	sand.u32 $0x1, s1  }
0x8c: {  	s16 =	sshll.u32 s0, $0xA;
	s2 =	sadd.s32 s3, s2  }
0x8d: {  	s2 =	sadd.s32 s2, s16  }
0x8e: {  	[smem:$0x3FB8] =	sst s2  }
0x8f: {  	_ = 	snop  }
0x90: {  	(tm) =	ssettm $0x1  }
0x91: {  	s17 =	sld [smem:$0x3FFB];
	_ =	sdelay $0x3  }
0x92: {  	_ =	strace s17  }
0x93: {  	s2 =	sld [smem:$0x3FFC];
	_ =	sdelay $0x3  }
0x94: {  	_ =	strace s2  }
0x95: {  	s2 =	sld [smem:$0x3FFD];
	_ =	sdelay $0x3  }
0x96: {  	_ =	strace s2  }
0x97: {  	_ =	strace $0x8FFFFFFF  }
0x98: {  	s18 =	sld [smem:$0x3FDB];
	_ =	sdelay $0x1  }
0x99: {  	s19 =	simm.s32 $_scs_section_size  }
0x9a: {  	s4 =	simm.s32 $_size__tile_overlayer_lowered;
	s5 =	simm.s32 $_tile_overlayer_lowered  }
0x9b: {  	s22 =	simm.s32 $0x1BFF;
	s21 =	sshll.u32 s5, $0x1;
	s2 =	sadd.s32 s19, s18  }
0x9c: {  	s6 =	simm.s32 $0x0;
	s20 =	sshll.u32 s4, $0x1;
	s4 =	sadd.s32 s21, s2  }
0x9d: {  	[timem:s6], [sflag:s22] =	dma.local [hbm:s4], s20  }
0x9e: {  	_ =	swait.ge [sflag:s22], s20  }
0x9f: {  	s3 =	ssub.s32 $0x0, s20;
	[sflag:s22] =	ssyncset.done $0x0  }
0xa0: {  	[sflag:s22] =	ssyncadd.s32 s3;
	_ =	sdelay $0x1  }
0xa1: {  	s23 =	simm.s32 $0x1B8B  }
0xa2: {  	_ =	swait.ge [sflag:s23], $0x1  }
0xa3: {  	[sflag:s23] =	ssyncset.done $0x0  }
0xa4: {  	s25 =	simm.s32 $0x1B8E;
	s24 =	sld [smem:$0x3FFE];
	[sflag:s23] =	ssyncadd.s32 $0xFFFFFFFF  }
0xa5: {  	s26 =	simm.s32 $execute0_lowered;
	[smem:$0x3FD2] =	sst s25  }
0xa6: {  	s4 =	sshll.u32 s26, $0x1;
	_ =	strace $0x80000046;
	[dreg:$0x1] =	wrdreg $0xFFFFFFFF  }
0xa7: {  	s28 =	simm.s32 $_size_execute0_lowered;
	s2 =	sadd.s32 s2, s4;
	[dreg:$0x0] =	wrdreg $0x0  }
0xa8: {  	s4 =	sshll.u32 s28, $0x1;
	[dreg:$0x2] =	wrdreg s2  }
0xa9: {  	[dreg:$0x3] =	wrdreg s4  }
0xaa: {  	[dreg:$0x4] =	wrdreg $0xC0  }
0xab: {  	_ =	task [dreg:s6], $0x5FFFF  }
0xac: {  	[dreg:$0x1] =	wrdreg $0xFFFFFFFF  }
0xad: {  	[dreg:$0x0] =	wrdreg $0x60  }
0xae: {  	[dreg:$0x2] =	wrdreg s24  }
0xaf: {  	[dreg:$0x3] =	wrdreg $0xB8000  }
0xb0: {  	[dreg:$0x4] =	wrdreg $0x156000  }
0xb1: {  	[dreg:$0x5] =	wrdreg $0x9  }
0xb2: {  	_ =	task.clear_ibuf [dreg:s6], $0x6FFFF;
	_ =	strace $0x90000046  }
0xb3: {  	s29 =	simm.s32 $0x9;
	_ =	strace $0x80000048  }
0xb4: {  	_ =	swait.ge [sflag:s29], $0x1  }
0xb5: {  	[sflag:s29] =	ssyncadd.s32 $0xFFFFFFFF  }
0xb6: {  	_ =	strace $0x90000048  }
0xb7: {  	_ =	sfence  }
0xb8: {  	s30 =	sld [smem:$0x0];
	_ =	sdelay $0x2  }
0xb9: {  	s31 =	sshll.u32 s1, $0xD;
	s1 =	sshrl.u32 s1, $0x2  }
0xba: {  	s3 =	sand.u32 $0x4000, s31;
	s1 =	sadd.s32 s1, s30  }
0xbb: {  	s0 =	sor.u32 s3, s0;
	s1 =	sshll.u32 s1, $0x11  }
0xbc: {  	s0 =	sor.u32 s1, s0  }
0xbd: {  	s0 =	sadd.s32 $0x8F2B, s0  }
0xbe: {  	[sflag:s0] =	ssyncadd.remote.s32 $0x1  }
0xbf: {  	_ =	sfence.sel $0xFFFF  }
0xc0: {  	[dreg:$0x0] =	wrdreg $0xFFFFFFFF;
	(pc) =	sbr.abs _section_cstart, $3  }
0xc1: {  	[dreg:$0x1] =	wrdreg $0xFFFFFFFF  }
0xc2: {  	_ =	task.clear_ibuf [dreg:s6], $0x2FFFF;
	_ =	strace $0x9FFFFFFF  }
0xc3: {  	(tm) =	ssettm $0x7FFFFFFF  }
tec
execute0_lowered:
.L_overlay_start_1:
0x0: {  	(tag) =	ssettag $0x1  }
0x1: {  	s0 =	rddreg [dreg:$0x0]  }
0x2: {  	s2 =	rddreg [dreg:$0x1]  }
0x3: {  	s3 =	rddreg [dreg:$0x2];
	s1 =	stileid.u32  }
0x4: {  	s4 =	simm.s32 $0x0;
	s6 =	srdreg.scid;
	s28 =	simm.s32 $0x9800  }
0x5: {  	s29 =	simm.s32 $0x1;
	s30 =	simm.s32 $0x2;
	s5 =	smul.u32 $0x2780, s1  }
0x6: {  	s31 =	simm.s32 $0x3;
	[smem:$0x7FF] =	sst s4;
	s7 =	smul.u32 $0x500, s1  }
0x7: {  	s6 =	sand.u32 $0x1, s6;
	s10 =	smul.u32 $0x27800, s1;
	s12 =	sadd.s32 $0x4B600, s0  }
0x8: {  	s20 =	sadd.s32 $0x37A00, s0;
	s23 =	smul.u32 $0x9E00, s1;
	s11 =	sadd.s32 $0x94200, s2  }
0x9: {  	s24 =	sadd.s32 $0x35880, s0;
	p4 =	seq.s32 s1, $0xF;
	_ =	strace $0x80000047  }
0xa: {  	s8 =	ssub.s32 $0x2, s6;
	p3 =	seq.s32 s6, $0x1;
	[dreg:$0x9] =	wrdreg s24  }
0xb: {  	s24 =	simm.s32 $0x6;
	s5 =	sadd.s32 s5, s0;
	s7 =	sadd.s32 s7, s0  }
0xc: {  	s9 =	sshrl.u32 s8, $0x1;
	s10 =	sshrl.u32 s10, $0x2;
	s0 =	sadd.s32 $0x35888, s0  }
0xd: {  	s14 =	sadd.s32 s23, s3;
	s26 =	sshrl.u32 s23, $0x3;
	s12 =	smov.u32 @p3 s20  }
0xe: {  	p0 =	por !p3, !p4;
	p1 =	por p3, !p4;
	p2 =	por !p3, p4  }
0xf: {  	p3 =	por p3, p4;
	s23 =	simm.s32 $0x7800;
	s9 =	ssub.s32 s8, s9  }
0x10: {  	s19 =	sadd.s32 $0x6800, s7;
	s21 =	sadd.s32 $0x1800, s7;
	[dreg:$0xa] =	wrdreg s0  }
0x11: {  	s7 =	sadd.s32 $0xB800, s7;
	s8 =	sadd.s32 s10, s2;
	[dreg:$0x4] =	wrdreg s19  }
0x12: {  	s22 =	sadd.s32 $0x10800, s5;
	s5 =	sadd.s32 $0x10808, s5;
	[dreg:$0x5] =	wrdreg s21  }
.Ltmp0:
0x13: {  	s25 =	sadd.s32 s10, s3;
	[dreg:$0x6] =	wrdreg s7;
	(pc) =	sbr.rel .LBB2_1-.Ltmp0, $4  }
0x14: {  	s20 =	sadd.s32 s12, s26;
	s26 =	simm.s32 $0x80;
	[dreg:$0x7] =	wrdreg s22  }
0x15: {  	s0 =	simm.s32 $0x4;
	[dreg:$0x8] =	wrdreg s5;
	s15 =	sadd.s32 $0x2000, s25  }
0x16: {  	s16 =	sadd.s32 $0x4000, s25;
	s17 =	sadd.s32 $0x6000, s25;
	s18 =	sadd.s32 $0x8000, s25  }
0x17: {  	v0 =	vimm.f32 $0.0e+00;
	s19 =	smax.u32 s9, $0x1;
	s25 =	simm.s32 $0x5;
	s21 =	simm.s32 $0x0  }
.LBB2_10:
0x18: {  	_ =	swait.ge [sflag:s0], $0x2000  }
0x19: {  	s5 =	sshll.u32 s1, $0x6;
	s21 =	sadd.s32 $0x1, s21;
	[sflag:s0] =	ssyncset.done $0x0  }
0x1a: {  	s6 =	sshrl.u32 s14, $0x3;
	p4 =	sne.s32 s21, s19;
	[sflag:s0] =	ssyncadd.s32 $0xFFFFE000  }
.Ltmp1:
0x1b: {  	s5 =	sor.u32 $0x1C06, s5;
	[bflag:$0x0] =	sbarrier.arrive $0xFFFF;
	(pc) =	sbr.rel @!p4 .LBB2_11-.Ltmp1, $4  }
0x1c: {  	[hbm:s20], [sflag:s5] =	dma.local [spmem:s6], $0x13C0  }
0x1d: {  	_ =	swait.ge [sflag:s24], $0x13C0  }
0x1e: {  	[sflag:s24] =	ssyncset.done $0x0  }
0x1f: {  	[sflag:s24] =	ssyncadd.s32 $0xFFFFEC40  }
.LBB2_1:
0x20: {  	s5 =	rddreg [dreg:$0x4]  }
0x21: {  	s12 =	rddreg [dreg:$0x5]  }
0x22: {  	s6 =	simm.s32 $0x2800;
	s13 =	rddreg [dreg:$0x6];
	s22 =	simm.s32 $0x5000  }
0x23: {  	[tilespmem:s4], [sflag:$0x5] =	stream.linear.gather [hbm4b:s5+s4], $0x2800, $0x38;
	[tilespmem:$0x1F400] =	vst v63  }
0x24: {  	s7 =	simm.s32 @!p0 $0x8;
	s9 =	simm.s32 @!p0 $0x10;
	s10 =	simm.s32 @!p0 $0x1FC6  }
0x25: {  	[tilespmem:s6], [sflag:$0x5] =	stream.linear.gather [hbm4b:s12+s4], $0x2800, $0x38;
	[tilespmem:$0x1F400] =	vst v63  }
0x26: {  	s5 =	sshrl.u32 @!p0 s11, $0x3;
	s6 =	simm.s32 @!p0 $0x1;
	s12 =	rddreg [dreg:$0xa]  }
0x27: {  	[tilespmem:s22], [sflag:$0x5] =	stream.linear.gather [hbm4b:s13+s4], $0x2800, $0x38;
	[tilespmem:$0x1F400] =	vst v63  }
0x28: {  	[spmem:s5@s7], [sflag:s10] =	dma.strided @!p0 [hbm:s12@s9], $0x1040, s6, $0x8   }
0x29: {  	s5 =	simm.s32 @!p0 $0x6  }
0x2a: {  	s6 =	simm.s32 @!p1 $0x1;
	s7 =	simm.s32 @!p1 $0x8;
	_ =	swait.ge @!p0 [sflag:s5], $0x1040  }
0x2b: {  	s9 =	simm.s32 @!p1 $0x10;
	s10 =	simm.s32 @!p1 $0x1FC6;
	[sflag:s5] =	ssyncset.done @!p0 $0x0  }
0x2c: {  	s12 =	rddreg [dreg:$0x9];
	[sflag:s5] =	ssyncadd.s32 @!p0 $0xFFFFEFC0;
	s5 =	sshrl.u32 @!p1 s11, $0x3  }
0x2d: {  	[spmem:s5@s7], [sflag:s10] =	dma.strided @!p1 [hbm:s12@s9], $0x1040, s6, $0x8   }
0x2e: {  	s5 =	simm.s32 @!p1 $0x6;
	s6 =	sshll.u32 @!p2 s1, $0x6  }
0x2f: {  	s7 =	simm.s32 @!p2 $0x1;
	s9 =	simm.s32 @!p2 $0x8;
	_ =	swait.ge @!p1 [sflag:s5], $0x1040  }
0x30: {  	s10 =	simm.s32 @!p2 $0x10;
	[sflag:s5] =	ssyncset.done @!p1 $0x0;
	s12 =	rddreg [dreg:$0x8]  }
0x31: {  	[sflag:s5] =	ssyncadd.s32 @!p1 $0xFFFFEFC0;
	s5 =	sor.u32 @!p2 $0x1C06, s6;
	s6 =	sshrl.u32 @!p2 s8, $0x3  }
0x32: {  	[spmem:s6@s9], [sflag:s5] =	dma.strided @!p2 [hbm:s12@s10], $0x13C0, s7, $0x8   }
0x33: {  	s5 =	simm.s32 @!p2 $0x6;
	s6 =	sshll.u32 @!p3 s1, $0x6  }
0x34: {  	s7 =	simm.s32 @!p3 $0x1;
	s9 =	simm.s32 @!p3 $0x8;
	_ =	swait.ge @!p2 [sflag:s5], $0x13C0  }
0x35: {  	s10 =	simm.s32 @!p3 $0x10;
	[sflag:s5] =	ssyncset.done @!p2 $0x0;
	s12 =	rddreg [dreg:$0x7]  }
0x36: {  	[sflag:s5] =	ssyncadd.s32 @!p2 $0xFFFFEC40;
	s5 =	sor.u32 @!p3 $0x1C06, s6;
	s6 =	sshrl.u32 @!p3 s8, $0x3  }
0x37: {  	[spmem:s6@s9], [sflag:s5] =	dma.strided @!p3 [hbm:s12@s10], $0x13C0, s7, $0x8   }
0x38: {  	s5 =	simm.s32 @!p3 $0x6  }
0x39: {  	_ =	swait.ge @!p3 [sflag:s5], $0x13C0  }
0x3a: {  	[sflag:s5] =	ssyncset.done @!p3 $0x0  }
0x3b: {  	s6 =	simm.s32 $0x100;
	[sflag:s5] =	ssyncadd.s32 @!p3 $0xFFFFEC40;
	s5 =	simm.s32 $0x0  }
.LBB2_2:
0x3c: {  	p4 =	sne.s32 s6, $0x7F00;
	[tilespmem:s5+$0x7830] =	vst v0;
	s7 =	smov.u32 s6;
	s6 =	sadd.s32 $0x100, s6  }
.Ltmp2:
0x3d: {  	[tilespmem:s5+$0x7820] =	vst v0;
	(pc) =	sbr.rel @p4 .LBB2_2-.Ltmp2, $3  }
0x3e: {  	[tilespmem:s5+$0x7800] =	vst v0  }
0x3f: {  	[tilespmem:s5+$0x7810] =	vst v0;
	_ =	sdelay $0x1  }
0x40: {  	s5 =	sshra.s32 s7, $0x2  }
0x41: {  	[tilespmem:s5+$0x7830] =	vst v0  }
0x42: {  	[tilespmem:s5+$0x7820] =	vst v0  }
0x43: {  	[tilespmem:s5+$0x7800] =	vst v0  }
0x44: {  	[tilespmem:s5+$0x7810] =	vst v0  }
0x45: {  	[spmem:s14] =	stream.linear.scatter [tilespmem:s23], [sflag:$0x6], $0x2000, $0x38;
	[tilespmem:$0x1F400] =	vst v63  }
0x46: {  	_ =	swait.ge [sflag:s24], $0x2000  }
0x47: {  	[sflag:s24] =	ssyncset.done $0x0  }
0x48: {  	[sflag:s24] =	ssyncadd.s32 $0xFFFFE000  }
0x49: {  	[spmem:s15] =	stream.linear.scatter [tilespmem:s23], [sflag:$0x6], $0x2000, $0x38;
	[tilespmem:$0x1F400] =	vst v63  }
0x4a: {  	_ =	swait.ge [sflag:s24], $0x2000  }
0x4b: {  	[sflag:s24] =	ssyncset.done $0x0  }
0x4c: {  	[sflag:s24] =	ssyncadd.s32 $0xFFFFE000  }
0x4d: {  	[spmem:s16] =	stream.linear.scatter [tilespmem:s23], [sflag:$0x6], $0x2000, $0x38;
	[tilespmem:$0x1F400] =	vst v63  }
0x4e: {  	_ =	swait.ge [sflag:s24], $0x2000  }
0x4f: {  	[sflag:s24] =	ssyncset.done $0x0  }
0x50: {  	[sflag:s24] =	ssyncadd.s32 $0xFFFFE000  }
0x51: {  	[spmem:s17] =	stream.linear.scatter [tilespmem:s23], [sflag:$0x6], $0x2000, $0x38;
	[tilespmem:$0x1F400] =	vst v63  }
0x52: {  	_ =	swait.ge [sflag:s24], $0x2000  }
0x53: {  	[sflag:s24] =	ssyncset.done $0x0  }
0x54: {  	[sflag:s24] =	ssyncadd.s32 $0xFFFFE000  }
0x55: {  	[spmem:s18] =	stream.linear.scatter [tilespmem:s23], [sflag:$0x6], $0x1E00, $0x38;
	[tilespmem:$0x1F400] =	vst v63  }
0x56: {  	_ =	swait.ge [sflag:s24], $0x1E00  }
0x57: {  	[sflag:s24] =	ssyncset.done $0x0  }
0x58: {  	[sflag:s24] =	ssyncadd.s32 $0xFFFFE200  }
0x59: {  	_ =	swait.ge [sflag:s25], $0x2800  }
0x5a: {  	[sflag:s25] =	ssyncset.done $0x0  }
0x5b: {  	[sflag:s25] =	ssyncadd.s32 $0xFFFFD800  }
0x5c: {  	_ =	swait.ge [sflag:s25], $0x2800  }
0x5d: {  	[sflag:s25] =	ssyncset.done $0x0  }
0x5e: {  	[sflag:s25] =	ssyncadd.s32 $0xFFFFD800  }
0x5f: {  	_ =	swait.ge [sflag:s25], $0x2800  }
0x60: {  	[sflag:s25] =	ssyncset.done $0x0  }
0x61: {  	[sflag:s25] =	ssyncadd.s32 $0xFFFFD800  }
0x62: {  	s22 =	simm.s32 $0x0;
	[bflag:$0x0] =	sbarrier.arrive $0xFFFF  }
0x63: {  	[tilespmem:s23], [sflag:$0x1] =	stream.indirect.gather [spmem:s2], $0x40, s22, s26, $0xb8;
	[tilespmem:$0x1F400] =	vst v63  }
0x64: {  	s5 =	simm.s32 $0x5000;
	s6 =	simm.s32 $0x5080  }
0x65: {  	[tilespmem:s28], [sflag:$0x2] =	stream.indirect.gather [spmem:s2], $0x40, s26, s26, $0xb8;
	[tilespmem:$0x1F400] =	vst v63  }
.LBB2_4:
0x66: {  	v1 =	vmov s5  }
0x67: {  	_ =	swait.ge [sflag:s29], $0x2000  }
0x68: {  	s9 =	sshll.u32 s22, $0xA;
	[sflag:s29] =	ssyncset.done $0x0  }
0x69: {  	s7 =	simm.s32 $0x7A00;
	s10 =	simm.s32 $0x0;
	[sflag:s29] =	ssyncadd.s32 $0xFFFFE000  }
.LBB2_5:
0x6a: {  	s12 =	sshra.s32 s10, $0x2  }
0x6b: {  	v2 =	vld.idx.msk [tilespmem:v1+s12+$0x0 ss:$0x1], $0xffff;
	_ =	sdelay $0x1  }
0x6c: {  	v3 =	vld [tilespmem:s7+$0xFFFFFE00];
	_ =	sdelay $0x2  }
0x6d: {  	v4 =	vbroadcast v2, $0x0;
	_ =	sdelay $0x1  }
0x6e: {  	v3 =	vmul.f32 v4, v3;
	_ =	sdelay $0x1  }
0x6f: {  	[tilespmem:s7+$0xFFFFFE00] =	vst v3;
	v3 =	vld [tilespmem:s7+$0xFFFFFE10];
	_ =	sdelay $0x4  }
0x70: {  	v3 =	vmul.f32 v3, v4;
	_ =	sdelay $0x1  }
0x71: {  	[tilespmem:s7+$0xFFFFFE10] =	vst v3;
	v3 =	vld [tilespmem:s7+$0xFFFFFE20];
	_ =	sdelay $0x4  }
0x72: {  	v3 =	vmul.f32 v3, v4;
	_ =	sdelay $0x1  }
0x73: {  	[tilespmem:s7+$0xFFFFFE20] =	vst v3;
	v3 =	vld [tilespmem:s7+$0xFFFFFE30];
	_ =	sdelay $0x4  }
0x74: {  	v3 =	vmul.f32 v3, v4;
	_ =	sdelay $0x1  }
0x75: {  	[tilespmem:s7+$0xFFFFFE30] =	vst v3;
	v3 =	vld [tilespmem:s7+$0xFFFFFE40];
	_ =	sdelay $0x2  }
0x76: {  	v50 =	vbroadcast v2, $0x1;
	_ =	sdelay $0x1  }
0x77: {  	v3 =	vmul.f32 v3, v50;
	_ =	sdelay $0x1  }
0x78: {  	[tilespmem:s7+$0xFFFFFE40] =	vst v3;
	v3 =	vld [tilespmem:s7+$0xFFFFFE50];
	_ =	sdelay $0x4  }
0x79: {  	v3 =	vmul.f32 v3, v50;
	_ =	sdelay $0x1  }
0x7a: {  	[tilespmem:s7+$0xFFFFFE50] =	vst v3;
	v3 =	vld [tilespmem:s7+$0xFFFFFE60];
	_ =	sdelay $0x4  }
0x7b: {  	v3 =	vmul.f32 v3, v50;
	_ =	sdelay $0x1  }
0x7c: {  	[tilespmem:s7+$0xFFFFFE60] =	vst v3;
	v3 =	vld [tilespmem:s7+$0xFFFFFE70];
	_ =	sdelay $0x4  }
0x7d: {  	v3 =	vmul.f32 v3, v50;
	_ =	sdelay $0x1  }
0x7e: {  	[tilespmem:s7+$0xFFFFFE70] =	vst v3;
	v3 =	vld [tilespmem:s7+$0xFFFFFE80];
	_ =	sdelay $0x2  }
0x7f: {  	v51 =	vbroadcast v2, $0x2;
	_ =	sdelay $0x1  }
0x80: {  	v3 =	vmul.f32 v3, v51;
	_ =	sdelay $0x1  }
0x81: {  	[tilespmem:s7+$0xFFFFFE80] =	vst v3;
	v3 =	vld [tilespmem:s7+$0xFFFFFE90];
	_ =	sdelay $0x4  }
0x82: {  	v3 =	vmul.f32 v3, v51;
	_ =	sdelay $0x1  }
0x83: {  	[tilespmem:s7+$0xFFFFFE90] =	vst v3;
	v3 =	vld [tilespmem:s7+$0xFFFFFEA0];
	_ =	sdelay $0x4  }
0x84: {  	v3 =	vmul.f32 v3, v51;
	_ =	sdelay $0x1  }
0x85: {  	[tilespmem:s7+$0xFFFFFEA0] =	vst v3;
	v3 =	vld [tilespmem:s7+$0xFFFFFEB0];
	_ =	sdelay $0x4  }
0x86: {  	v3 =	vmul.f32 v3, v51;
	_ =	sdelay $0x1  }
0x87: {  	[tilespmem:s7+$0xFFFFFEB0] =	vst v3;
	v3 =	vld [tilespmem:s7+$0xFFFFFEC0];
	_ =	sdelay $0x2  }
0x88: {  	v52 =	vbroadcast v2, $0x3;
	_ =	sdelay $0x1  }
0x89: {  	v3 =	vmul.f32 v3, v52;
	_ =	sdelay $0x1  }
0x8a: {  	[tilespmem:s7+$0xFFFFFEC0] =	vst v3;
	v3 =	vld [tilespmem:s7+$0xFFFFFED0];
	_ =	sdelay $0x4  }
0x8b: {  	v3 =	vmul.f32 v3, v52;
	_ =	sdelay $0x1  }
0x8c: {  	[tilespmem:s7+$0xFFFFFED0] =	vst v3;
	v3 =	vld [tilespmem:s7+$0xFFFFFEE0];
	_ =	sdelay $0x4  }
0x8d: {  	v3 =	vmul.f32 v3, v52;
	_ =	sdelay $0x1  }
0x8e: {  	[tilespmem:s7+$0xFFFFFEE0] =	vst v3;
	v3 =	vld [tilespmem:s7+$0xFFFFFEF0];
	_ =	sdelay $0x4  }
0x8f: {  	v3 =	vmul.f32 v3, v52;
	_ =	sdelay $0x1  }
0x90: {  	[tilespmem:s7+$0xFFFFFEF0] =	vst v3;
	v3 =	vld [tilespmem:s7+$0xFFFFFF00];
	_ =	sdelay $0x2  }
0x91: {  	v53 =	vbroadcast v2, $0x4;
	_ =	sdelay $0x1  }
0x92: {  	v3 =	vmul.f32 v3, v53;
	_ =	sdelay $0x1  }
0x93: {  	[tilespmem:s7+$0xFFFFFF00] =	vst v3;
	v3 =	vld [tilespmem:s7+$0xFFFFFF10];
	_ =	sdelay $0x4  }
0x94: {  	v3 =	vmul.f32 v3, v53;
	_ =	sdelay $0x1  }
0x95: {  	[tilespmem:s7+$0xFFFFFF10] =	vst v3;
	v3 =	vld [tilespmem:s7+$0xFFFFFF20];
	_ =	sdelay $0x4  }
0x96: {  	v3 =	vmul.f32 v3, v53;
	_ =	sdelay $0x1  }
0x97: {  	[tilespmem:s7+$0xFFFFFF20] =	vst v3;
	v3 =	vld [tilespmem:s7+$0xFFFFFF30];
	_ =	sdelay $0x4  }
0x98: {  	v3 =	vmul.f32 v3, v53;
	_ =	sdelay $0x1  }
0x99: {  	[tilespmem:s7+$0xFFFFFF30] =	vst v3;
	v3 =	vld [tilespmem:s7+$0xFFFFFF40];
	_ =	sdelay $0x2  }
0x9a: {  	v54 =	vbroadcast v2, $0x5;
	_ =	sdelay $0x1  }
0x9b: {  	v3 =	vmul.f32 v3, v54;
	_ =	sdelay $0x1  }
0x9c: {  	[tilespmem:s7+$0xFFFFFF40] =	vst v3;
	v3 =	vld [tilespmem:s7+$0xFFFFFF50];
	_ =	sdelay $0x4  }
0x9d: {  	v3 =	vmul.f32 v3, v54;
	_ =	sdelay $0x1  }
0x9e: {  	[tilespmem:s7+$0xFFFFFF50] =	vst v3;
	v3 =	vld [tilespmem:s7+$0xFFFFFF60];
	_ =	sdelay $0x4  }
0x9f: {  	v3 =	vmul.f32 v3, v54;
	_ =	sdelay $0x1  }
0xa0: {  	[tilespmem:s7+$0xFFFFFF60] =	vst v3;
	v3 =	vld [tilespmem:s7+$0xFFFFFF70];
	_ =	sdelay $0x4  }
0xa1: {  	v3 =	vmul.f32 v3, v54;
	_ =	sdelay $0x1  }
0xa2: {  	[tilespmem:s7+$0xFFFFFF70] =	vst v3;
	v3 =	vld [tilespmem:s7+$0xFFFFFF80];
	_ =	sdelay $0x2  }
0xa3: {  	v55 =	vbroadcast v2, $0x6;
	_ =	sdelay $0x1  }
0xa4: {  	v3 =	vmul.f32 v3, v55;
	_ =	sdelay $0x1  }
0xa5: {  	[tilespmem:s7+$0xFFFFFF80] =	vst v3;
	v3 =	vld [tilespmem:s7+$0xFFFFFF90];
	_ =	sdelay $0x4  }
0xa6: {  	v3 =	vmul.f32 v3, v55;
	_ =	sdelay $0x1  }
0xa7: {  	[tilespmem:s7+$0xFFFFFF90] =	vst v3;
	v3 =	vld [tilespmem:s7+$0xFFFFFFA0];
	_ =	sdelay $0x4  }
0xa8: {  	v3 =	vmul.f32 v3, v55;
	_ =	sdelay $0x1  }
0xa9: {  	[tilespmem:s7+$0xFFFFFFA0] =	vst v3;
	v3 =	vld [tilespmem:s7+$0xFFFFFFB0];
	_ =	sdelay $0x4  }
0xaa: {  	v3 =	vmul.f32 v3, v55;
	_ =	sdelay $0x1  }
0xab: {  	[tilespmem:s7+$0xFFFFFFB0] =	vst v3;
	v3 =	vld [tilespmem:s7+$0xFFFFFFC0];
	_ =	sdelay $0x2  }
0xac: {  	v56 =	vbroadcast v2, $0x7;
	_ =	sdelay $0x1  }
0xad: {  	v3 =	vmul.f32 v3, v56;
	_ =	sdelay $0x1  }
0xae: {  	[tilespmem:s7+$0xFFFFFFC0] =	vst v3;
	v3 =	vld [tilespmem:s7+$0xFFFFFFD0];
	_ =	sdelay $0x4  }
0xaf: {  	v3 =	vmul.f32 v3, v56;
	_ =	sdelay $0x1  }
0xb0: {  	[tilespmem:s7+$0xFFFFFFD0] =	vst v3;
	v3 =	vld [tilespmem:s7+$0xFFFFFFE0];
	_ =	sdelay $0x4  }
0xb1: {  	v3 =	vmul.f32 v3, v56;
	_ =	sdelay $0x1  }
0xb2: {  	[tilespmem:s7+$0xFFFFFFE0] =	vst v3;
	v3 =	vld [tilespmem:s7+$0xFFFFFFF0];
	_ =	sdelay $0x4  }
0xb3: {  	v3 =	vmul.f32 v3, v56;
	_ =	sdelay $0x1  }
0xb4: {  	[tilespmem:s7+$0xFFFFFFF0] =	vst v3;
	v3 =	vld [tilespmem:s7+$0x0];
	_ =	sdelay $0x2  }
0xb5: {  	v57 =	vbroadcast v2, $0x8;
	_ =	sdelay $0x1  }
0xb6: {  	v3 =	vmul.f32 v3, v57;
	_ =	sdelay $0x1  }
0xb7: {  	[tilespmem:s7+$0x0] =	vst v3;
	v3 =	vld [tilespmem:s7+$0x10];
	_ =	sdelay $0x4  }
0xb8: {  	v3 =	vmul.f32 v3, v57;
	_ =	sdelay $0x1  }
0xb9: {  	[tilespmem:s7+$0x10] =	vst v3;
	v3 =	vld [tilespmem:s7+$0x20];
	_ =	sdelay $0x4  }
0xba: {  	v3 =	vmul.f32 v3, v57;
	_ =	sdelay $0x1  }
0xbb: {  	[tilespmem:s7+$0x20] =	vst v3;
	v3 =	vld [tilespmem:s7+$0x30];
	_ =	sdelay $0x4  }
0xbc: {  	v3 =	vmul.f32 v3, v57;
	_ =	sdelay $0x1  }
0xbd: {  	[tilespmem:s7+$0x30] =	vst v3;
	v3 =	vld [tilespmem:s7+$0x40];
	_ =	sdelay $0x2  }
0xbe: {  	v58 =	vbroadcast v2, $0x9;
	_ =	sdelay $0x1  }
0xbf: {  	v3 =	vmul.f32 v3, v58;
	_ =	sdelay $0x1  }
0xc0: {  	[tilespmem:s7+$0x40] =	vst v3;
	v3 =	vld [tilespmem:s7+$0x50];
	_ =	sdelay $0x4  }
0xc1: {  	v3 =	vmul.f32 v3, v58;
	_ =	sdelay $0x1  }
0xc2: {  	[tilespmem:s7+$0x50] =	vst v3;
	v3 =	vld [tilespmem:s7+$0x60];
	_ =	sdelay $0x4  }
0xc3: {  	v3 =	vmul.f32 v3, v58;
	_ =	sdelay $0x1  }
0xc4: {  	[tilespmem:s7+$0x60] =	vst v3;
	v3 =	vld [tilespmem:s7+$0x70];
	_ =	sdelay $0x4  }
0xc5: {  	v3 =	vmul.f32 v3, v58;
	_ =	sdelay $0x1  }
0xc6: {  	[tilespmem:s7+$0x70] =	vst v3;
	v3 =	vld [tilespmem:s7+$0x80];
	_ =	sdelay $0x2  }
0xc7: {  	v59 =	vbroadcast v2, $0xA;
	_ =	sdelay $0x1  }
0xc8: {  	v3 =	vmul.f32 v3, v59;
	_ =	sdelay $0x1  }
0xc9: {  	[tilespmem:s7+$0x80] =	vst v3;
	v3 =	vld [tilespmem:s7+$0x90];
	_ =	sdelay $0x4  }
0xca: {  	v3 =	vmul.f32 v3, v59;
	_ =	sdelay $0x1  }
0xcb: {  	[tilespmem:s7+$0x90] =	vst v3;
	v3 =	vld [tilespmem:s7+$0xA0];
	_ =	sdelay $0x4  }
0xcc: {  	v3 =	vmul.f32 v3, v59;
	_ =	sdelay $0x1  }
0xcd: {  	[tilespmem:s7+$0xA0] =	vst v3;
	v3 =	vld [tilespmem:s7+$0xB0];
	_ =	sdelay $0x4  }
0xce: {  	v3 =	vmul.f32 v3, v59;
	_ =	sdelay $0x1  }
0xcf: {  	[tilespmem:s7+$0xB0] =	vst v3;
	v3 =	vld [tilespmem:s7+$0xC0];
	_ =	sdelay $0x2  }
0xd0: {  	v60 =	vbroadcast v2, $0xB;
	_ =	sdelay $0x1  }
0xd1: {  	v3 =	vmul.f32 v3, v60;
	_ =	sdelay $0x1  }
0xd2: {  	[tilespmem:s7+$0xC0] =	vst v3;
	v3 =	vld [tilespmem:s7+$0xD0];
	_ =	sdelay $0x4  }
0xd3: {  	v3 =	vmul.f32 v3, v60;
	_ =	sdelay $0x1  }
0xd4: {  	[tilespmem:s7+$0xD0] =	vst v3;
	v3 =	vld [tilespmem:s7+$0xE0];
	_ =	sdelay $0x4  }
0xd5: {  	v3 =	vmul.f32 v3, v60;
	_ =	sdelay $0x1  }
0xd6: {  	[tilespmem:s7+$0xE0] =	vst v3;
	v3 =	vld [tilespmem:s7+$0xF0];
	_ =	sdelay $0x4  }
0xd7: {  	v3 =	vmul.f32 v3, v60;
	_ =	sdelay $0x1  }
0xd8: {  	[tilespmem:s7+$0xF0] =	vst v3;
	v3 =	vld [tilespmem:s7+$0x100];
	_ =	sdelay $0x2  }
0xd9: {  	v61 =	vbroadcast v2, $0xC;
	_ =	sdelay $0x1  }
0xda: {  	v3 =	vmul.f32 v3, v61;
	_ =	sdelay $0x1  }
0xdb: {  	[tilespmem:s7+$0x100] =	vst v3;
	v3 =	vld [tilespmem:s7+$0x110];
	_ =	sdelay $0x4  }
0xdc: {  	v3 =	vmul.f32 v3, v61;
	_ =	sdelay $0x1  }
0xdd: {  	[tilespmem:s7+$0x110] =	vst v3;
	v3 =	vld [tilespmem:s7+$0x120];
	_ =	sdelay $0x4  }
0xde: {  	v3 =	vmul.f32 v3, v61;
	_ =	sdelay $0x1  }
0xdf: {  	[tilespmem:s7+$0x120] =	vst v3;
	v3 =	vld [tilespmem:s7+$0x130];
	_ =	sdelay $0x4  }
0xe0: {  	v3 =	vmul.f32 v3, v61;
	_ =	sdelay $0x1  }
0xe1: {  	[tilespmem:s7+$0x130] =	vst v3;
	v3 =	vld [tilespmem:s7+$0x140];
	_ =	sdelay $0x2  }
0xe2: {  	v62 =	vbroadcast v2, $0xD;
	_ =	sdelay $0x1  }
0xe3: {  	v3 =	vmul.f32 v3, v62;
	_ =	sdelay $0x1  }
0xe4: {  	[tilespmem:s7+$0x140] =	vst v3;
	v3 =	vld [tilespmem:s7+$0x150];
	_ =	sdelay $0x4  }
0xe5: {  	v3 =	vmul.f32 v3, v62;
	_ =	sdelay $0x1  }
0xe6: {  	[tilespmem:s7+$0x150] =	vst v3;
	v3 =	vld [tilespmem:s7+$0x160];
	_ =	sdelay $0x4  }
0xe7: {  	v3 =	vmul.f32 v3, v62;
	_ =	sdelay $0x1  }
0xe8: {  	[tilespmem:s7+$0x160] =	vst v3;
	v3 =	vld [tilespmem:s7+$0x170];
	_ =	sdelay $0x4  }
0xe9: {  	v3 =	vmul.f32 v3, v62;
	_ =	sdelay $0x1  }
0xea: {  	[tilespmem:s7+$0x170] =	vst v3;
	v3 =	vld [tilespmem:s7+$0x180];
	_ =	sdelay $0x2  }
0xeb: {  	v63 =	vbroadcast v2, $0xE;
	_ =	sdelay $0x1  }
0xec: {  	v3 =	vmul.f32 v3, v63;
	_ =	sdelay $0x1  }
0xed: {  	[tilespmem:s7+$0x180] =	vst v3;
	v3 =	vld [tilespmem:s7+$0x190];
	_ =	sdelay $0x4  }
0xee: {  	v3 =	vmul.f32 v3, v63;
	_ =	sdelay $0x1  }
0xef: {  	[tilespmem:s7+$0x190] =	vst v3;
	v3 =	vld [tilespmem:s7+$0x1A0];
	_ =	sdelay $0x4  }
0xf0: {  	v3 =	vmul.f32 v3, v63;
	_ =	sdelay $0x1  }
0xf1: {  	[tilespmem:s7+$0x1A0] =	vst v3;
	v3 =	vld [tilespmem:s7+$0x1B0];
	_ =	sdelay $0x4  }
0xf2: {  	v3 =	vmul.f32 v3, v63;
	_ =	sdelay $0x1  }
0xf3: {  	[tilespmem:s7+$0x1B0] =	vst v3;
	v3 =	vld [tilespmem:s7+$0x1C0];
	_ =	sdelay $0x2  }
0xf4: {  	v2 =	vbroadcast v2, $0xF;
	_ =	sdelay $0x1  }
0xf5: {  	v3 =	vmul.f32 v3, v2;
	_ =	sdelay $0x1  }
0xf6: {  	[tilespmem:s7+$0x1C0] =	vst v3;
	v3 =	vld [tilespmem:s7+$0x1D0];
	_ =	sdelay $0x4  }
0xf7: {  	v3 =	vmul.f32 v3, v2;
	_ =	sdelay $0x1  }
0xf8: {  	[tilespmem:s7+$0x1D0] =	vst v3;
	v3 =	vld [tilespmem:s7+$0x1E0];
	_ =	sdelay $0x4  }
0xf9: {  	v3 =	vmul.f32 v3, v2;
	_ =	sdelay $0x1  }
0xfa: {  	[tilespmem:s7+$0x1E0] =	vst v3;
	v3 =	vld [tilespmem:s7+$0x1F0];
	_ =	sdelay $0x1  }
0xfb: {  	p4 =	sne.s32 s10, $0x1C0  }
.Ltmp3:
0xfc: {  	_ = 	snop;
	(pc) =	sbr.rel @p4 .LBB2_5-.Ltmp3, $3  }
0xfd: {  	_ = 	snop  }
0xfe: {  	v2 =	vmul.f32 v3, v2;
	_ =	sdelay $0x1  }
0xff: {  	s10 =	sadd.s32 $0x40, s10;
	[tilespmem:s7+$0x1F0] =	vst v2;
	s7 =	sadd.s32 $0x400, s7  }
0x100: {  	s7 =	sshrl.u32 s9, $0x2  }
0x101: {  	s10 =	sadd.s32 $0x2800, s7  }
0x102: {  	v1 =	vmov s6;
	[spmem:s3] =	stream.indirect.scatter.add.f32 [tilespmem:s23], [sflag:$0x3], $0x40, s10, s26, $0xb8;
	[tilespmem:$0x1F400] =	vst v63  }
0x103: {  	_ =	swait.ge [sflag:s30], $0x2000  }
0x104: {  	s9 =	sor.u32 $0x200, s9;
	[sflag:s30] =	ssyncset.done $0x0  }
0x105: {  	s12 =	simm.s32 $0x9A00;
	s10 =	simm.s32 $0x0;
	[sflag:s30] =	ssyncadd.s32 $0xFFFFE000  }
.LBB2_7:
0x106: {  	s13 =	sshra.s32 s10, $0x2  }
0x107: {  	v2 =	vld.idx.msk [tilespmem:v1+s13+$0x0 ss:$0x1], $0xffff;
	_ =	sdelay $0x1  }
0x108: {  	v3 =	vld [tilespmem:s12+$0xFFFFFE00];
	_ =	sdelay $0x2  }
0x109: {  	v4 =	vbroadcast v2, $0x0;
	_ =	sdelay $0x1  }
0x10a: {  	v3 =	vmul.f32 v4, v3;
	_ =	sdelay $0x1  }
0x10b: {  	[tilespmem:s12+$0xFFFFFE00] =	vst v3;
	v3 =	vld [tilespmem:s12+$0xFFFFFE10];
	_ =	sdelay $0x4  }
0x10c: {  	v3 =	vmul.f32 v3, v4;
	_ =	sdelay $0x1  }
0x10d: {  	[tilespmem:s12+$0xFFFFFE10] =	vst v3;
	v3 =	vld [tilespmem:s12+$0xFFFFFE20];
	_ =	sdelay $0x4  }
0x10e: {  	v3 =	vmul.f32 v3, v4;
	_ =	sdelay $0x1  }
0x10f: {  	[tilespmem:s12+$0xFFFFFE20] =	vst v3;
	v3 =	vld [tilespmem:s12+$0xFFFFFE30];
	_ =	sdelay $0x4  }
0x110: {  	v3 =	vmul.f32 v3, v4;
	_ =	sdelay $0x1  }
0x111: {  	[tilespmem:s12+$0xFFFFFE30] =	vst v3;
	v3 =	vld [tilespmem:s12+$0xFFFFFE40];
	_ =	sdelay $0x2  }
0x112: {  	v50 =	vbroadcast v2, $0x1;
	_ =	sdelay $0x1  }
0x113: {  	v3 =	vmul.f32 v3, v50;
	_ =	sdelay $0x1  }
0x114: {  	[tilespmem:s12+$0xFFFFFE40] =	vst v3;
	v3 =	vld [tilespmem:s12+$0xFFFFFE50];
	_ =	sdelay $0x4  }
0x115: {  	v3 =	vmul.f32 v3, v50;
	_ =	sdelay $0x1  }
0x116: {  	[tilespmem:s12+$0xFFFFFE50] =	vst v3;
	v3 =	vld [tilespmem:s12+$0xFFFFFE60];
	_ =	sdelay $0x4  }
0x117: {  	v3 =	vmul.f32 v3, v50;
	_ =	sdelay $0x1  }
0x118: {  	[tilespmem:s12+$0xFFFFFE60] =	vst v3;
	v3 =	vld [tilespmem:s12+$0xFFFFFE70];
	_ =	sdelay $0x4  }
0x119: {  	v3 =	vmul.f32 v3, v50;
	_ =	sdelay $0x1  }
0x11a: {  	[tilespmem:s12+$0xFFFFFE70] =	vst v3;
	v3 =	vld [tilespmem:s12+$0xFFFFFE80];
	_ =	sdelay $0x2  }
0x11b: {  	v51 =	vbroadcast v2, $0x2;
	_ =	sdelay $0x1  }
0x11c: {  	v3 =	vmul.f32 v3, v51;
	_ =	sdelay $0x1  }
0x11d: {  	[tilespmem:s12+$0xFFFFFE80] =	vst v3;
	v3 =	vld [tilespmem:s12+$0xFFFFFE90];
	_ =	sdelay $0x4  }
0x11e: {  	v3 =	vmul.f32 v3, v51;
	_ =	sdelay $0x1  }
0x11f: {  	[tilespmem:s12+$0xFFFFFE90] =	vst v3;
	v3 =	vld [tilespmem:s12+$0xFFFFFEA0];
	_ =	sdelay $0x4  }
0x120: {  	v3 =	vmul.f32 v3, v51;
	_ =	sdelay $0x1  }
0x121: {  	[tilespmem:s12+$0xFFFFFEA0] =	vst v3;
	v3 =	vld [tilespmem:s12+$0xFFFFFEB0];
	_ =	sdelay $0x4  }
0x122: {  	v3 =	vmul.f32 v3, v51;
	_ =	sdelay $0x1  }
0x123: {  	[tilespmem:s12+$0xFFFFFEB0] =	vst v3;
	v3 =	vld [tilespmem:s12+$0xFFFFFEC0];
	_ =	sdelay $0x2  }
0x124: {  	v52 =	vbroadcast v2, $0x3;
	_ =	sdelay $0x1  }
0x125: {  	v3 =	vmul.f32 v3, v52;
	_ =	sdelay $0x1  }
0x126: {  	[tilespmem:s12+$0xFFFFFEC0] =	vst v3;
	v3 =	vld [tilespmem:s12+$0xFFFFFED0];
	_ =	sdelay $0x4  }
0x127: {  	v3 =	vmul.f32 v3, v52;
	_ =	sdelay $0x1  }
0x128: {  	[tilespmem:s12+$0xFFFFFED0] =	vst v3;
	v3 =	vld [tilespmem:s12+$0xFFFFFEE0];
	_ =	sdelay $0x4  }
0x129: {  	v3 =	vmul.f32 v3, v52;
	_ =	sdelay $0x1  }
0x12a: {  	[tilespmem:s12+$0xFFFFFEE0] =	vst v3;
	v3 =	vld [tilespmem:s12+$0xFFFFFEF0];
	_ =	sdelay $0x4  }
0x12b: {  	v3 =	vmul.f32 v3, v52;
	_ =	sdelay $0x1  }
0x12c: {  	[tilespmem:s12+$0xFFFFFEF0] =	vst v3;
	v3 =	vld [tilespmem:s12+$0xFFFFFF00];
	_ =	sdelay $0x2  }
0x12d: {  	v53 =	vbroadcast v2, $0x4;
	_ =	sdelay $0x1  }
0x12e: {  	v3 =	vmul.f32 v3, v53;
	_ =	sdelay $0x1  }
0x12f: {  	[tilespmem:s12+$0xFFFFFF00] =	vst v3;
	v3 =	vld [tilespmem:s12+$0xFFFFFF10];
	_ =	sdelay $0x4  }
0x130: {  	v3 =	vmul.f32 v3, v53;
	_ =	sdelay $0x1  }
0x131: {  	[tilespmem:s12+$0xFFFFFF10] =	vst v3;
	v3 =	vld [tilespmem:s12+$0xFFFFFF20];
	_ =	sdelay $0x4  }
0x132: {  	v3 =	vmul.f32 v3, v53;
	_ =	sdelay $0x1  }
0x133: {  	[tilespmem:s12+$0xFFFFFF20] =	vst v3;
	v3 =	vld [tilespmem:s12+$0xFFFFFF30];
	_ =	sdelay $0x4  }
0x134: {  	v3 =	vmul.f32 v3, v53;
	_ =	sdelay $0x1  }
0x135: {  	[tilespmem:s12+$0xFFFFFF30] =	vst v3;
	v3 =	vld [tilespmem:s12+$0xFFFFFF40];
	_ =	sdelay $0x2  }
0x136: {  	v54 =	vbroadcast v2, $0x5;
	_ =	sdelay $0x1  }
0x137: {  	v3 =	vmul.f32 v3, v54;
	_ =	sdelay $0x1  }
0x138: {  	[tilespmem:s12+$0xFFFFFF40] =	vst v3;
	v3 =	vld [tilespmem:s12+$0xFFFFFF50];
	_ =	sdelay $0x4  }
0x139: {  	v3 =	vmul.f32 v3, v54;
	_ =	sdelay $0x1  }
0x13a: {  	[tilespmem:s12+$0xFFFFFF50] =	vst v3;
	v3 =	vld [tilespmem:s12+$0xFFFFFF60];
	_ =	sdelay $0x4  }
0x13b: {  	v3 =	vmul.f32 v3, v54;
	_ =	sdelay $0x1  }
0x13c: {  	[tilespmem:s12+$0xFFFFFF60] =	vst v3;
	v3 =	vld [tilespmem:s12+$0xFFFFFF70];
	_ =	sdelay $0x4  }
0x13d: {  	v3 =	vmul.f32 v3, v54;
	_ =	sdelay $0x1  }
0x13e: {  	[tilespmem:s12+$0xFFFFFF70] =	vst v3;
	v3 =	vld [tilespmem:s12+$0xFFFFFF80];
	_ =	sdelay $0x2  }
0x13f: {  	v55 =	vbroadcast v2, $0x6;
	_ =	sdelay $0x1  }
0x140: {  	v3 =	vmul.f32 v3, v55;
	_ =	sdelay $0x1  }
0x141: {  	[tilespmem:s12+$0xFFFFFF80] =	vst v3;
	v3 =	vld [tilespmem:s12+$0xFFFFFF90];
	_ =	sdelay $0x4  }
0x142: {  	v3 =	vmul.f32 v3, v55;
	_ =	sdelay $0x1  }
0x143: {  	[tilespmem:s12+$0xFFFFFF90] =	vst v3;
	v3 =	vld [tilespmem:s12+$0xFFFFFFA0];
	_ =	sdelay $0x4  }
0x144: {  	v3 =	vmul.f32 v3, v55;
	_ =	sdelay $0x1  }
0x145: {  	[tilespmem:s12+$0xFFFFFFA0] =	vst v3;
	v3 =	vld [tilespmem:s12+$0xFFFFFFB0];
	_ =	sdelay $0x4  }
0x146: {  	v3 =	vmul.f32 v3, v55;
	_ =	sdelay $0x1  }
0x147: {  	[tilespmem:s12+$0xFFFFFFB0] =	vst v3;
	v3 =	vld [tilespmem:s12+$0xFFFFFFC0];
	_ =	sdelay $0x2  }
0x148: {  	v56 =	vbroadcast v2, $0x7;
	_ =	sdelay $0x1  }
0x149: {  	v3 =	vmul.f32 v3, v56;
	_ =	sdelay $0x1  }
0x14a: {  	[tilespmem:s12+$0xFFFFFFC0] =	vst v3;
	v3 =	vld [tilespmem:s12+$0xFFFFFFD0];
	_ =	sdelay $0x4  }
0x14b: {  	v3 =	vmul.f32 v3, v56;
	_ =	sdelay $0x1  }
0x14c: {  	[tilespmem:s12+$0xFFFFFFD0] =	vst v3;
	v3 =	vld [tilespmem:s12+$0xFFFFFFE0];
	_ =	sdelay $0x4  }
0x14d: {  	v3 =	vmul.f32 v3, v56;
	_ =	sdelay $0x1  }
0x14e: {  	[tilespmem:s12+$0xFFFFFFE0] =	vst v3;
	v3 =	vld [tilespmem:s12+$0xFFFFFFF0];
	_ =	sdelay $0x4  }
0x14f: {  	v3 =	vmul.f32 v3, v56;
	_ =	sdelay $0x1  }
0x150: {  	[tilespmem:s12+$0xFFFFFFF0] =	vst v3;
	v3 =	vld [tilespmem:s12+$0x0];
	_ =	sdelay $0x2  }
0x151: {  	v57 =	vbroadcast v2, $0x8;
	_ =	sdelay $0x1  }
0x152: {  	v3 =	vmul.f32 v3, v57;
	_ =	sdelay $0x1  }
0x153: {  	[tilespmem:s12+$0x0] =	vst v3;
	v3 =	vld [tilespmem:s12+$0x10];
	_ =	sdelay $0x4  }
0x154: {  	v3 =	vmul.f32 v3, v57;
	_ =	sdelay $0x1  }
0x155: {  	[tilespmem:s12+$0x10] =	vst v3;
	v3 =	vld [tilespmem:s12+$0x20];
	_ =	sdelay $0x4  }
0x156: {  	v3 =	vmul.f32 v3, v57;
	_ =	sdelay $0x1  }
0x157: {  	[tilespmem:s12+$0x20] =	vst v3;
	v3 =	vld [tilespmem:s12+$0x30];
	_ =	sdelay $0x4  }
0x158: {  	v3 =	vmul.f32 v3, v57;
	_ =	sdelay $0x1  }
0x159: {  	[tilespmem:s12+$0x30] =	vst v3;
	v3 =	vld [tilespmem:s12+$0x40];
	_ =	sdelay $0x2  }
0x15a: {  	v58 =	vbroadcast v2, $0x9;
	_ =	sdelay $0x1  }
0x15b: {  	v3 =	vmul.f32 v3, v58;
	_ =	sdelay $0x1  }
0x15c: {  	[tilespmem:s12+$0x40] =	vst v3;
	v3 =	vld [tilespmem:s12+$0x50];
	_ =	sdelay $0x4  }
0x15d: {  	v3 =	vmul.f32 v3, v58;
	_ =	sdelay $0x1  }
0x15e: {  	[tilespmem:s12+$0x50] =	vst v3;
	v3 =	vld [tilespmem:s12+$0x60];
	_ =	sdelay $0x4  }
0x15f: {  	v3 =	vmul.f32 v3, v58;
	_ =	sdelay $0x1  }
0x160: {  	[tilespmem:s12+$0x60] =	vst v3;
	v3 =	vld [tilespmem:s12+$0x70];
	_ =	sdelay $0x4  }
0x161: {  	v3 =	vmul.f32 v3, v58;
	_ =	sdelay $0x1  }
0x162: {  	[tilespmem:s12+$0x70] =	vst v3;
	v3 =	vld [tilespmem:s12+$0x80];
	_ =	sdelay $0x2  }
0x163: {  	v59 =	vbroadcast v2, $0xA;
	_ =	sdelay $0x1  }
0x164: {  	v3 =	vmul.f32 v3, v59;
	_ =	sdelay $0x1  }
0x165: {  	[tilespmem:s12+$0x80] =	vst v3;
	v3 =	vld [tilespmem:s12+$0x90];
	_ =	sdelay $0x4  }
0x166: {  	v3 =	vmul.f32 v3, v59;
	_ =	sdelay $0x1  }
0x167: {  	[tilespmem:s12+$0x90] =	vst v3;
	v3 =	vld [tilespmem:s12+$0xA0];
	_ =	sdelay $0x4  }
0x168: {  	v3 =	vmul.f32 v3, v59;
	_ =	sdelay $0x1  }
0x169: {  	[tilespmem:s12+$0xA0] =	vst v3;
	v3 =	vld [tilespmem:s12+$0xB0];
	_ =	sdelay $0x4  }
0x16a: {  	v3 =	vmul.f32 v3, v59;
	_ =	sdelay $0x1  }
0x16b: {  	[tilespmem:s12+$0xB0] =	vst v3;
	v3 =	vld [tilespmem:s12+$0xC0];
	_ =	sdelay $0x2  }
0x16c: {  	v60 =	vbroadcast v2, $0xB;
	_ =	sdelay $0x1  }
0x16d: {  	v3 =	vmul.f32 v3, v60;
	_ =	sdelay $0x1  }
0x16e: {  	[tilespmem:s12+$0xC0] =	vst v3;
	v3 =	vld [tilespmem:s12+$0xD0];
	_ =	sdelay $0x4  }
0x16f: {  	v3 =	vmul.f32 v3, v60;
	_ =	sdelay $0x1  }
0x170: {  	[tilespmem:s12+$0xD0] =	vst v3;
	v3 =	vld [tilespmem:s12+$0xE0];
	_ =	sdelay $0x4  }
0x171: {  	v3 =	vmul.f32 v3, v60;
	_ =	sdelay $0x1  }
0x172: {  	[tilespmem:s12+$0xE0] =	vst v3;
	v3 =	vld [tilespmem:s12+$0xF0];
	_ =	sdelay $0x4  }
0x173: {  	v3 =	vmul.f32 v3, v60;
	_ =	sdelay $0x1  }
0x174: {  	[tilespmem:s12+$0xF0] =	vst v3;
	v3 =	vld [tilespmem:s12+$0x100];
	_ =	sdelay $0x2  }
0x175: {  	v61 =	vbroadcast v2, $0xC;
	_ =	sdelay $0x1  }
0x176: {  	v3 =	vmul.f32 v3, v61;
	_ =	sdelay $0x1  }
0x177: {  	[tilespmem:s12+$0x100] =	vst v3;
	v3 =	vld [tilespmem:s12+$0x110];
	_ =	sdelay $0x4  }
0x178: {  	v3 =	vmul.f32 v3, v61;
	_ =	sdelay $0x1  }
0x179: {  	[tilespmem:s12+$0x110] =	vst v3;
	v3 =	vld [tilespmem:s12+$0x120];
	_ =	sdelay $0x4  }
0x17a: {  	v3 =	vmul.f32 v3, v61;
	_ =	sdelay $0x1  }
0x17b: {  	[tilespmem:s12+$0x120] =	vst v3;
	v3 =	vld [tilespmem:s12+$0x130];
	_ =	sdelay $0x4  }
0x17c: {  	v3 =	vmul.f32 v3, v61;
	_ =	sdelay $0x1  }
0x17d: {  	[tilespmem:s12+$0x130] =	vst v3;
	v3 =	vld [tilespmem:s12+$0x140];
	_ =	sdelay $0x2  }
0x17e: {  	v62 =	vbroadcast v2, $0xD;
	_ =	sdelay $0x1  }
0x17f: {  	v3 =	vmul.f32 v3, v62;
	_ =	sdelay $0x1  }
0x180: {  	[tilespmem:s12+$0x140] =	vst v3;
	v3 =	vld [tilespmem:s12+$0x150];
	_ =	sdelay $0x4  }
0x181: {  	v3 =	vmul.f32 v3, v62;
	_ =	sdelay $0x1  }
0x182: {  	[tilespmem:s12+$0x150] =	vst v3;
	v3 =	vld [tilespmem:s12+$0x160];
	_ =	sdelay $0x4  }
0x183: {  	v3 =	vmul.f32 v3, v62;
	_ =	sdelay $0x1  }
0x184: {  	[tilespmem:s12+$0x160] =	vst v3;
	v3 =	vld [tilespmem:s12+$0x170];
	_ =	sdelay $0x4  }
0x185: {  	v3 =	vmul.f32 v3, v62;
	_ =	sdelay $0x1  }
0x186: {  	[tilespmem:s12+$0x170] =	vst v3;
	v3 =	vld [tilespmem:s12+$0x180];
	_ =	sdelay $0x2  }
0x187: {  	v63 =	vbroadcast v2, $0xE;
	_ =	sdelay $0x1  }
0x188: {  	v3 =	vmul.f32 v3, v63;
	_ =	sdelay $0x1  }
0x189: {  	[tilespmem:s12+$0x180] =	vst v3;
	v3 =	vld [tilespmem:s12+$0x190];
	_ =	sdelay $0x4  }
0x18a: {  	v3 =	vmul.f32 v3, v63;
	_ =	sdelay $0x1  }
0x18b: {  	[tilespmem:s12+$0x190] =	vst v3;
	v3 =	vld [tilespmem:s12+$0x1A0];
	_ =	sdelay $0x4  }
0x18c: {  	v3 =	vmul.f32 v3, v63;
	_ =	sdelay $0x1  }
0x18d: {  	[tilespmem:s12+$0x1A0] =	vst v3;
	v3 =	vld [tilespmem:s12+$0x1B0];
	_ =	sdelay $0x4  }
0x18e: {  	v3 =	vmul.f32 v3, v63;
	_ =	sdelay $0x1  }
0x18f: {  	[tilespmem:s12+$0x1B0] =	vst v3;
	v3 =	vld [tilespmem:s12+$0x1C0];
	_ =	sdelay $0x2  }
0x190: {  	v2 =	vbroadcast v2, $0xF;
	_ =	sdelay $0x1  }
0x191: {  	v3 =	vmul.f32 v3, v2;
	_ =	sdelay $0x1  }
0x192: {  	[tilespmem:s12+$0x1C0] =	vst v3;
	v3 =	vld [tilespmem:s12+$0x1D0];
	_ =	sdelay $0x4  }
0x193: {  	v3 =	vmul.f32 v3, v2;
	_ =	sdelay $0x1  }
0x194: {  	[tilespmem:s12+$0x1D0] =	vst v3;
	v3 =	vld [tilespmem:s12+$0x1E0];
	_ =	sdelay $0x4  }
0x195: {  	v3 =	vmul.f32 v3, v2;
	_ =	sdelay $0x1  }
0x196: {  	[tilespmem:s12+$0x1E0] =	vst v3;
	v3 =	vld [tilespmem:s12+$0x1F0];
	_ =	sdelay $0x1  }
0x197: {  	p4 =	sne.s32 s10, $0x1C0  }
.Ltmp4:
0x198: {  	_ = 	snop;
	(pc) =	sbr.rel @p4 .LBB2_7-.Ltmp4, $3  }
0x199: {  	_ = 	snop  }
0x19a: {  	v2 =	vmul.f32 v3, v2;
	_ =	sdelay $0x1  }
0x19b: {  	s10 =	sadd.s32 $0x40, s10;
	[tilespmem:s12+$0x1F0] =	vst v2;
	s12 =	sadd.s32 $0x400, s12  }
0x19c: {  	s9 =	sshrl.u32 s9, $0x2;
	p4 =	seq.s32 s22, $0x27  }
.Ltmp5:
0x19d: {  	s9 =	sadd.s32 $0x2800, s9;
	(pc) =	sbr.rel @p4 .LBB2_10-.Ltmp5, $4  }
0x19e: {  	[spmem:s3] =	stream.indirect.scatter.add.f32 [tilespmem:s28], [sflag:$0x4], $0x40, s9, s26, $0xb8;
	[tilespmem:$0x1F400] =	vst v63  }
0x19f: {  	_ =	swait.ge [sflag:s31], $0x2000  }
0x1a0: {  	[sflag:s31] =	ssyncset.done $0x0  }
0x1a1: {  	[sflag:s31] =	ssyncadd.s32 $0xFFFFE000  }
0x1a2: {  	s9 =	sadd.s32 $0x100, s7  }
0x1a3: {  	[tilespmem:s23], [sflag:$0x1] =	stream.indirect.gather [spmem:s2], $0x40, s9, s26, $0xb8;
	[tilespmem:$0x1F400] =	vst v63  }
.Ltmp6:
0x1a4: {  	_ = 	snop;
	(pc) =	sbr.rel .LBB2_4-.Ltmp6, $4  }
0x1a5: {  	_ =	swait.ge [sflag:s0], $0x2000  }
0x1a6: {  	s13 =	sadd.s32 $0x180, s7;
	s22 =	sadd.s32 $0x1, s22;
	[sflag:s0] =	ssyncset.done $0x0  }
0x1a7: {  	s5 =	sadd.s32 $0x100, s5;
	s6 =	sadd.s32 $0x100, s6;
	[sflag:s0] =	ssyncadd.s32 $0xFFFFE000  }
0x1a8: {  	[tilespmem:s28], [sflag:$0x2] =	stream.indirect.gather [spmem:s2], $0x40, s13, s26, $0xb8;
	[tilespmem:$0x1F400] =	vst v63  }
.LBB2_11:
0x1a9: {  	_ =	sfence.sel $0x180000  }
0x1aa: {  	[bflag:$0x0] =	sbarrier.arrive $0xFFFF  }
0x1ab: {  	_ =	strace $0x90000047  }
0x1ac: {  	[bflag:$0x2] =	sbarrier.arrive $0xFFFF  }
0x1ad: {  	p0 =	sne.s32 s1, $0x0;
	s0 =	rddreg [dreg:$0x3]  }
0x1ae: {  	s0 =	sadd.s32 @!p0 $0x100000, s0  }
0x1af: {  	[sflag:s0] =	ssyncadd.tile.s32 @!p0 $0x1;
	_ =	shalt  }
.Lfunc_end2:
_tile_overlayer_lowered:
.L_overlay_start_2:
0x1b0: {  	(tag) =	ssettag $0x2  }
0x1b1: {  	s0 =	rddreg [dreg:$0x0];
	s2 =	stileid.u32  }
0x1b2: {  	s1 =	rddreg [dreg:$0x1];
	p0 =	sne.s32 s2, $0x0  }
0x1b3: {  	s3 =	rddreg [dreg:$0x2];
	[bflag:$0x3] =	sbarrier.arrive $0xFFFF;
	s2 =	simm.s32 @!p0 $0x1C06  }
0x1b4: {  	[timem:s3], [sflag:s2] =	dma.local @!p0 [hbm:s0], s1  }
0x1b5: {  	s0 =	simm.s32 @!p0 $0x6  }
0x1b6: {  	_ =	swait.ge @!p0 [sflag:s0], s1  }
0x1b7: {  	s1 =	ssub.s32 @!p0 $0x0, s1;
	[sflag:s0] =	ssyncset.done @!p0 $0x0  }
0x1b8: {  	[sflag:s0] =	ssyncadd.s32 @!p0 s1  }
0x1b9: {  	[bflag:$0x3] =	sbarrier.arrive $0xFFFF  }
0x1ba: {  	_ =	shalt  }

</sc_bundles>
